<compile_context>
chip_gen: v7x
topology: tpu7x:2x2x1
jax: 0.10.2.dev20260603
libtpu: 0.0.44.dev20260713+nightly
codegen_flags: <defaults>
</compile_context>

<pallas_src>
import functools

import jax
import jax.numpy as jnp
from jax import lax
from jax.experimental import pallas as pl
from jax.experimental.pallas import tpu as pltpu
from jax.experimental.pallas import tpu_sc as plsc

D = 128
NC = 2
NS = 16
GROUP = 128
NITER = 3


def _make_sc_scatter(n_nodes, gpw):
    n_pad = ((n_nodes + 1 + NS * 8 - 1) // (NS * 8)) * (NS * 8)
    rpt = n_pad // NS
    gph = gpw // 2
    mesh = plsc.VectorSubcoreMesh(core_axis_name="c", subcore_axis_name="s")

    @functools.partial(
        pl.kernel,
        mesh=mesh,
        out_type=jax.ShapeDtypeStruct((NC, n_pad, D), jnp.float32),
        scratch_types=[
            pltpu.VMEM((gph, GROUP), jnp.int32),
            pltpu.VMEM((gph, GROUP), jnp.int32),
            pltpu.VMEM((GROUP, D), jnp.float32),
            pltpu.VMEM((GROUP, D), jnp.float32),
            pltpu.VMEM_SHARED((n_pad, D), jnp.float32),
            pltpu.SemaphoreType.DMA,
            pltpu.SemaphoreType.DMA,
            pltpu.SemaphoreType.DMA,
            pltpu.SemaphoreType.DMA,
        ],
    )
    def sc_scatter(h_hbm, src_hbm, dst_hbm, out_hbm,
                   src_v, dst_v, rows0, rows1, agg_sp, sem0, sem1, ssem0, ssem1):
        cid = lax.axis_index("c")
        sid = lax.axis_index("s")
        wid = cid * NS + sid

        def zrow(i, carry):
            for j in range(D // 16):
                rows0[i, pl.ds(j * 16, 16)] = jnp.zeros((16,), jnp.float32)
            return carry
        lax.fori_loop(0, GROUP, zrow, 0)
        for k in range(0, rpt, GROUP):
            c = min(GROUP, rpt - k)
            pltpu.sync_copy(rows0.at[pl.ds(0, c)],
                            agg_sp.at[pl.ds(sid * rpt + k, c)])
        plsc.subcore_barrier()

        def body(p, carry):
            g0 = 2 * p
            g1 = g0 + 1
            pltpu.async_copy(h_hbm.at[src_v.at[g1]], rows1, sem1)
            pltpu.make_async_copy(h_hbm.at[src_v.at[g0]], rows0, sem0).wait()
            pltpu.async_copy(rows0, agg_sp.at[dst_v.at[g0]], ssem0, add=True)
            pltpu.make_async_copy(h_hbm.at[src_v.at[g1]], rows1, sem1).wait()
            pltpu.async_copy(rows1, agg_sp.at[dst_v.at[g1]], ssem1, add=True)
            pltpu.make_async_copy(rows0, agg_sp.at[dst_v.at[g0]], ssem0).wait()

            @pl.when(g0 + 2 < gph)
            def _():
                pltpu.async_copy(h_hbm.at[src_v.at[g0 + 2]], rows0, sem0)

            pltpu.make_async_copy(rows1, agg_sp.at[dst_v.at[g1]], ssem1).wait()
            return carry

        for half in range(2):
            pltpu.sync_copy(src_hbm.at[wid, half], src_v)
            pltpu.sync_copy(dst_hbm.at[wid, half], dst_v)
            pltpu.async_copy(h_hbm.at[src_v.at[0]], rows0, sem0)
            lax.fori_loop(0, gph // 2, body, 0)

        plsc.subcore_barrier()
        pltpu.sync_copy(agg_sp.at[pl.ds(sid * rpt, rpt)],
                        out_hbm.at[cid, pl.ds(sid * rpt, rpt)])

    return sc_scatter, n_pad


def _init_mlp_body(x_ref, w0, b0, w1, b1, w2, b2, h_ref, gs_ref):
    t = jnp.maximum(jnp.dot(x_ref[...], w0[...],
                            preferred_element_type=jnp.float32) + b0[...], 0.0)
    t = jnp.maximum(jnp.dot(t, w1[...],
                            preferred_element_type=jnp.float32) + b1[...], 0.0)
    h = jnp.dot(t, w2[...], preferred_element_type=jnp.float32) + b2[...]
    h_ref[...] = h

    @pl.when(pl.program_id(0) == 0)
    def _():
        gs_ref[...] = jnp.zeros_like(gs_ref)
    s = jnp.sum(h, axis=0, keepdims=True)
    gs_ref[...] += jnp.broadcast_to(s, gs_ref.shape)


def _node_mlp_body(parts_ref, h_ref, gsum_ref, w0, b0, w1, b1, w2, b2,
                   hout_ref, gs_ref):
    gs = gsum_ref[0:1, :]
    g = gs / (jnp.sqrt(jnp.sum(gs * gs)) + 1e-8)
    c = jnp.dot(g, w0[2 * D:3 * D, :],
                preferred_element_type=jnp.float32) + b0[...]
    agg = parts_ref[0] + parts_ref[1]
    t = jnp.maximum(
        jnp.dot(agg, w0[0:D, :], preferred_element_type=jnp.float32)
        + jnp.dot(h_ref[...], w0[D:2 * D, :], preferred_element_type=jnp.float32)
        + c, 0.0)
    t = jnp.maximum(jnp.dot(t, w1[...],
                            preferred_element_type=jnp.float32) + b1[...], 0.0)
    o = jnp.dot(t, w2[...], preferred_element_type=jnp.float32) + b2[...]
    o = o / (jnp.sqrt(jnp.sum(o * o, axis=1, keepdims=True)) + 1e-8)
    hout_ref[...] = o

    @pl.when(pl.program_id(0) == 0)
    def _():
        gs_ref[...] = jnp.zeros_like(gs_ref)
    s = jnp.sum(o, axis=0, keepdims=True)
    gs_ref[...] += jnp.broadcast_to(s, gs_ref.shape)


def _full(shape):
    return pl.BlockSpec(shape, lambda i: (0,) * len(shape))


def _tc_init(x, w0, b0, w1, b1, w2, b2, bn):
    n = x.shape[0]
    grid = (n // bn,)
    return pl.pallas_call(
        _init_mlp_body,
        grid=grid,
        in_specs=[
            pl.BlockSpec((bn, D), lambda i: (i, 0)),
            _full((D, D)), _full((1, D)),
            _full((D, D)), _full((1, D)),
            _full((D, D)), _full((1, D)),
        ],
        out_specs=[
            pl.BlockSpec((bn, D), lambda i: (i, 0)),
            pl.BlockSpec((8, D), lambda i: (0, 0)),
        ],
        out_shape=[
            jax.ShapeDtypeStruct((n, D), jnp.float32),
            jax.ShapeDtypeStruct((8, D), jnp.float32),
        ],
    )(x, w0, b0, w1, b1, w2, b2)


def _tc_node(parts, h, gsum, w0, b0, w1, b1, w2, b2, bn):
    n = h.shape[0]
    grid = (n // bn,)
    return pl.pallas_call(
        _node_mlp_body,
        grid=grid,
        in_specs=[
            pl.BlockSpec((NC, bn, D), lambda i: (0, i, 0)),
            pl.BlockSpec((bn, D), lambda i: (i, 0)),
            _full((8, D)),
            _full((3 * D, D)), _full((1, D)),
            _full((D, D)), _full((1, D)),
            _full((D, D)), _full((1, D)),
        ],
        out_specs=[
            pl.BlockSpec((bn, D), lambda i: (i, 0)),
            pl.BlockSpec((8, D), lambda i: (0, 0)),
        ],
        out_shape=[
            jax.ShapeDtypeStruct((n, D), jnp.float32),
            jax.ShapeDtypeStruct((8, D), jnp.float32),
        ],
    )(parts, h, gsum, w0, b0, w1, b1, w2, b2)


def kernel(x, edge_index, init_W0, init_b0, init_W1, init_b1, init_W2,
           init_b2, node_W0, node_b0, node_W1, node_b1, node_W2, node_b2):
    n = x.shape[0]
    e = edge_index.shape[1]
    bn = 400

    gpw = -(-e // (NC * NS * GROUP))
    gpw += (-gpw) % 4
    e_pad = NC * NS * gpw * GROUP
    src = edge_index[0]
    dst = edge_index[1]
    if e_pad > e:
        pad = e_pad - e
        n_pad = ((n + 1 + NS * 8 - 1) // (NS * 8)) * (NS * 8)
        ar = jnp.arange(pad, dtype=jnp.int32)
        src = jnp.concatenate([src, ar % jnp.int32(n)])
        dst = jnp.concatenate([dst, jnp.int32(n) + ar % jnp.int32(n_pad - n)])
    src3 = src.reshape(NC * NS, 2, gpw // 2, GROUP)
    dst3 = dst.reshape(NC * NS, 2, gpw // 2, GROUP)
    src3, dst3 = lax.optimization_barrier((src3, dst3))

    sc_scatter, _ = _make_sc_scatter(n, gpw)

    b0i = init_b0.reshape(1, D)
    b1i = init_b1.reshape(1, D)
    b2i = init_b2.reshape(1, D)

    h, gsum = _tc_init(x, init_W0, b0i, init_W1, b1i, init_W2, b2i, bn)
    for i in range(NITER):
        parts = sc_scatter(h, src3, dst3)
        h, gsum = _tc_node(parts, h, gsum,
                           node_W0[i], node_b0[i].reshape(1, D),
                           node_W1[i], node_b1[i].reshape(1, D),
                           node_W2[i], node_b2[i].reshape(1, D), bn)
    return h

# --- scband reference (transcript-rebuilt; emitter-appended) ---
"""Pipeline reference for scband-mpnn-29884382446410 (READ-ONLY COPY).

The authoritative reference and input builder live on the scoring server;
editing this copy changes nothing except your own understanding.
"""

import jax, jax.numpy as jnp
import numpy as np

N = 10000
E = 320000
D = 128  # input_size == hidden_size
NITER = 3


def _mlp3(h, W0, b0, W1, b1, W2, b2):
    # MLP(input_size, output_size, hidden_layers=2): 2 hidden relu layers + linear output
    h = jax.nn.relu(h @ W0 + b0)
    h = jax.nn.relu(h @ W1 + b1)
    return h @ W2 + b2


def setup_inputs(seed: int = 0) -> dict:
    key = jax.random.key(seed)
    ks = jax.random.split(key, 16)
    x = jax.random.normal(ks[0], (N, D), dtype=jnp.float32)
    edge_index = jax.random.randint(ks[1], (2, E), 0, N, dtype=jnp.int32)
    s_in = 1.0 / np.sqrt(D)
    s_node = 1.0 / np.sqrt(3 * D)
    s_h = 1.0 / np.sqrt(D)
    inp = {
        "x": x,
        "edge_index": edge_index,
        # init_network: D -> D -> D -> D
        "init_W0": jax.random.normal(ks[2], (D, D), dtype=jnp.float32) * s_in,
        "init_b0": jnp.zeros((D,), dtype=jnp.float32),
        "init_W1": jax.random.normal(ks[3], (D, D), dtype=jnp.float32) * s_h,
        "init_b1": jnp.zeros((D,), dtype=jnp.float32),
        "init_W2": jax.random.normal(ks[4], (D, D), dtype=jnp.float32) * s_h,
        "init_b2": jnp.zeros((D,), dtype=jnp.float32),
        # node_update_networks (stacked over NITER): 3D -> D -> D -> D
        "node_W0": jax.random.normal(ks[5], (NITER, 3 * D, D), dtype=jnp.float32) * s_node,
        "node_b0": jnp.zeros((NITER, D), dtype=jnp.float32),
        "node_W1": jax.random.normal(ks[6], (NITER, D, D), dtype=jnp.float32) * s_h,
        "node_b1": jnp.zeros((NITER, D), dtype=jnp.float32),
        "node_W2": jax.random.normal(ks[7], (NITER, D, D), dtype=jnp.float32) * s_h,
        "node_b2": jnp.zeros((NITER, D), dtype=jnp.float32),
    }
    return inp


def _global_rep(h):
    # dgl.sum_nodes over a single graph, then normalize and broadcast to all nodes
    g = jnp.sum(h, axis=0, keepdims=True)
    g = g / (jnp.linalg.norm(g, axis=1, keepdims=True) + 1e-08)
    return jnp.broadcast_to(g, h.shape)


def reference(x, edge_index, init_W0, init_b0, init_W1, init_b1, init_W2, init_b2,
              node_W0, node_b0, node_W1, node_b1, node_W2, node_b2):
    n = x.shape[0]
    h = _mlp3(x, init_W0, init_b0, init_W1, init_b1, init_W2, init_b2)
    gf = _global_rep(h)
    src = edge_index[0]
    dst = edge_index[1]
    for i in range(NITER):
        # update_all(fn.copy_u(feature, 'message'), NodeNetwork): gather src feats, scatter-add by dst
        msg = jnp.take(h, src, axis=0)
        agg = jax.ops.segment_sum(msg, dst, num_segments=n)
        inp = jnp.concatenate([agg, h, gf], axis=1)
        out = _mlp3(inp, node_W0[i], node_b0[i], node_W1[i], node_b1[i], node_W2[i], node_b2[i])
        out = out / (jnp.linalg.norm(out, axis=1, keepdims=True) + 1e-08)
        h = out
        gf = _global_rep(h)
    return h

if __name__ == "__main__":
    import jax
    _d = setup_inputs()
    print(jax.jit(kernel)(*tuple(_d.values())))

</pallas_src>

<mosaic_0001>
#map = affine_map<(d0, d1) -> (0, 0)>
#map1 = affine_map<(d0, d1) -> (0, 0, 0, 0)>
#map2 = affine_map<(d0, d1) -> (0, 0, 0)>
module attributes {stable_mosaic.version = 14 : i64} {
  func.func @sc_scatter(%arg0: i32, %arg1: i32, %arg2: memref<10000x128xf32, #tpu.memory_space<hbm>>, %arg3: memref<32x2x40x128xi32, #tpu.memory_space<hbm>>, %arg4: memref<32x2x40x128xi32, #tpu.memory_space<hbm>>, %arg5: memref<2x10112x128xf32, #tpu.memory_space<hbm>>, %arg6: memref<40x128xi32, #tpu.memory_space<vmem>>, %arg7: memref<40x128xi32, #tpu.memory_space<vmem>>, %arg8: memref<128x128xf32, #tpu.memory_space<vmem>>, %arg9: memref<128x128xf32, #tpu.memory_space<vmem>>, %arg10: memref<10112x128xf32, #tpu.memory_space<vmem_shared>>, %arg11: memref<!tpu.dma_semaphore, #tpu.memory_space<semaphore_mem>>, %arg12: memref<!tpu.dma_semaphore, #tpu.memory_space<semaphore_mem>>, %arg13: memref<!tpu.dma_semaphore, #tpu.memory_space<semaphore_mem>>, %arg14: memref<!tpu.dma_semaphore, #tpu.memory_space<semaphore_mem>>) attributes {dimension_semantics = [#tpu.dimension_semantics<core_parallel>, #tpu.dimension_semantics<subcore_parallel>], iteration_bounds = array<i64: 2, 16>, scalar_prefetch = 0 : i64, scratch_operands = 9 : i64, tpu.core_type = #tpu.core_type<sc_vector_subcore>, window_params = [{transform_indices = #map}, {transform_indices = #map1}, {transform_indices = #map1}, {transform_indices = #map2}]} {
    %mul3A = arith.constant 16 : i32
    %mul3A_0 = arith.muli %arg0, %mul3A : i32
    %add3A = arith.addi %mul3A_0, %arg1 : i32
    %scan3A = arith.constant 0 : i32
    %scan3A_1 = arith.constant 0 : i32
    %scan3A_2 = arith.constant 128 : i32
    %scan3A_3 = arith.addi %scan3A_1, %scan3A_2 : i32
    %scan3A_4 = arith.constant 1 : i32
    scf.for %scan3A_59 = %scan3A_1 to %scan3A_3 step %scan3A_4  : i32 {
      %broadcast_in_dim3A = arith.constant 0.000000e+00 : f32
      %broadcast_in_dim3A_60 = vector.broadcast %broadcast_in_dim3A : f32 to vector<16xf32>
      %swap3A = arith.index_cast %scan3A_59 : i32 to index
      %swap3A_61 = arith.constant 0 : index
      %swap3A_62 = tpu.vector_load %arg8[%swap3A, %swap3A_61] {strides = array<i32>} : memref<128x128xf32, #tpu.memory_space<vmem>>, vector<1x16xf32>,
      %swap3A_63 = vector.shape_cast %swap3A_62 : vector<1x16xf32> to vector<16xf32>
      %swap3A_64 = vector.shape_cast %broadcast_in_dim3A_60 : vector<16xf32> to vector<1x16xf32>
      tpu.vector_store %arg8[%swap3A, %swap3A_61], %swap3A_64 {strides = array<i32>} : memref<128x128xf32, #tpu.memory_space<vmem>>, vector<1x16xf32>,
      %broadcast_in_dim3A_65 = arith.constant 0.000000e+00 : f32
      %broadcast_in_dim3A_66 = vector.broadcast %broadcast_in_dim3A_65 : f32 to vector<16xf32>
      %swap3A_67 = arith.index_cast %scan3A_59 : i32 to index
      %swap3A_68 = arith.constant 16 : index
      %swap3A_69 = tpu.vector_load %arg8[%swap3A_67, %swap3A_68] {strides = array<i32>} : memref<128x128xf32, #tpu.memory_space<vmem>>, vector<1x16xf32>,
      %swap3A_70 = vector.shape_cast %swap3A_69 : vector<1x16xf32> to vector<16xf32>
      %swap3A_71 = vector.shape_cast %broadcast_in_dim3A_66 : vector<16xf32> to vector<1x16xf32>
      tpu.vector_store %arg8[%swap3A_67, %swap3A_68], %swap3A_71 {strides = array<i32>} : memref<128x128xf32, #tpu.memory_space<vmem>>, vector<1x16xf32>,
      %broadcast_in_dim3A_72 = arith.constant 0.000000e+00 : f32
      %broadcast_in_dim3A_73 = vector.broadcast %broadcast_in_dim3A_72 : f32 to vector<16xf32>
      %swap3A_74 = arith.index_cast %scan3A_59 : i32 to index
      %swap3A_75 = arith.constant 32 : index
      %swap3A_76 = tpu.vector_load %arg8[%swap3A_74, %swap3A_75] {strides = array<i32>} : memref<128x128xf32, #tpu.memory_space<vmem>>, vector<1x16xf32>,
      %swap3A_77 = vector.shape_cast %swap3A_76 : vector<1x16xf32> to vector<16xf32>
      %swap3A_78 = vector.shape_cast %broadcast_in_dim3A_73 : vector<16xf32> to vector<1x16xf32>
      tpu.vector_store %arg8[%swap3A_74, %swap3A_75], %swap3A_78 {strides = array<i32>} : memref<128x128xf32, #tpu.memory_space<vmem>>, vector<1x16xf32>,
      %broadcast_in_dim3A_79 = arith.constant 0.000000e+00 : f32
      %broadcast_in_dim3A_80 = vector.broadcast %broadcast_in_dim3A_79 : f32 to vector<16xf32>
      %swap3A_81 = arith.index_cast %scan3A_59 : i32 to index
      %swap3A_82 = arith.constant 48 : index
      %swap3A_83 = tpu.vector_load %arg8[%swap3A_81, %swap3A_82] {strides = array<i32>} : memref<128x128xf32, #tpu.memory_space<vmem>>, vector<1x16xf32>,
      %swap3A_84 = vector.shape_cast %swap3A_83 : vector<1x16xf32> to vector<16xf32>
      %swap3A_85 = vector.shape_cast %broadcast_in_dim3A_80 : vector<16xf32> to vector<1x16xf32>
      tpu.vector_store %arg8[%swap3A_81, %swap3A_82], %swap3A_85 {strides = array<i32>} : memref<128x128xf32, #tpu.memory_space<vmem>>, vector<1x16xf32>,
      %broadcast_in_dim3A_86 = arith.constant 0.000000e+00 : f32
      %broadcast_in_dim3A_87 = vector.broadcast %broadcast_in_dim3A_86 : f32 to vector<16xf32>
      %swap3A_88 = arith.index_cast %scan3A_59 : i32 to index
      %swap3A_89 = arith.constant 64 : index
      %swap3A_90 = tpu.vector_load %arg8[%swap3A_88, %swap3A_89] {strides = array<i32>} : memref<128x128xf32, #tpu.memory_space<vmem>>, vector<1x16xf32>,
      %swap3A_91 = vector.shape_cast %swap3A_90 : vector<1x16xf32> to vector<16xf32>
      %swap3A_92 = vector.shape_cast %broadcast_in_dim3A_87 : vector<16xf32> to vector<1x16xf32>
      tpu.vector_store %arg8[%swap3A_88, %swap3A_89], %swap3A_92 {strides = array<i32>} : memref<128x128xf32, #tpu.memory_space<vmem>>, vector<1x16xf32>,
      %broadcast_in_dim3A_93 = arith.constant 0.000000e+00 : f32
      %broadcast_in_dim3A_94 = vector.broadcast %broadcast_in_dim3A_93 : f32 to vector<16xf32>
      %swap3A_95 = arith.index_cast %scan3A_59 : i32 to index
      %swap3A_96 = arith.constant 80 : index
      %swap3A_97 = tpu.vector_load %arg8[%swap3A_95, %swap3A_96] {strides = array<i32>} : memref<128x128xf32, #tpu.memory_space<vmem>>, vector<1x16xf32>,
      %swap3A_98 = vector.shape_cast %swap3A_97 : vector<1x16xf32> to vector<16xf32>
      %swap3A_99 = vector.shape_cast %broadcast_in_dim3A_94 : vector<16xf32> to vector<1x16xf32>
      tpu.vector_store %arg8[%swap3A_95, %swap3A_96], %swap3A_99 {strides = array<i32>} : memref<128x128xf32, #tpu.memory_space<vmem>>, vector<1x16xf32>,
      %broadcast_in_dim3A_100 = arith.constant 0.000000e+00 : f32
      %broadcast_in_dim3A_101 = vector.broadcast %broadcast_in_dim3A_100 : f32 to vector<16xf32>
      %swap3A_102 = arith.index_cast %scan3A_59 : i32 to index
      %swap3A_103 = arith.constant 96 : index
      %swap3A_104 = tpu.vector_load %arg8[%swap3A_102, %swap3A_103] {strides = array<i32>} : memref<128x128xf32, #tpu.memory_space<vmem>>, vector<1x16xf32>,
      %swap3A_105 = vector.shape_cast %swap3A_104 : vector<1x16xf32> to vector<16xf32>
      %swap3A_106 = vector.shape_cast %broadcast_in_dim3A_101 : vector<16xf32> to vector<1x16xf32>
      tpu.vector_store %arg8[%swap3A_102, %swap3A_103], %swap3A_106 {strides = array<i32>} : memref<128x128xf32, #tpu.memory_space<vmem>>, vector<1x16xf32>,
      %broadcast_in_dim3A_107 = arith.constant 0.000000e+00 : f32
      %broadcast_in_dim3A_108 = vector.broadcast %broadcast_in_dim3A_107 : f32 to vector<16xf32>
      %swap3A_109 = arith.index_cast %scan3A_59 : i32 to index
      %swap3A_110 = arith.constant 112 : index
      %swap3A_111 = tpu.vector_load %arg8[%swap3A_109, %swap3A_110] {strides = array<i32>} : memref<128x128xf32, #tpu.memory_space<vmem>>, vector<1x16xf32>,
      %swap3A_112 = vector.shape_cast %swap3A_111 : vector<1x16xf32> to vector<16xf32>
      %swap3A_113 = vector.shape_cast %broadcast_in_dim3A_108 : vector<16xf32> to vector<1x16xf32>
      tpu.vector_store %arg8[%swap3A_109, %swap3A_110], %swap3A_113 {strides = array<i32>} : memref<128x128xf32, #tpu.memory_space<vmem>>, vector<1x16xf32>,
    }
    %scan3A_5 = arith.constant 128 : i32
    %mul3A_6 = arith.constant 632 : i32
    %mul3A_7 = arith.muli %arg1, %mul3A_6 : i32
    %add3A_8 = arith.constant 0 : i32
    %add3A_9 = arith.addi %mul3A_7, %add3A_8 : i32
    "tpu.region"() ({
      %run_scoped3A_59 = tpu.sem_alloc : memref<!tpu.dma_semaphore, #tpu.memory_space<semaphore_mem>>
      %dma_start3A_60 = arith.constant 0 : i32
      %dma_start3A_61 = arith.constant 0 : i32
      %dma_start3A_62 = tpu.memref_slice %arg8[%dma_start3A_60, %dma_start3A_61] : memref<128x128xf32, #tpu.memory_space<vmem>> -> memref<128x128xf32, #tpu.memory_space<vmem>>
      %dma_start3A_63 = arith.constant 0 : i32
      %dma_start3A_64 = tpu.memref_slice %arg10[%add3A_9, %dma_start3A_63] : memref<10112x128xf32, #tpu.memory_space<vmem_shared>> -> memref<128x128xf32, #tpu.memory_space<vmem_shared>>
      %dma_start3A_65 = arith.constant 0 : i32
      %dma_start3A_66 = tpu.memref_slice %arg10[%add3A_9, %dma_start3A_65] : memref<10112x128xf32, #tpu.memory_space<vmem_shared>> -> memref<128x128xf32, #tpu.memory_space<vmem_shared>>
      %dma_start3A_67 = arith.constant 0 : i32
      %dma_start3A_68 = arith.constant 0 : i32
      %dma_start3A_69 = tpu.memref_slice %arg8[%dma_start3A_67, %dma_start3A_68] : memref<128x128xf32, #tpu.memory_space<vmem>> -> memref<128x128xf32, #tpu.memory_space<vmem>>
      tpu.enqueue_dma source(%dma_start3A_69 : memref<128x128xf32, #tpu.memory_space<vmem>>) target(%dma_start3A_66 : memref<128x128xf32, #tpu.memory_space<vmem_shared>>) target_semaphore(%run_scoped3A_59 : memref<!tpu.dma_semaphore, #tpu.memory_space<semaphore_mem>>)
      %dma_wait3A = arith.constant 0 : i32
      %dma_wait3A_70 = arith.constant 0 : i32
      %dma_wait3A_71 = tpu.memref_slice %arg8[%dma_wait3A, %dma_wait3A_70] : memref<128x128xf32, #tpu.memory_space<vmem>> -> memref<128x128xf32, #tpu.memory_space<vmem>>
      %dma_wait3A_72 = arith.constant 0 : i32
      %dma_wait3A_73 = tpu.memref_slice %arg10[%add3A_9, %dma_wait3A_72] : memref<10112x128xf32, #tpu.memory_space<vmem_shared>> -> memref<128x128xf32, #tpu.memory_space<vmem_shared>>
      %dma_wait3A_74 = arith.constant 0 : i32
      %dma_wait3A_75 = tpu.memref_slice %arg10[%add3A_9, %dma_wait3A_74] : memref<10112x128xf32, #tpu.memory_space<vmem_shared>> -> memref<128x128xf32, #tpu.memory_space<vmem_shared>>
      %dma_wait3A_76 = arith.constant 0 : i32
      %dma_wait3A_77 = arith.constant 0 : i32
      %dma_wait3A_78 = tpu.memref_slice %arg8[%dma_wait3A_76, %dma_wait3A_77] : memref<128x128xf32, #tpu.memory_space<vmem>> -> memref<128x128xf32, #tpu.memory_space<vmem>>
      tpu.wait_dma2 semaphore(%run_scoped3A_59 : memref<!tpu.dma_semaphore, #tpu.memory_space<semaphore_mem>>) src(%dma_wait3A_78 : memref<128x128xf32, #tpu.memory_space<vmem>>) dst(%dma_wait3A_75 : memref<128x128xf32, #tpu.memory_space<vmem_shared>>)
      tpu.yield
    }) : () -> ()
    %mul3A_10 = arith.constant 632 : i32
    %mul3A_11 = arith.muli %arg1, %mul3A_10 : i32
    %add3A_12 = arith.constant 128 : i32
    %add3A_13 = arith.addi %mul3A_11, %add3A_12 : i32
    "tpu.region"() ({
      %run_scoped3A_59 = tpu.sem_alloc : memref<!tpu.dma_semaphore, #tpu.memory_space<semaphore_mem>>
      %dma_start3A_60 = arith.constant 0 : i32
      %dma_start3A_61 = arith.constant 0 : i32
      %dma_start3A_62 = tpu.memref_slice %arg8[%dma_start3A_60, %dma_start3A_61] : memref<128x128xf32, #tpu.memory_space<vmem>> -> memref<128x128xf32, #tpu.memory_space<vmem>>
      %dma_start3A_63 = arith.constant 0 : i32
      %dma_start3A_64 = tpu.memref_slice %arg10[%add3A_13, %dma_start3A_63] : memref<10112x128xf32, #tpu.memory_space<vmem_shared>> -> memref<128x128xf32, #tpu.memory_space<vmem_shared>>
      %dma_start3A_65 = arith.constant 0 : i32
      %dma_start3A_66 = tpu.memref_slice %arg10[%add3A_13, %dma_start3A_65] : memref<10112x128xf32, #tpu.memory_space<vmem_shared>> -> memref<128x128xf32, #tpu.memory_space<vmem_shared>>
      %dma_start3A_67 = arith.constant 0 : i32
      %dma_start3A_68 = arith.constant 0 : i32
      %dma_start3A_69 = tpu.memref_slice %arg8[%dma_start3A_67, %dma_start3A_68] : memref<128x128xf32, #tpu.memory_space<vmem>> -> memref<128x128xf32, #tpu.memory_space<vmem>>
      tpu.enqueue_dma source(%dma_start3A_69 : memref<128x128xf32, #tpu.memory_space<vmem>>) target(%dma_start3A_66 : memref<128x128xf32, #tpu.memory_space<vmem_shared>>) target_semaphore(%run_scoped3A_59 : memref<!tpu.dma_semaphore, #tpu.memory_space<semaphore_mem>>)
      %dma_wait3A = arith.constant 0 : i32
      %dma_wait3A_70 = arith.constant 0 : i32
      %dma_wait3A_71 = tpu.memref_slice %arg8[%dma_wait3A, %dma_wait3A_70] : memref<128x128xf32, #tpu.memory_space<vmem>> -> memref<128x128xf32, #tpu.memory_space<vmem>>
      %dma_wait3A_72 = arith.constant 0 : i32
      %dma_wait3A_73 = tpu.memref_slice %arg10[%add3A_13, %dma_wait3A_72] : memref<10112x128xf32, #tpu.memory_space<vmem_shared>> -> memref<128x128xf32, #tpu.memory_space<vmem_shared>>
      %dma_wait3A_74 = arith.constant 0 : i32
      %dma_wait3A_75 = tpu.memref_slice %arg10[%add3A_13, %dma_wait3A_74] : memref<10112x128xf32, #tpu.memory_space<vmem_shared>> -> memref<128x128xf32, #tpu.memory_space<vmem_shared>>
      %dma_wait3A_76 = arith.constant 0 : i32
      %dma_wait3A_77 = arith.constant 0 : i32
      %dma_wait3A_78 = tpu.memref_slice %arg8[%dma_wait3A_76, %dma_wait3A_77] : memref<128x128xf32, #tpu.memory_space<vmem>> -> memref<128x128xf32, #tpu.memory_space<vmem>>
      tpu.wait_dma2 semaphore(%run_scoped3A_59 : memref<!tpu.dma_semaphore, #tpu.memory_space<semaphore_mem>>) src(%dma_wait3A_78 : memref<128x128xf32, #tpu.memory_space<vmem>>) dst(%dma_wait3A_75 : memref<128x128xf32, #tpu.memory_space<vmem_shared>>)
      tpu.yield
    }) : () -> ()
    %mul3A_14 = arith.constant 632 : i32
    %mul3A_15 = arith.muli %arg1, %mul3A_14 : i32
    %add3A_16 = arith.constant 256 : i32
    %add3A_17 = arith.addi %mul3A_15, %add3A_16 : i32
    "tpu.region"() ({
      %run_scoped3A_59 = tpu.sem_alloc : memref<!tpu.dma_semaphore, #tpu.memory_space<semaphore_mem>>
      %dma_start3A_60 = arith.constant 0 : i32
      %dma_start3A_61 = arith.constant 0 : i32
      %dma_start3A_62 = tpu.memref_slice %arg8[%dma_start3A_60, %dma_start3A_61] : memref<128x128xf32, #tpu.memory_space<vmem>> -> memref<128x128xf32, #tpu.memory_space<vmem>>
      %dma_start3A_63 = arith.constant 0 : i32
      %dma_start3A_64 = tpu.memref_slice %arg10[%add3A_17, %dma_start3A_63] : memref<10112x128xf32, #tpu.memory_space<vmem_shared>> -> memref<128x128xf32, #tpu.memory_space<vmem_shared>>
      %dma_start3A_65 = arith.constant 0 : i32
      %dma_start3A_66 = tpu.memref_slice %arg10[%add3A_17, %dma_start3A_65] : memref<10112x128xf32, #tpu.memory_space<vmem_shared>> -> memref<128x128xf32, #tpu.memory_space<vmem_shared>>
      %dma_start3A_67 = arith.constant 0 : i32
      %dma_start3A_68 = arith.constant 0 : i32
      %dma_start3A_69 = tpu.memref_slice %arg8[%dma_start3A_67, %dma_start3A_68] : memref<128x128xf32, #tpu.memory_space<vmem>> -> memref<128x128xf32, #tpu.memory_space<vmem>>
      tpu.enqueue_dma source(%dma_start3A_69 : memref<128x128xf32, #tpu.memory_space<vmem>>) target(%dma_start3A_66 : memref<128x128xf32, #tpu.memory_space<vmem_shared>>) target_semaphore(%run_scoped3A_59 : memref<!tpu.dma_semaphore, #tpu.memory_space<semaphore_mem>>)
      %dma_wait3A = arith.constant 0 : i32
      %dma_wait3A_70 = arith.constant 0 : i32
      %dma_wait3A_71 = tpu.memref_slice %arg8[%dma_wait3A, %dma_wait3A_70] : memref<128x128xf32, #tpu.memory_space<vmem>> -> memref<128x128xf32, #tpu.memory_space<vmem>>
      %dma_wait3A_72 = arith.constant 0 : i32
      %dma_wait3A_73 = tpu.memref_slice %arg10[%add3A_17, %dma_wait3A_72] : memref<10112x128xf32, #tpu.memory_space<vmem_shared>> -> memref<128x128xf32, #tpu.memory_space<vmem_shared>>
      %dma_wait3A_74 = arith.constant 0 : i32
      %dma_wait3A_75 = tpu.memref_slice %arg10[%add3A_17, %dma_wait3A_74] : memref<10112x128xf32, #tpu.memory_space<vmem_shared>> -> memref<128x128xf32, #tpu.memory_space<vmem_shared>>
      %dma_wait3A_76 = arith.constant 0 : i32
      %dma_wait3A_77 = arith.constant 0 : i32
      %dma_wait3A_78 = tpu.memref_slice %arg8[%dma_wait3A_76, %dma_wait3A_77] : memref<128x128xf32, #tpu.memory_space<vmem>> -> memref<128x128xf32, #tpu.memory_space<vmem>>
      tpu.wait_dma2 semaphore(%run_scoped3A_59 : memref<!tpu.dma_semaphore, #tpu.memory_space<semaphore_mem>>) src(%dma_wait3A_78 : memref<128x128xf32, #tpu.memory_space<vmem>>) dst(%dma_wait3A_75 : memref<128x128xf32, #tpu.memory_space<vmem_shared>>)
      tpu.yield
    }) : () -> ()
    %mul3A_18 = arith.constant 632 : i32
    %mul3A_19 = arith.muli %arg1, %mul3A_18 : i32
    %add3A_20 = arith.constant 384 : i32
    %add3A_21 = arith.addi %mul3A_19, %add3A_20 : i32
    "tpu.region"() ({
      %run_scoped3A_59 = tpu.sem_alloc : memref<!tpu.dma_semaphore, #tpu.memory_space<semaphore_mem>>
      %dma_start3A_60 = arith.constant 0 : i32
      %dma_start3A_61 = arith.constant 0 : i32
      %dma_start3A_62 = tpu.memref_slice %arg8[%dma_start3A_60, %dma_start3A_61] : memref<128x128xf32, #tpu.memory_space<vmem>> -> memref<128x128xf32, #tpu.memory_space<vmem>>
      %dma_start3A_63 = arith.constant 0 : i32
      %dma_start3A_64 = tpu.memref_slice %arg10[%add3A_21, %dma_start3A_63] : memref<10112x128xf32, #tpu.memory_space<vmem_shared>> -> memref<128x128xf32, #tpu.memory_space<vmem_shared>>
      %dma_start3A_65 = arith.constant 0 : i32
      %dma_start3A_66 = tpu.memref_slice %arg10[%add3A_21, %dma_start3A_65] : memref<10112x128xf32, #tpu.memory_space<vmem_shared>> -> memref<128x128xf32, #tpu.memory_space<vmem_shared>>
      %dma_start3A_67 = arith.constant 0 : i32
      %dma_start3A_68 = arith.constant 0 : i32
      %dma_start3A_69 = tpu.memref_slice %arg8[%dma_start3A_67, %dma_start3A_68] : memref<128x128xf32, #tpu.memory_space<vmem>> -> memref<128x128xf32, #tpu.memory_space<vmem>>
      tpu.enqueue_dma source(%dma_start3A_69 : memref<128x128xf32, #tpu.memory_space<vmem>>) target(%dma_start3A_66 : memref<128x128xf32, #tpu.memory_space<vmem_shared>>) target_semaphore(%run_scoped3A_59 : memref<!tpu.dma_semaphore, #tpu.memory_space<semaphore_mem>>)
      %dma_wait3A = arith.constant 0 : i32
      %dma_wait3A_70 = arith.constant 0 : i32
      %dma_wait3A_71 = tpu.memref_slice %arg8[%dma_wait3A, %dma_wait3A_70] : memref<128x128xf32, #tpu.memory_space<vmem>> -> memref<128x128xf32, #tpu.memory_space<vmem>>
      %dma_wait3A_72 = arith.constant 0 : i32
      %dma_wait3A_73 = tpu.memref_slice %arg10[%add3A_21, %dma_wait3A_72] : memref<10112x128xf32, #tpu.memory_space<vmem_shared>> -> memref<128x128xf32, #tpu.memory_space<vmem_shared>>
      %dma_wait3A_74 = arith.constant 0 : i32
      %dma_wait3A_75 = tpu.memref_slice %arg10[%add3A_21, %dma_wait3A_74] : memref<10112x128xf32, #tpu.memory_space<vmem_shared>> -> memref<128x128xf32, #tpu.memory_space<vmem_shared>>
      %dma_wait3A_76 = arith.constant 0 : i32
      %dma_wait3A_77 = arith.constant 0 : i32
      %dma_wait3A_78 = tpu.memref_slice %arg8[%dma_wait3A_76, %dma_wait3A_77] : memref<128x128xf32, #tpu.memory_space<vmem>> -> memref<128x128xf32, #tpu.memory_space<vmem>>
      tpu.wait_dma2 semaphore(%run_scoped3A_59 : memref<!tpu.dma_semaphore, #tpu.memory_space<semaphore_mem>>) src(%dma_wait3A_78 : memref<128x128xf32, #tpu.memory_space<vmem>>) dst(%dma_wait3A_75 : memref<128x128xf32, #tpu.memory_space<vmem_shared>>)
      tpu.yield
    }) : () -> ()
    %mul3A_22 = arith.constant 632 : i32
    %mul3A_23 = arith.muli %arg1, %mul3A_22 : i32
    %add3A_24 = arith.constant 512 : i32
    %add3A_25 = arith.addi %mul3A_23, %add3A_24 : i32
    "tpu.region"() ({
      %run_scoped3A_59 = tpu.sem_alloc : memref<!tpu.dma_semaphore, #tpu.memory_space<semaphore_mem>>
      %dma_start3A_60 = arith.constant 0 : i32
      %dma_start3A_61 = arith.constant 0 : i32
      %dma_start3A_62 = tpu.memref_slice %arg8[%dma_start3A_60, %dma_start3A_61] : memref<128x128xf32, #tpu.memory_space<vmem>> -> memref<120x128xf32, #tpu.memory_space<vmem>>
      %dma_start3A_63 = arith.constant 0 : i32
      %dma_start3A_64 = tpu.memref_slice %arg10[%add3A_25, %dma_start3A_63] : memref<10112x128xf32, #tpu.memory_space<vmem_shared>> -> memref<120x128xf32, #tpu.memory_space<vmem_shared>>
      %dma_start3A_65 = arith.constant 0 : i32
      %dma_start3A_66 = tpu.memref_slice %arg10[%add3A_25, %dma_start3A_65] : memref<10112x128xf32, #tpu.memory_space<vmem_shared>> -> memref<120x128xf32, #tpu.memory_space<vmem_shared>>
      %dma_start3A_67 = arith.constant 0 : i32
      %dma_start3A_68 = arith.constant 0 : i32
      %dma_start3A_69 = tpu.memref_slice %arg8[%dma_start3A_67, %dma_start3A_68] : memref<128x128xf32, #tpu.memory_space<vmem>> -> memref<120x128xf32, #tpu.memory_space<vmem>>
      tpu.enqueue_dma source(%dma_start3A_69 : memref<120x128xf32, #tpu.memory_space<vmem>>) target(%dma_start3A_66 : memref<120x128xf32, #tpu.memory_space<vmem_shared>>) target_semaphore(%run_scoped3A_59 : memref<!tpu.dma_semaphore, #tpu.memory_space<semaphore_mem>>)
      %dma_wait3A = arith.constant 0 : i32
      %dma_wait3A_70 = arith.constant 0 : i32
      %dma_wait3A_71 = tpu.memref_slice %arg8[%dma_wait3A, %dma_wait3A_70] : memref<128x128xf32, #tpu.memory_space<vmem>> -> memref<120x128xf32, #tpu.memory_space<vmem>>
      %dma_wait3A_72 = arith.constant 0 : i32
      %dma_wait3A_73 = tpu.memref_slice %arg10[%add3A_25, %dma_wait3A_72] : memref<10112x128xf32, #tpu.memory_space<vmem_shared>> -> memref<120x128xf32, #tpu.memory_space<vmem_shared>>
      %dma_wait3A_74 = arith.constant 0 : i32
      %dma_wait3A_75 = tpu.memref_slice %arg10[%add3A_25, %dma_wait3A_74] : memref<10112x128xf32, #tpu.memory_space<vmem_shared>> -> memref<120x128xf32, #tpu.memory_space<vmem_shared>>
      %dma_wait3A_76 = arith.constant 0 : i32
      %dma_wait3A_77 = arith.constant 0 : i32
      %dma_wait3A_78 = tpu.memref_slice %arg8[%dma_wait3A_76, %dma_wait3A_77] : memref<128x128xf32, #tpu.memory_space<vmem>> -> memref<120x128xf32, #tpu.memory_space<vmem>>
      tpu.wait_dma2 semaphore(%run_scoped3A_59 : memref<!tpu.dma_semaphore, #tpu.memory_space<semaphore_mem>>) src(%dma_wait3A_78 : memref<120x128xf32, #tpu.memory_space<vmem>>) dst(%dma_wait3A_75 : memref<120x128xf32, #tpu.memory_space<vmem_shared>>)
      tpu.yield
    }) : () -> ()
    %barrier3A = arith.constant 0 : index
    tpu.barrier barrier_id(%barrier3A)
    %run_scoped3A = arith.constant 0 : i32
    "tpu.region"() ({
      %run_scoped3A_59 = tpu.sem_alloc : memref<!tpu.dma_semaphore, #tpu.memory_space<semaphore_mem>>
      %dma_start3A_60 = arith.constant 0 : i32
      %dma_start3A_61 = arith.constant 0 : i32
      %dma_start3A_62 = tpu.memref_slice %arg3[%add3A, %run_scoped3A, %dma_start3A_60, %dma_start3A_61] : memref<32x2x40x128xi32, #tpu.memory_space<hbm>> -> memref<1x1x40x128xi32, #tpu.memory_space<hbm>>
      %dma_start3A_63 = tpu.memref_squeeze %dma_start3A_62 : memref<1x1x40x128xi32, #tpu.memory_space<hbm>> -> memref<40x128xi32, #tpu.memory_space<hbm>>
      %dma_start3A_64 = arith.constant 0 : i32
      %dma_start3A_65 = arith.constant 0 : i32
      %dma_start3A_66 = tpu.memref_slice %arg3[%add3A, %run_scoped3A, %dma_start3A_64, %dma_start3A_65] : memref<32x2x40x128xi32, #tpu.memory_space<hbm>> -> memref<1x1x40x128xi32, #tpu.memory_space<hbm>>
      %dma_start3A_67 = tpu.memref_squeeze %dma_start3A_66 : memref<1x1x40x128xi32, #tpu.memory_space<hbm>> -> memref<40x128xi32, #tpu.memory_space<hbm>>
      tpu.enqueue_dma source(%dma_start3A_67 : memref<40x128xi32, #tpu.memory_space<hbm>>) target(%arg6 : memref<40x128xi32, #tpu.memory_space<vmem>>) target_semaphore(%run_scoped3A_59 : memref<!tpu.dma_semaphore, #tpu.memory_space<semaphore_mem>>)
      %dma_wait3A = arith.constant 0 : i32
      %dma_wait3A_68 = arith.constant 0 : i32
      %dma_wait3A_69 = tpu.memref_slice %arg3[%add3A, %run_scoped3A, %dma_wait3A, %dma_wait3A_68] : memref<32x2x40x128xi32, #tpu.memory_space<hbm>> -> memref<1x1x40x128xi32, #tpu.memory_space<hbm>>
      %dma_wait3A_70 = tpu.memref_squeeze %dma_wait3A_69 : memref<1x1x40x128xi32, #tpu.memory_space<hbm>> -> memref<40x128xi32, #tpu.memory_space<hbm>>
      %dma_wait3A_71 = arith.constant 0 : i32
      %dma_wait3A_72 = arith.constant 0 : i32
      %dma_wait3A_73 = tpu.memref_slice %arg3[%add3A, %run_scoped3A, %dma_wait3A_71, %dma_wait3A_72] : memref<32x2x40x128xi32, #tpu.memory_space<hbm>> -> memref<1x1x40x128xi32, #tpu.memory_space<hbm>>
      %dma_wait3A_74 = tpu.memref_squeeze %dma_wait3A_73 : memref<1x1x40x128xi32, #tpu.memory_space<hbm>> -> memref<40x128xi32, #tpu.memory_space<hbm>>
      tpu.wait_dma2 semaphore(%run_scoped3A_59 : memref<!tpu.dma_semaphore, #tpu.memory_space<semaphore_mem>>) src(%dma_wait3A_74 : memref<40x128xi32, #tpu.memory_space<hbm>>) dst(%arg6 : memref<40x128xi32, #tpu.memory_space<vmem>>)
      tpu.yield
    }) : () -> ()
    %run_scoped3A_26 = arith.constant 0 : i32
    "tpu.region"() ({
      %run_scoped3A_59 = tpu.sem_alloc : memref<!tpu.dma_semaphore, #tpu.memory_space<semaphore_mem>>
      %dma_start3A_60 = arith.constant 0 : i32
      %dma_start3A_61 = arith.constant 0 : i32
      %dma_start3A_62 = tpu.memref_slice %arg4[%add3A, %run_scoped3A_26, %dma_start3A_60, %dma_start3A_61] : memref<32x2x40x128xi32, #tpu.memory_space<hbm>> -> memref<1x1x40x128xi32, #tpu.memory_space<hbm>>
      %dma_start3A_63 = tpu.memref_squeeze %dma_start3A_62 : memref<1x1x40x128xi32, #tpu.memory_space<hbm>> -> memref<40x128xi32, #tpu.memory_space<hbm>>
      %dma_start3A_64 = arith.constant 0 : i32
      %dma_start3A_65 = arith.constant 0 : i32
      %dma_start3A_66 = tpu.memref_slice %arg4[%add3A, %run_scoped3A_26, %dma_start3A_64, %dma_start3A_65] : memref<32x2x40x128xi32, #tpu.memory_space<hbm>> -> memref<1x1x40x128xi32, #tpu.memory_space<hbm>>
      %dma_start3A_67 = tpu.memref_squeeze %dma_start3A_66 : memref<1x1x40x128xi32, #tpu.memory_space<hbm>> -> memref<40x128xi32, #tpu.memory_space<hbm>>
      tpu.enqueue_dma source(%dma_start3A_67 : memref<40x128xi32, #tpu.memory_space<hbm>>) target(%arg7 : memref<40x128xi32, #tpu.memory_space<vmem>>) target_semaphore(%run_scoped3A_59 : memref<!tpu.dma_semaphore, #tpu.memory_space<semaphore_mem>>)
      %dma_wait3A = arith.constant 0 : i32
      %dma_wait3A_68 = arith.constant 0 : i32
      %dma_wait3A_69 = tpu.memref_slice %arg4[%add3A, %run_scoped3A_26, %dma_wait3A, %dma_wait3A_68] : memref<32x2x40x128xi32, #tpu.memory_space<hbm>> -> memref<1x1x40x128xi32, #tpu.memory_space<hbm>>
      %dma_wait3A_70 = tpu.memref_squeeze %dma_wait3A_69 : memref<1x1x40x128xi32, #tpu.memory_space<hbm>> -> memref<40x128xi32, #tpu.memory_space<hbm>>
      %dma_wait3A_71 = arith.constant 0 : i32
      %dma_wait3A_72 = arith.constant 0 : i32
      %dma_wait3A_73 = tpu.memref_slice %arg4[%add3A, %run_scoped3A_26, %dma_wait3A_71, %dma_wait3A_72] : memref<32x2x40x128xi32, #tpu.memory_space<hbm>> -> memref<1x1x40x128xi32, #tpu.memory_space<hbm>>
      %dma_wait3A_74 = tpu.memref_squeeze %dma_wait3A_73 : memref<1x1x40x128xi32, #tpu.memory_space<hbm>> -> memref<40x128xi32, #tpu.memory_space<hbm>>
      tpu.wait_dma2 semaphore(%run_scoped3A_59 : memref<!tpu.dma_semaphore, #tpu.memory_space<semaphore_mem>>) src(%dma_wait3A_74 : memref<40x128xi32, #tpu.memory_space<hbm>>) dst(%arg7 : memref<40x128xi32, #tpu.memory_space<vmem>>)
      tpu.yield
    }) : () -> ()
    %dma_start3A = arith.constant 0 : i32
    %dma_start3A_27 = arith.constant 0 : i32
    %dma_start3A_28 = tpu.memref_slice %arg6[%dma_start3A, %dma_start3A_27] : memref<40x128xi32, #tpu.memory_space<vmem>> -> memref<1x128xi32, #tpu.memory_space<vmem>>
    %dma_start3A_29 = tpu.memref_squeeze %dma_start3A_28 : memref<1x128xi32, #tpu.memory_space<vmem>> -> memref<128xi32, #tpu.memory_space<vmem>>
    %dma_start3A_30 = arith.constant 0 : i32
    %dma_start3A_31 = arith.constant 0 : i32
    %dma_start3A_32 = tpu.memref_slice %arg2[%dma_start3A_30, %dma_start3A_31] : memref<10000x128xf32, #tpu.memory_space<hbm>> -> memref<10000x128xf32, #tpu.memory_space<hbm>>
    tpu.enqueue_indirect_dma source(%dma_start3A_32 : memref<10000x128xf32, #tpu.memory_space<hbm>>) target(%arg8 : memref<128x128xf32, #tpu.memory_space<vmem>>) offsets(%dma_start3A_29 : memref<128xi32, #tpu.memory_space<vmem>>) semaphore(%arg11 : memref<!tpu.dma_semaphore, #tpu.memory_space<semaphore_mem>>)
    %scan3A_33 = arith.constant 0 : i32
    %scan3A_34 = arith.constant 0 : i32
    %scan3A_35 = arith.constant 20 : i32
    %scan3A_36 = arith.addi %scan3A_34, %scan3A_35 : i32
    %scan3A_37 = arith.constant 1 : i32
    scf.for %scan3A_59 = %scan3A_34 to %scan3A_36 step %scan3A_37  : i32 {
      %mul3A_60 = arith.constant 2 : i32
      %mul3A_61 = arith.muli %mul3A_60, %scan3A_59 : i32
      %add3A_62 = arith.constant 1 : i32
      %add3A_63 = arith.addi %mul3A_61, %add3A_62 : i32
      %dma_start3A_64 = arith.constant 0 : i32
      %dma_start3A_65 = tpu.memref_slice %arg6[%add3A_63, %dma_start3A_64] : memref<40x128xi32, #tpu.memory_space<vmem>> -> memref<1x128xi32, #tpu.memory_space<vmem>>
      %dma_start3A_66 = tpu.memref_squeeze %dma_start3A_65 : memref<1x128xi32, #tpu.memory_space<vmem>> -> memref<128xi32, #tpu.memory_space<vmem>>
      %dma_start3A_67 = arith.constant 0 : i32
      %dma_start3A_68 = arith.constant 0 : i32
      %dma_start3A_69 = tpu.memref_slice %arg2[%dma_start3A_67, %dma_start3A_68] : memref<10000x128xf32, #tpu.memory_space<hbm>> -> memref<10000x128xf32, #tpu.memory_space<hbm>>
      tpu.enqueue_indirect_dma source(%dma_start3A_69 : memref<10000x128xf32, #tpu.memory_space<hbm>>) target(%arg9 : memref<128x128xf32, #tpu.memory_space<vmem>>) offsets(%dma_start3A_66 : memref<128xi32, #tpu.memory_space<vmem>>) semaphore(%arg12 : memref<!tpu.dma_semaphore, #tpu.memory_space<semaphore_mem>>)
      %dma_wait3A = arith.constant 0 : i32
      %dma_wait3A_70 = tpu.memref_slice %arg6[%mul3A_61, %dma_wait3A] : memref<40x128xi32, #tpu.memory_space<vmem>> -> memref<1x128xi32, #tpu.memory_space<vmem>>
      %dma_wait3A_71 = tpu.memref_squeeze %dma_wait3A_70 : memref<1x128xi32, #tpu.memory_space<vmem>> -> memref<128xi32, #tpu.memory_space<vmem>>
      %dma_wait3A_72 = arith.constant 0 : i32
      %dma_wait3A_73 = arith.constant 0 : i32
      %dma_wait3A_74 = tpu.memref_slice %arg2[%dma_wait3A_72, %dma_wait3A_73] : memref<10000x128xf32, #tpu.memory_space<hbm>> -> memref<10000x128xf32, #tpu.memory_space<hbm>>
      tpu.wait_indirect_dma semaphore(%arg11 : memref<!tpu.dma_semaphore, #tpu.memory_space<semaphore_mem>>) src(%dma_wait3A_74 : memref<10000x128xf32, #tpu.memory_space<hbm>>) dst(%arg8 : memref<128x128xf32, #tpu.memory_space<vmem>>)
      %dma_start3A_75 = arith.constant 0 : i32
      %dma_start3A_76 = tpu.memref_slice %arg7[%mul3A_61, %dma_start3A_75] : memref<40x128xi32, #tpu.memory_space<vmem>> -> memref<1x128xi32, #tpu.memory_space<vmem>>
      %dma_start3A_77 = tpu.memref_squeeze %dma_start3A_76 : memref<1x128xi32, #tpu.memory_space<vmem>> -> memref<128xi32, #tpu.memory_space<vmem>>
      %dma_start3A_78 = arith.constant 0 : i32
      %dma_start3A_79 = arith.constant 0 : i32
      %dma_start3A_80 = tpu.memref_slice %arg10[%dma_start3A_78, %dma_start3A_79] : memref<10112x128xf32, #tpu.memory_space<vmem_shared>> -> memref<10112x128xf32, #tpu.memory_space<vmem_shared>>
      tpu.enqueue_indirect_dma source(%arg8 : memref<128x128xf32, #tpu.memory_space<vmem>>) target(%dma_start3A_80 : memref<10112x128xf32, #tpu.memory_space<vmem_shared>>) offsets(%dma_start3A_77 : memref<128xi32, #tpu.memory_space<vmem>>) semaphore(%arg13 : memref<!tpu.dma_semaphore, #tpu.memory_space<semaphore_mem>>) {add = true}
      %dma_wait3A_81 = arith.constant 0 : i32
      %dma_wait3A_82 = tpu.memref_slice %arg6[%add3A_63, %dma_wait3A_81] : memref<40x128xi32, #tpu.memory_space<vmem>> -> memref<1x128xi32, #tpu.memory_space<vmem>>
      %dma_wait3A_83 = tpu.memref_squeeze %dma_wait3A_82 : memref<1x128xi32, #tpu.memory_space<vmem>> -> memref<128xi32, #tpu.memory_space<vmem>>
      %dma_wait3A_84 = arith.constant 0 : i32
      %dma_wait3A_85 = arith.constant 0 : i32
      %dma_wait3A_86 = tpu.memref_slice %arg2[%dma_wait3A_84, %dma_wait3A_85] : memref<10000x128xf32, #tpu.memory_space<hbm>> -> memref<10000x128xf32, #tpu.memory_space<hbm>>
      tpu.wait_indirect_dma semaphore(%arg12 : memref<!tpu.dma_semaphore, #tpu.memory_space<semaphore_mem>>) src(%dma_wait3A_86 : memref<10000x128xf32, #tpu.memory_space<hbm>>) dst(%arg9 : memref<128x128xf32, #tpu.memory_space<vmem>>)
      %dma_start3A_87 = arith.constant 0 : i32
      %dma_start3A_88 = tpu.memref_slice %arg7[%add3A_63, %dma_start3A_87] : memref<40x128xi32, #tpu.memory_space<vmem>> -> memref<1x128xi32, #tpu.memory_space<vmem>>
      %dma_start3A_89 = tpu.memref_squeeze %dma_start3A_88 : memref<1x128xi32, #tpu.memory_space<vmem>> -> memref<128xi32, #tpu.memory_space<vmem>>
      %dma_start3A_90 = arith.constant 0 : i32
      %dma_start3A_91 = arith.constant 0 : i32
      %dma_start3A_92 = tpu.memref_slice %arg10[%dma_start3A_90, %dma_start3A_91] : memref<10112x128xf32, #tpu.memory_space<vmem_shared>> -> memref<10112x128xf32, #tpu.memory_space<vmem_shared>>
      tpu.enqueue_indirect_dma source(%arg9 : memref<128x128xf32, #tpu.memory_space<vmem>>) target(%dma_start3A_92 : memref<10112x128xf32, #tpu.memory_space<vmem_shared>>) offsets(%dma_start3A_89 : memref<128xi32, #tpu.memory_space<vmem>>) semaphore(%arg14 : memref<!tpu.dma_semaphore, #tpu.memory_space<semaphore_mem>>) {add = true}
      %dma_wait3A_93 = arith.constant 0 : i32
      %dma_wait3A_94 = tpu.memref_slice %arg7[%mul3A_61, %dma_wait3A_93] : memref<40x128xi32, #tpu.memory_space<vmem>> -> memref<1x128xi32, #tpu.memory_space<vmem>>
      %dma_wait3A_95 = tpu.memref_squeeze %dma_wait3A_94 : memref<1x128xi32, #tpu.memory_space<vmem>> -> memref<128xi32, #tpu.memory_space<vmem>>
      %dma_wait3A_96 = arith.constant 0 : i32
      %dma_wait3A_97 = arith.constant 0 : i32
      %dma_wait3A_98 = tpu.memref_slice %arg10[%dma_wait3A_96, %dma_wait3A_97] : memref<10112x128xf32, #tpu.memory_space<vmem_shared>> -> memref<10112x128xf32, #tpu.memory_space<vmem_shared>>
      tpu.wait_indirect_dma semaphore(%arg13 : memref<!tpu.dma_semaphore, #tpu.memory_space<semaphore_mem>>) src(%arg8 : memref<128x128xf32, #tpu.memory_space<vmem>>) dst(%dma_wait3A_98 : memref<10112x128xf32, #tpu.memory_space<vmem_shared>>)
      %add3A_99 = arith.constant 2 : i32
      %add3A_100 = arith.addi %mul3A_61, %add3A_99 : i32
      %lt3A = arith.constant 40 : i32
      %lt3A_101 = arith.cmpi slt, %add3A_100, %lt3A : i32
      %convert_element_type3A = arith.extui %lt3A_101 : i1 to i32
      %cond3A = arith.constant 0 : i32
      %cond3A_102 = arith.cmpi ne, %convert_element_type3A, %cond3A : i32
      scf.if %cond3A_102 {
        %add3A_109 = arith.constant 2 : i32
        %add3A_110 = arith.addi %mul3A_61, %add3A_109 : i32
        %dma_start3A_111 = arith.constant 0 : i32
        %dma_start3A_112 = tpu.memref_slice %arg6[%add3A_110, %dma_start3A_111] : memref<40x128xi32, #tpu.memory_space<vmem>> -> memref<1x128xi32, #tpu.memory_space<vmem>>
        %dma_start3A_113 = tpu.memref_squeeze %dma_start3A_112 : memref<1x128xi32, #tpu.memory_space<vmem>> -> memref<128xi32, #tpu.memory_space<vmem>>
        %dma_start3A_114 = arith.constant 0 : i32
        %dma_start3A_115 = arith.constant 0 : i32
        %dma_start3A_116 = tpu.memref_slice %arg2[%dma_start3A_114, %dma_start3A_115] : memref<10000x128xf32, #tpu.memory_space<hbm>> -> memref<10000x128xf32, #tpu.memory_space<hbm>>
        tpu.enqueue_indirect_dma source(%dma_start3A_116 : memref<10000x128xf32, #tpu.memory_space<hbm>>) target(%arg8 : memref<128x128xf32, #tpu.memory_space<vmem>>) offsets(%dma_start3A_113 : memref<128xi32, #tpu.memory_space<vmem>>) semaphore(%arg11 : memref<!tpu.dma_semaphore, #tpu.memory_space<semaphore_mem>>)
      } else {
      }
      %dma_wait3A_103 = arith.constant 0 : i32
      %dma_wait3A_104 = tpu.memref_slice %arg7[%add3A_63, %dma_wait3A_103] : memref<40x128xi32, #tpu.memory_space<vmem>> -> memref<1x128xi32, #tpu.memory_space<vmem>>
      %dma_wait3A_105 = tpu.memref_squeeze %dma_wait3A_104 : memref<1x128xi32, #tpu.memory_space<vmem>> -> memref<128xi32, #tpu.memory_space<vmem>>
      %dma_wait3A_106 = arith.constant 0 : i32
      %dma_wait3A_107 = arith.constant 0 : i32
      %dma_wait3A_108 = tpu.memref_slice %arg10[%dma_wait3A_106, %dma_wait3A_107] : memref<10112x128xf32, #tpu.memory_space<vmem_shared>> -> memref<10112x128xf32, #tpu.memory_space<vmem_shared>>
      tpu.wait_indirect_dma semaphore(%arg14 : memref<!tpu.dma_semaphore, #tpu.memory_space<semaphore_mem>>) src(%arg9 : memref<128x128xf32, #tpu.memory_space<vmem>>) dst(%dma_wait3A_108 : memref<10112x128xf32, #tpu.memory_space<vmem_shared>>)
    }
    %scan3A_38 = arith.constant 20 : i32
    %run_scoped3A_39 = arith.constant 1 : i32
    "tpu.region"() ({
      %run_scoped3A_59 = tpu.sem_alloc : memref<!tpu.dma_semaphore, #tpu.memory_space<semaphore_mem>>
      %dma_start3A_60 = arith.constant 0 : i32
      %dma_start3A_61 = arith.constant 0 : i32
      %dma_start3A_62 = tpu.memref_slice %arg3[%add3A, %run_scoped3A_39, %dma_start3A_60, %dma_start3A_61] : memref<32x2x40x128xi32, #tpu.memory_space<hbm>> -> memref<1x1x40x128xi32, #tpu.memory_space<hbm>>
      %dma_start3A_63 = tpu.memref_squeeze %dma_start3A_62 : memref<1x1x40x128xi32, #tpu.memory_space<hbm>> -> memref<40x128xi32, #tpu.memory_space<hbm>>
      %dma_start3A_64 = arith.constant 0 : i32
      %dma_start3A_65 = arith.constant 0 : i32
      %dma_start3A_66 = tpu.memref_slice %arg3[%add3A, %run_scoped3A_39, %dma_start3A_64, %dma_start3A_65] : memref<32x2x40x128xi32, #tpu.memory_space<hbm>> -> memref<1x1x40x128xi32, #tpu.memory_space<hbm>>
      %dma_start3A_67 = tpu.memref_squeeze %dma_start3A_66 : memref<1x1x40x128xi32, #tpu.memory_space<hbm>> -> memref<40x128xi32, #tpu.memory_space<hbm>>
      tpu.enqueue_dma source(%dma_start3A_67 : memref<40x128xi32, #tpu.memory_space<hbm>>) target(%arg6 : memref<40x128xi32, #tpu.memory_space<vmem>>) target_semaphore(%run_scoped3A_59 : memref<!tpu.dma_semaphore, #tpu.memory_space<semaphore_mem>>)
      %dma_wait3A = arith.constant 0 : i32
      %dma_wait3A_68 = arith.constant 0 : i32
      %dma_wait3A_69 = tpu.memref_slice %arg3[%add3A, %run_scoped3A_39, %dma_wait3A, %dma_wait3A_68] : memref<32x2x40x128xi32, #tpu.memory_space<hbm>> -> memref<1x1x40x128xi32, #tpu.memory_space<hbm>>
      %dma_wait3A_70 = tpu.memref_squeeze %dma_wait3A_69 : memref<1x1x40x128xi32, #tpu.memory_space<hbm>> -> memref<40x128xi32, #tpu.memory_space<hbm>>
      %dma_wait3A_71 = arith.constant 0 : i32
      %dma_wait3A_72 = arith.constant 0 : i32
      %dma_wait3A_73 = tpu.memref_slice %arg3[%add3A, %run_scoped3A_39, %dma_wait3A_71, %dma_wait3A_72] : memref<32x2x40x128xi32, #tpu.memory_space<hbm>> -> memref<1x1x40x128xi32, #tpu.memory_space<hbm>>
      %dma_wait3A_74 = tpu.memref_squeeze %dma_wait3A_73 : memref<1x1x40x128xi32, #tpu.memory_space<hbm>> -> memref<40x128xi32, #tpu.memory_space<hbm>>
      tpu.wait_dma2 semaphore(%run_scoped3A_59 : memref<!tpu.dma_semaphore, #tpu.memory_space<semaphore_mem>>) src(%dma_wait3A_74 : memref<40x128xi32, #tpu.memory_space<hbm>>) dst(%arg6 : memref<40x128xi32, #tpu.memory_space<vmem>>)
      tpu.yield
    }) : () -> ()
    %run_scoped3A_40 = arith.constant 1 : i32
    "tpu.region"() ({
      %run_scoped3A_59 = tpu.sem_alloc : memref<!tpu.dma_semaphore, #tpu.memory_space<semaphore_mem>>
      %dma_start3A_60 = arith.constant 0 : i32
      %dma_start3A_61 = arith.constant 0 : i32
      %dma_start3A_62 = tpu.memref_slice %arg4[%add3A, %run_scoped3A_40, %dma_start3A_60, %dma_start3A_61] : memref<32x2x40x128xi32, #tpu.memory_space<hbm>> -> memref<1x1x40x128xi32, #tpu.memory_space<hbm>>
      %dma_start3A_63 = tpu.memref_squeeze %dma_start3A_62 : memref<1x1x40x128xi32, #tpu.memory_space<hbm>> -> memref<40x128xi32, #tpu.memory_space<hbm>>
      %dma_start3A_64 = arith.constant 0 : i32
      %dma_start3A_65 = arith.constant 0 : i32
      %dma_start3A_66 = tpu.memref_slice %arg4[%add3A, %run_scoped3A_40, %dma_start3A_64, %dma_start3A_65] : memref<32x2x40x128xi32, #tpu.memory_space<hbm>> -> memref<1x1x40x128xi32, #tpu.memory_space<hbm>>
      %dma_start3A_67 = tpu.memref_squeeze %dma_start3A_66 : memref<1x1x40x128xi32, #tpu.memory_space<hbm>> -> memref<40x128xi32, #tpu.memory_space<hbm>>
      tpu.enqueue_dma source(%dma_start3A_67 : memref<40x128xi32, #tpu.memory_space<hbm>>) target(%arg7 : memref<40x128xi32, #tpu.memory_space<vmem>>) target_semaphore(%run_scoped3A_59 : memref<!tpu.dma_semaphore, #tpu.memory_space<semaphore_mem>>)
      %dma_wait3A = arith.constant 0 : i32
      %dma_wait3A_68 = arith.constant 0 : i32
      %dma_wait3A_69 = tpu.memref_slice %arg4[%add3A, %run_scoped3A_40, %dma_wait3A, %dma_wait3A_68] : memref<32x2x40x128xi32, #tpu.memory_space<hbm>> -> memref<1x1x40x128xi32, #tpu.memory_space<hbm>>
      %dma_wait3A_70 = tpu.memref_squeeze %dma_wait3A_69 : memref<1x1x40x128xi32, #tpu.memory_space<hbm>> -> memref<40x128xi32, #tpu.memory_space<hbm>>
      %dma_wait3A_71 = arith.constant 0 : i32
      %dma_wait3A_72 = arith.constant 0 : i32
      %dma_wait3A_73 = tpu.memref_slice %arg4[%add3A, %run_scoped3A_40, %dma_wait3A_71, %dma_wait3A_72] : memref<32x2x40x128xi32, #tpu.memory_space<hbm>> -> memref<1x1x40x128xi32, #tpu.memory_space<hbm>>
      %dma_wait3A_74 = tpu.memref_squeeze %dma_wait3A_73 : memref<1x1x40x128xi32, #tpu.memory_space<hbm>> -> memref<40x128xi32, #tpu.memory_space<hbm>>
      tpu.wait_dma2 semaphore(%run_scoped3A_59 : memref<!tpu.dma_semaphore, #tpu.memory_space<semaphore_mem>>) src(%dma_wait3A_74 : memref<40x128xi32, #tpu.memory_space<hbm>>) dst(%arg7 : memref<40x128xi32, #tpu.memory_space<vmem>>)
      tpu.yield
    }) : () -> ()
    %dma_start3A_41 = arith.constant 0 : i32
    %dma_start3A_42 = arith.constant 0 : i32
    %dma_start3A_43 = tpu.memref_slice %arg6[%dma_start3A_41, %dma_start3A_42] : memref<40x128xi32, #tpu.memory_space<vmem>> -> memref<1x128xi32, #tpu.memory_space<vmem>>
    %dma_start3A_44 = tpu.memref_squeeze %dma_start3A_43 : memref<1x128xi32, #tpu.memory_space<vmem>> -> memref<128xi32, #tpu.memory_space<vmem>>
    %dma_start3A_45 = arith.constant 0 : i32
    %dma_start3A_46 = arith.constant 0 : i32
    %dma_start3A_47 = tpu.memref_slice %arg2[%dma_start3A_45, %dma_start3A_46] : memref<10000x128xf32, #tpu.memory_space<hbm>> -> memref<10000x128xf32, #tpu.memory_space<hbm>>
    tpu.enqueue_indirect_dma source(%dma_start3A_47 : memref<10000x128xf32, #tpu.memory_space<hbm>>) target(%arg8 : memref<128x128xf32, #tpu.memory_space<vmem>>) offsets(%dma_start3A_44 : memref<128xi32, #tpu.memory_space<vmem>>) semaphore(%arg11 : memref<!tpu.dma_semaphore, #tpu.memory_space<semaphore_mem>>)
    %scan3A_48 = arith.constant 0 : i32
    %scan3A_49 = arith.constant 0 : i32
    %scan3A_50 = arith.constant 20 : i32
    %scan3A_51 = arith.addi %scan3A_49, %scan3A_50 : i32
    %scan3A_52 = arith.constant 1 : i32
    scf.for %scan3A_59 = %scan3A_49 to %scan3A_51 step %scan3A_52  : i32 {
      %mul3A_60 = arith.constant 2 : i32
      %mul3A_61 = arith.muli %mul3A_60, %scan3A_59 : i32
      %add3A_62 = arith.constant 1 : i32
      %add3A_63 = arith.addi %mul3A_61, %add3A_62 : i32
      %dma_start3A_64 = arith.constant 0 : i32
      %dma_start3A_65 = tpu.memref_slice %arg6[%add3A_63, %dma_start3A_64] : memref<40x128xi32, #tpu.memory_space<vmem>> -> memref<1x128xi32, #tpu.memory_space<vmem>>
      %dma_start3A_66 = tpu.memref_squeeze %dma_start3A_65 : memref<1x128xi32, #tpu.memory_space<vmem>> -> memref<128xi32, #tpu.memory_space<vmem>>
      %dma_start3A_67 = arith.constant 0 : i32
      %dma_start3A_68 = arith.constant 0 : i32
      %dma_start3A_69 = tpu.memref_slice %arg2[%dma_start3A_67, %dma_start3A_68] : memref<10000x128xf32, #tpu.memory_space<hbm>> -> memref<10000x128xf32, #tpu.memory_space<hbm>>
      tpu.enqueue_indirect_dma source(%dma_start3A_69 : memref<10000x128xf32, #tpu.memory_space<hbm>>) target(%arg9 : memref<128x128xf32, #tpu.memory_space<vmem>>) offsets(%dma_start3A_66 : memref<128xi32, #tpu.memory_space<vmem>>) semaphore(%arg12 : memref<!tpu.dma_semaphore, #tpu.memory_space<semaphore_mem>>)
      %dma_wait3A = arith.constant 0 : i32
      %dma_wait3A_70 = tpu.memref_slice %arg6[%mul3A_61, %dma_wait3A] : memref<40x128xi32, #tpu.memory_space<vmem>> -> memref<1x128xi32, #tpu.memory_space<vmem>>
      %dma_wait3A_71 = tpu.memref_squeeze %dma_wait3A_70 : memref<1x128xi32, #tpu.memory_space<vmem>> -> memref<128xi32, #tpu.memory_space<vmem>>
      %dma_wait3A_72 = arith.constant 0 : i32
      %dma_wait3A_73 = arith.constant 0 : i32
      %dma_wait3A_74 = tpu.memref_slice %arg2[%dma_wait3A_72, %dma_wait3A_73] : memref<10000x128xf32, #tpu.memory_space<hbm>> -> memref<10000x128xf32, #tpu.memory_space<hbm>>
      tpu.wait_indirect_dma semaphore(%arg11 : memref<!tpu.dma_semaphore, #tpu.memory_space<semaphore_mem>>) src(%dma_wait3A_74 : memref<10000x128xf32, #tpu.memory_space<hbm>>) dst(%arg8 : memref<128x128xf32, #tpu.memory_space<vmem>>)
      %dma_start3A_75 = arith.constant 0 : i32
      %dma_start3A_76 = tpu.memref_slice %arg7[%mul3A_61, %dma_start3A_75] : memref<40x128xi32, #tpu.memory_space<vmem>> -> memref<1x128xi32, #tpu.memory_space<vmem>>
      %dma_start3A_77 = tpu.memref_squeeze %dma_start3A_76 : memref<1x128xi32, #tpu.memory_space<vmem>> -> memref<128xi32, #tpu.memory_space<vmem>>
      %dma_start3A_78 = arith.constant 0 : i32
      %dma_start3A_79 = arith.constant 0 : i32
      %dma_start3A_80 = tpu.memref_slice %arg10[%dma_start3A_78, %dma_start3A_79] : memref<10112x128xf32, #tpu.memory_space<vmem_shared>> -> memref<10112x128xf32, #tpu.memory_space<vmem_shared>>
      tpu.enqueue_indirect_dma source(%arg8 : memref<128x128xf32, #tpu.memory_space<vmem>>) target(%dma_start3A_80 : memref<10112x128xf32, #tpu.memory_space<vmem_shared>>) offsets(%dma_start3A_77 : memref<128xi32, #tpu.memory_space<vmem>>) semaphore(%arg13 : memref<!tpu.dma_semaphore, #tpu.memory_space<semaphore_mem>>) {add = true}
      %dma_wait3A_81 = arith.constant 0 : i32
      %dma_wait3A_82 = tpu.memref_slice %arg6[%add3A_63, %dma_wait3A_81] : memref<40x128xi32, #tpu.memory_space<vmem>> -> memref<1x128xi32, #tpu.memory_space<vmem>>
      %dma_wait3A_83 = tpu.memref_squeeze %dma_wait3A_82 : memref<1x128xi32, #tpu.memory_space<vmem>> -> memref<128xi32, #tpu.memory_space<vmem>>
      %dma_wait3A_84 = arith.constant 0 : i32
      %dma_wait3A_85 = arith.constant 0 : i32
      %dma_wait3A_86 = tpu.memref_slice %arg2[%dma_wait3A_84, %dma_wait3A_85] : memref<10000x128xf32, #tpu.memory_space<hbm>> -> memref<10000x128xf32, #tpu.memory_space<hbm>>
      tpu.wait_indirect_dma semaphore(%arg12 : memref<!tpu.dma_semaphore, #tpu.memory_space<semaphore_mem>>) src(%dma_wait3A_86 : memref<10000x128xf32, #tpu.memory_space<hbm>>) dst(%arg9 : memref<128x128xf32, #tpu.memory_space<vmem>>)
      %dma_start3A_87 = arith.constant 0 : i32
      %dma_start3A_88 = tpu.memref_slice %arg7[%add3A_63, %dma_start3A_87] : memref<40x128xi32, #tpu.memory_space<vmem>> -> memref<1x128xi32, #tpu.memory_space<vmem>>
      %dma_start3A_89 = tpu.memref_squeeze %dma_start3A_88 : memref<1x128xi32, #tpu.memory_space<vmem>> -> memref<128xi32, #tpu.memory_space<vmem>>
      %dma_start3A_90 = arith.constant 0 : i32
      %dma_start3A_91 = arith.constant 0 : i32
      %dma_start3A_92 = tpu.memref_slice %arg10[%dma_start3A_90, %dma_start3A_91] : memref<10112x128xf32, #tpu.memory_space<vmem_shared>> -> memref<10112x128xf32, #tpu.memory_space<vmem_shared>>
      tpu.enqueue_indirect_dma source(%arg9 : memref<128x128xf32, #tpu.memory_space<vmem>>) target(%dma_start3A_92 : memref<10112x128xf32, #tpu.memory_space<vmem_shared>>) offsets(%dma_start3A_89 : memref<128xi32, #tpu.memory_space<vmem>>) semaphore(%arg14 : memref<!tpu.dma_semaphore, #tpu.memory_space<semaphore_mem>>) {add = true}
      %dma_wait3A_93 = arith.constant 0 : i32
      %dma_wait3A_94 = tpu.memref_slice %arg7[%mul3A_61, %dma_wait3A_93] : memref<40x128xi32, #tpu.memory_space<vmem>> -> memref<1x128xi32, #tpu.memory_space<vmem>>
      %dma_wait3A_95 = tpu.memref_squeeze %dma_wait3A_94 : memref<1x128xi32, #tpu.memory_space<vmem>> -> memref<128xi32, #tpu.memory_space<vmem>>
      %dma_wait3A_96 = arith.constant 0 : i32
      %dma_wait3A_97 = arith.constant 0 : i32
      %dma_wait3A_98 = tpu.memref_slice %arg10[%dma_wait3A_96, %dma_wait3A_97] : memref<10112x128xf32, #tpu.memory_space<vmem_shared>> -> memref<10112x128xf32, #tpu.memory_space<vmem_shared>>
      tpu.wait_indirect_dma semaphore(%arg13 : memref<!tpu.dma_semaphore, #tpu.memory_space<semaphore_mem>>) src(%arg8 : memref<128x128xf32, #tpu.memory_space<vmem>>) dst(%dma_wait3A_98 : memref<10112x128xf32, #tpu.memory_space<vmem_shared>>)
      %add3A_99 = arith.constant 2 : i32
      %add3A_100 = arith.addi %mul3A_61, %add3A_99 : i32
      %lt3A = arith.constant 40 : i32
      %lt3A_101 = arith.cmpi slt, %add3A_100, %lt3A : i32
      %convert_element_type3A = arith.extui %lt3A_101 : i1 to i32
      %cond3A = arith.constant 0 : i32
      %cond3A_102 = arith.cmpi ne, %convert_element_type3A, %cond3A : i32
      scf.if %cond3A_102 {
        %add3A_109 = arith.constant 2 : i32
        %add3A_110 = arith.addi %mul3A_61, %add3A_109 : i32
        %dma_start3A_111 = arith.constant 0 : i32
        %dma_start3A_112 = tpu.memref_slice %arg6[%add3A_110, %dma_start3A_111] : memref<40x128xi32, #tpu.memory_space<vmem>> -> memref<1x128xi32, #tpu.memory_space<vmem>>
        %dma_start3A_113 = tpu.memref_squeeze %dma_start3A_112 : memref<1x128xi32, #tpu.memory_space<vmem>> -> memref<128xi32, #tpu.memory_space<vmem>>
        %dma_start3A_114 = arith.constant 0 : i32
        %dma_start3A_115 = arith.constant 0 : i32
        %dma_start3A_116 = tpu.memref_slice %arg2[%dma_start3A_114, %dma_start3A_115] : memref<10000x128xf32, #tpu.memory_space<hbm>> -> memref<10000x128xf32, #tpu.memory_space<hbm>>
        tpu.enqueue_indirect_dma source(%dma_start3A_116 : memref<10000x128xf32, #tpu.memory_space<hbm>>) target(%arg8 : memref<128x128xf32, #tpu.memory_space<vmem>>) offsets(%dma_start3A_113 : memref<128xi32, #tpu.memory_space<vmem>>) semaphore(%arg11 : memref<!tpu.dma_semaphore, #tpu.memory_space<semaphore_mem>>)
      } else {
      }
      %dma_wait3A_103 = arith.constant 0 : i32
      %dma_wait3A_104 = tpu.memref_slice %arg7[%add3A_63, %dma_wait3A_103] : memref<40x128xi32, #tpu.memory_space<vmem>> -> memref<1x128xi32, #tpu.memory_space<vmem>>
      %dma_wait3A_105 = tpu.memref_squeeze %dma_wait3A_104 : memref<1x128xi32, #tpu.memory_space<vmem>> -> memref<128xi32, #tpu.memory_space<vmem>>
      %dma_wait3A_106 = arith.constant 0 : i32
      %dma_wait3A_107 = arith.constant 0 : i32
      %dma_wait3A_108 = tpu.memref_slice %arg10[%dma_wait3A_106, %dma_wait3A_107] : memref<10112x128xf32, #tpu.memory_space<vmem_shared>> -> memref<10112x128xf32, #tpu.memory_space<vmem_shared>>
      tpu.wait_indirect_dma semaphore(%arg14 : memref<!tpu.dma_semaphore, #tpu.memory_space<semaphore_mem>>) src(%arg9 : memref<128x128xf32, #tpu.memory_space<vmem>>) dst(%dma_wait3A_108 : memref<10112x128xf32, #tpu.memory_space<vmem_shared>>)
    }
    %scan3A_53 = arith.constant 20 : i32
    %barrier3A_54 = arith.constant 0 : index
    tpu.barrier barrier_id(%barrier3A_54)
    %mul3A_55 = arith.constant 632 : i32
    %mul3A_56 = arith.muli %arg1, %mul3A_55 : i32
    %mul3A_57 = arith.constant 632 : i32
    %mul3A_58 = arith.muli %arg1, %mul3A_57 : i32
    "tpu.region"() ({
      %run_scoped3A_59 = tpu.sem_alloc : memref<!tpu.dma_semaphore, #tpu.memory_space<semaphore_mem>>
      %dma_start3A_60 = arith.constant 0 : i32
      %dma_start3A_61 = tpu.memref_slice %arg5[%arg0, %mul3A_58, %dma_start3A_60] : memref<2x10112x128xf32, #tpu.memory_space<hbm>> -> memref<1x632x128xf32, #tpu.memory_space<hbm>>
      %dma_start3A_62 = tpu.memref_squeeze %dma_start3A_61 : memref<1x632x128xf32, #tpu.memory_space<hbm>> -> memref<632x128xf32, #tpu.memory_space<hbm>>
      %dma_start3A_63 = arith.constant 0 : i32
      %dma_start3A_64 = tpu.memref_slice %arg10[%mul3A_56, %dma_start3A_63] : memref<10112x128xf32, #tpu.memory_space<vmem_shared>> -> memref<632x128xf32, #tpu.memory_space<vmem_shared>>
      tpu.enqueue_dma source(%dma_start3A_64 : memref<632x128xf32, #tpu.memory_space<vmem_shared>>) target(%dma_start3A_62 : memref<632x128xf32, #tpu.memory_space<hbm>>) target_semaphore(%run_scoped3A_59 : memref<!tpu.dma_semaphore, #tpu.memory_space<semaphore_mem>>)
      %dma_wait3A = arith.constant 0 : i32
      %dma_wait3A_65 = tpu.memref_slice %arg5[%arg0, %mul3A_58, %dma_wait3A] : memref<2x10112x128xf32, #tpu.memory_space<hbm>> -> memref<1x632x128xf32, #tpu.memory_space<hbm>>
      %dma_wait3A_66 = tpu.memref_squeeze %dma_wait3A_65 : memref<1x632x128xf32, #tpu.memory_space<hbm>> -> memref<632x128xf32, #tpu.memory_space<hbm>>
      %dma_wait3A_67 = arith.constant 0 : i32
      %dma_wait3A_68 = tpu.memref_slice %arg10[%mul3A_56, %dma_wait3A_67] : memref<10112x128xf32, #tpu.memory_space<vmem_shared>> -> memref<632x128xf32, #tpu.memory_space<vmem_shared>>
      tpu.wait_dma2 semaphore(%run_scoped3A_59 : memref<!tpu.dma_semaphore, #tpu.memory_space<semaphore_mem>>) src(%dma_wait3A_68 : memref<632x128xf32, #tpu.memory_space<vmem_shared>>) dst(%dma_wait3A_66 : memref<632x128xf32, #tpu.memory_space<hbm>>)
      tpu.yield
    }) : () -> ()
    return
  }
}

#map = affine_map<(d0, d1) -> (0, 0)>
#map1 = affine_map<(d0, d1) -> (0, 0, 0, 0)>
#map2 = affine_map<(d0, d1) -> (0, 0, 0)>
module attributes {stable_mosaic.version = 14 : i64} {
  func.func @sc_scatter(%arg0: i32, %arg1: i32, %arg2: memref<10000x128xf32, #tpu.memory_space<hbm>>, %arg3: memref<32x2x40x128xi32, #tpu.memory_space<hbm>>, %arg4: memref<32x2x40x128xi32, #tpu.memory_space<hbm>>, %arg5: memref<2x10112x128xf32, #tpu.memory_space<hbm>>, %arg6: memref<40x128xi32, #tpu.memory_space<vmem>>, %arg7: memref<40x128xi32, #tpu.memory_space<vmem>>, %arg8: memref<128x128xf32, #tpu.memory_space<vmem>>, %arg9: memref<128x128xf32, #tpu.memory_space<vmem>>, %arg10: memref<10112x128xf32, #tpu.memory_space<vmem_shared>>, %arg11: memref<!tpu.dma_semaphore, #tpu.memory_space<semaphore_mem>>, %arg12: memref<!tpu.dma_semaphore, #tpu.memory_space<semaphore_mem>>, %arg13: memref<!tpu.dma_semaphore, #tpu.memory_space<semaphore_mem>>, %arg14: memref<!tpu.dma_semaphore, #tpu.memory_space<semaphore_mem>>) attributes {dimension_semantics = [#tpu.dimension_semantics<core_parallel>, #tpu.dimension_semantics<subcore_parallel>], iteration_bounds = array<i64: 2, 16>, scalar_prefetch = 0 : i64, scratch_operands = 9 : i64, tpu.core_type = #tpu.core_type<sc_vector_subcore>, window_params = [{transform_indices = #map}, {transform_indices = #map1}, {transform_indices = #map1}, {transform_indices = #map2}]} {
    %mul3A = arith.constant 16 : i32
    %mul3A_0 = arith.muli %arg0, %mul3A : i32
    %add3A = arith.addi %mul3A_0, %arg1 : i32
    %scan3A = arith.constant 0 : i32
    %scan3A_1 = arith.constant 0 : i32
    %scan3A_2 = arith.constant 128 : i32
    %scan3A_3 = arith.addi %scan3A_1, %scan3A_2 : i32
    %scan3A_4 = arith.constant 1 : i32
    scf.for %scan3A_59 = %scan3A_1 to %scan3A_3 step %scan3A_4  : i32 {
      %broadcast_in_dim3A = arith.constant 0.000000e+00 : f32
      %broadcast_in_dim3A_60 = vector.broadcast %broadcast_in_dim3A : f32 to vector<16xf32>
      %swap3A = arith.index_cast %scan3A_59 : i32 to index
      %swap3A_61 = arith.constant 0 : index
      %swap3A_62 = tpu.vector_load %arg8[%swap3A, %swap3A_61] {strides = array<i32>} : memref<128x128xf32, #tpu.memory_space<vmem>>, vector<1x16xf32>,
      %swap3A_63 = vector.shape_cast %swap3A_62 : vector<1x16xf32> to vector<16xf32>
      %swap3A_64 = vector.shape_cast %broadcast_in_dim3A_60 : vector<16xf32> to vector<1x16xf32>
      tpu.vector_store %arg8[%swap3A, %swap3A_61], %swap3A_64 {strides = array<i32>} : memref<128x128xf32, #tpu.memory_space<vmem>>, vector<1x16xf32>,
      %broadcast_in_dim3A_65 = arith.constant 0.000000e+00 : f32
      %broadcast_in_dim3A_66 = vector.broadcast %broadcast_in_dim3A_65 : f32 to vector<16xf32>
      %swap3A_67 = arith.index_cast %scan3A_59 : i32 to index
      %swap3A_68 = arith.constant 16 : index
      %swap3A_69 = tpu.vector_load %arg8[%swap3A_67, %swap3A_68] {strides = array<i32>} : memref<128x128xf32, #tpu.memory_space<vmem>>, vector<1x16xf32>,
      %swap3A_70 = vector.shape_cast %swap3A_69 : vector<1x16xf32> to vector<16xf32>
      %swap3A_71 = vector.shape_cast %broadcast_in_dim3A_66 : vector<16xf32> to vector<1x16xf32>
      tpu.vector_store %arg8[%swap3A_67, %swap3A_68], %swap3A_71 {strides = array<i32>} : memref<128x128xf32, #tpu.memory_space<vmem>>, vector<1x16xf32>,
      %broadcast_in_dim3A_72 = arith.constant 0.000000e+00 : f32
      %broadcast_in_dim3A_73 = vector.broadcast %broadcast_in_dim3A_72 : f32 to vector<16xf32>
      %swap3A_74 = arith.index_cast %scan3A_59 : i32 to index
      %swap3A_75 = arith.constant 32 : index
      %swap3A_76 = tpu.vector_load %arg8[%swap3A_74, %swap3A_75] {strides = array<i32>} : memref<128x128xf32, #tpu.memory_space<vmem>>, vector<1x16xf32>,
      %swap3A_77 = vector.shape_cast %swap3A_76 : vector<1x16xf32> to vector<16xf32>
      %swap3A_78 = vector.shape_cast %broadcast_in_dim3A_73 : vector<16xf32> to vector<1x16xf32>
      tpu.vector_store %arg8[%swap3A_74, %swap3A_75], %swap3A_78 {strides = array<i32>} : memref<128x128xf32, #tpu.memory_space<vmem>>, vector<1x16xf32>,
      %broadcast_in_dim3A_79 = arith.constant 0.000000e+00 : f32
      %broadcast_in_dim3A_80 = vector.broadcast %broadcast_in_dim3A_79 : f32 to vector<16xf32>
      %swap3A_81 = arith.index_cast %scan3A_59 : i32 to index
      %swap3A_82 = arith.constant 48 : index
      %swap3A_83 = tpu.vector_load %arg8[%swap3A_81, %swap3A_82] {strides = array<i32>} : memref<128x128xf32, #tpu.memory_space<vmem>>, vector<1x16xf32>,
      %swap3A_84 = vector.shape_cast %swap3A_83 : vector<1x16xf32> to vector<16xf32>
      %swap3A_85 = vector.shape_cast %broadcast_in_dim3A_80 : vector<16xf32> to vector<1x16xf32>
      tpu.vector_store %arg8[%swap3A_81, %swap3A_82], %swap3A_85 {strides = array<i32>} : memref<128x128xf32, #tpu.memory_space<vmem>>, vector<1x16xf32>,
      %broadcast_in_dim3A_86 = arith.constant 0.000000e+00 : f32
      %broadcast_in_dim3A_87 = vector.broadcast %broadcast_in_dim3A_86 : f32 to vector<16xf32>
      %swap3A_88 = arith.index_cast %scan3A_59 : i32 to index
      %swap3A_89 = arith.constant 64 : index
      %swap3A_90 = tpu.vector_load %arg8[%swap3A_88, %swap3A_89] {strides = array<i32>} : memref<128x128xf32, #tpu.memory_space<vmem>>, vector<1x16xf32>,
      %swap3A_91 = vector.shape_cast %swap3A_90 : vector<1x16xf32> to vector<16xf32>
      %swap3A_92 = vector.shape_cast %broadcast_in_dim3A_87 : vector<16xf32> to vector<1x16xf32>
      tpu.vector_store %arg8[%swap3A_88, %swap3A_89], %swap3A_92 {strides = array<i32>} : memref<128x128xf32, #tpu.memory_space<vmem>>, vector<1x16xf32>,
      %broadcast_in_dim3A_93 = arith.constant 0.000000e+00 : f32
      %broadcast_in_dim3A_94 = vector.broadcast %broadcast_in_dim3A_93 : f32 to vector<16xf32>
      %swap3A_95 = arith.index_cast %scan3A_59 : i32 to index
      %swap3A_96 = arith.constant 80 : index
      %swap3A_97 = tpu.vector_load %arg8[%swap3A_95, %swap3A_96] {strides = array<i32>} : memref<128x128xf32, #tpu.memory_space<vmem>>, vector<1x16xf32>,
      %swap3A_98 = vector.shape_cast %swap3A_97 : vector<1x16xf32> to vector<16xf32>
      %swap3A_99 = vector.shape_cast %broadcast_in_dim3A_94 : vector<16xf32> to vector<1x16xf32>
      tpu.vector_store %arg8[%swap3A_95, %swap3A_96], %swap3A_99 {strides = array<i32>} : memref<128x128xf32, #tpu.memory_space<vmem>>, vector<1x16xf32>,
      %broadcast_in_dim3A_100 = arith.constant 0.000000e+00 : f32
      %broadcast_in_dim3A_101 = vector.broadcast %broadcast_in_dim3A_100 : f32 to vector<16xf32>
      %swap3A_102 = arith.index_cast %scan3A_59 : i32 to index
      %swap3A_103 = arith.constant 96 : index
      %swap3A_104 = tpu.vector_load %arg8[%swap3A_102, %swap3A_103] {strides = array<i32>} : memref<128x128xf32, #tpu.memory_space<vmem>>, vector<1x16xf32>,
      %swap3A_105 = vector.shape_cast %swap3A_104 : vector<1x16xf32> to vector<16xf32>
      %swap3A_106 = vector.shape_cast %broadcast_in_dim3A_101 : vector<16xf32> to vector<1x16xf32>
      tpu.vector_store %arg8[%swap3A_102, %swap3A_103], %swap3A_106 {strides = array<i32>} : memref<128x128xf32, #tpu.memory_space<vmem>>, vector<1x16xf32>,
      %broadcast_in_dim3A_107 = arith.constant 0.000000e+00 : f32
      %broadcast_in_dim3A_108 = vector.broadcast %broadcast_in_dim3A_107 : f32 to vector<16xf32>
      %swap3A_109 = arith.index_cast %scan3A_59 : i32 to index
      %swap3A_110 = arith.constant 112 : index
      %swap3A_111 = tpu.vector_load %arg8[%swap3A_109, %swap3A_110] {strides = array<i32>} : memref<128x128xf32, #tpu.memory_space<vmem>>, vector<1x16xf32>,
      %swap3A_112 = vector.shape_cast %swap3A_111 : vector<1x16xf32> to vector<16xf32>
      %swap3A_113 = vector.shape_cast %broadcast_in_dim3A_108 : vector<16xf32> to vector<1x16xf32>
      tpu.vector_store %arg8[%swap3A_109, %swap3A_110], %swap3A_113 {strides = array<i32>} : memref<128x128xf32, #tpu.memory_space<vmem>>, vector<1x16xf32>,
    }
    %scan3A_5 = arith.constant 128 : i32
    %mul3A_6 = arith.constant 632 : i32
    %mul3A_7 = arith.muli %arg1, %mul3A_6 : i32
    %add3A_8 = arith.constant 0 : i32
    %add3A_9 = arith.addi %mul3A_7, %add3A_8 : i32
    "tpu.region"() ({
      %run_scoped3A_59 = tpu.sem_alloc : memref<!tpu.dma_semaphore, #tpu.memory_space<semaphore_mem>>
      %dma_start3A_60 = arith.constant 0 : i32
      %dma_start3A_61 = arith.constant 0 : i32
      %dma_start3A_62 = tpu.memref_slice %arg8[%dma_start3A_60, %dma_start3A_61] : memref<128x128xf32, #tpu.memory_space<vmem>> -> memref<128x128xf32, #tpu.memory_space<vmem>>
      %dma_start3A_63 = arith.constant 0 : i32
      %dma_start3A_64 = tpu.memref_slice %arg10[%add3A_9, %dma_start3A_63] : memref<10112x128xf32, #tpu.memory_space<vmem_shared>> -> memref<128x128xf32, #tpu.memory_space<vmem_shared>>
      %dma_start3A_65 = arith.constant 0 : i32
      %dma_start3A_66 = tpu.memref_slice %arg10[%add3A_9, %dma_start3A_65] : memref<10112x128xf32, #tpu.memory_space<vmem_shared>> -> memref<128x128xf32, #tpu.memory_space<vmem_shared>>
      %dma_start3A_67 = arith.constant 0 : i32
      %dma_start3A_68 = arith.constant 0 : i32
      %dma_start3A_69 = tpu.memref_slice %arg8[%dma_start3A_67, %dma_start3A_68] : memref<128x128xf32, #tpu.memory_space<vmem>> -> memref<128x128xf32, #tpu.memory_space<vmem>>
      tpu.enqueue_dma source(%dma_start3A_69 : memref<128x128xf32, #tpu.memory_space<vmem>>) target(%dma_start3A_66 : memref<128x128xf32, #tpu.memory_space<vmem_shared>>) target_semaphore(%run_scoped3A_59 : memref<!tpu.dma_semaphore, #tpu.memory_space<semaphore_mem>>)
      %dma_wait3A = arith.constant 0 : i32
      %dma_wait3A_70 = arith.constant 0 : i32
      %dma_wait3A_71 = tpu.memref_slice %arg8[%dma_wait3A, %dma_wait3A_70] : memref<128x128xf32, #tpu.memory_space<vmem>> -> memref<128x128xf32, #tpu.memory_space<vmem>>
      %dma_wait3A_72 = arith.constant 0 : i32
      %dma_wait3A_73 = tpu.memref_slice %arg10[%add3A_9, %dma_wait3A_72] : memref<10112x128xf32, #tpu.memory_space<vmem_shared>> -> memref<128x128xf32, #tpu.memory_space<vmem_shared>>
      %dma_wait3A_74 = arith.constant 0 : i32
      %dma_wait3A_75 = tpu.memref_slice %arg10[%add3A_9, %dma_wait3A_74] : memref<10112x128xf32, #tpu.memory_space<vmem_shared>> -> memref<128x128xf32, #tpu.memory_space<vmem_shared>>
      %dma_wait3A_76 = arith.constant 0 : i32
      %dma_wait3A_77 = arith.constant 0 : i32
      %dma_wait3A_78 = tpu.memref_slice %arg8[%dma_wait3A_76, %dma_wait3A_77] : memref<128x128xf32, #tpu.memory_space<vmem>> -> memref<128x128xf32, #tpu.memory_space<vmem>>
      tpu.wait_dma2 semaphore(%run_scoped3A_59 : memref<!tpu.dma_semaphore, #tpu.memory_space<semaphore_mem>>) src(%dma_wait3A_78 : memref<128x128xf32, #tpu.memory_space<vmem>>) dst(%dma_wait3A_75 : memref<128x128xf32, #tpu.memory_space<vmem_shared>>)
      tpu.yield
    }) : () -> ()
    %mul3A_10 = arith.constant 632 : i32
    %mul3A_11 = arith.muli %arg1, %mul3A_10 : i32
    %add3A_12 = arith.constant 128 : i32
    %add3A_13 = arith.addi %mul3A_11, %add3A_12 : i32
    "tpu.region"() ({
      %run_scoped3A_59 = tpu.sem_alloc : memref<!tpu.dma_semaphore, #tpu.memory_space<semaphore_mem>>
      %dma_start3A_60 = arith.constant 0 : i32
      %dma_start3A_61 = arith.constant 0 : i32
      %dma_start3A_62 = tpu.memref_slice %arg8[%dma_start3A_60, %dma_start3A_61] : memref<128x128xf32, #tpu.memory_space<vmem>> -> memref<128x128xf32, #tpu.memory_space<vmem>>
      %dma_start3A_63 = arith.constant 0 : i32
      %dma_start3A_64 = tpu.memref_slice %arg10[%add3A_13, %dma_start3A_63] : memref<10112x128xf32, #tpu.memory_space<vmem_shared>> -> memref<128x128xf32, #tpu.memory_space<vmem_shared>>
      %dma_start3A_65 = arith.constant 0 : i32
      %dma_start3A_66 = tpu.memref_slice %arg10[%add3A_13, %dma_start3A_65] : memref<10112x128xf32, #tpu.memory_space<vmem_shared>> -> memref<128x128xf32, #tpu.memory_space<vmem_shared>>
      %dma_start3A_67 = arith.constant 0 : i32
      %dma_start3A_68 = arith.constant 0 : i32
      %dma_start3A_69 = tpu.memref_slice %arg8[%dma_start3A_67, %dma_start3A_68] : memref<128x128xf32, #tpu.memory_space<vmem>> -> memref<128x128xf32, #tpu.memory_space<vmem>>
      tpu.enqueue_dma source(%dma_start3A_69 : memref<128x128xf32, #tpu.memory_space<vmem>>) target(%dma_start3A_66 : memref<128x128xf32, #tpu.memory_space<vmem_shared>>) target_semaphore(%run_scoped3A_59 : memref<!tpu.dma_semaphore, #tpu.memory_space<semaphore_mem>>)
      %dma_wait3A = arith.constant 0 : i32
      %dma_wait3A_70 = arith.constant 0 : i32
      %dma_wait3A_71 = tpu.memref_slice %arg8[%dma_wait3A, %dma_wait3A_70] : memref<128x128xf32, #tpu.memory_space<vmem>> -> memref<128x128xf32, #tpu.memory_space<vmem>>
      %dma_wait3A_72 = arith.constant 0 : i32
      %dma_wait3A_73 = tpu.memref_slice %arg10[%add3A_13, %dma_wait3A_72] : memref<10112x128xf32, #tpu.memory_space<vmem_shared>> -> memref<128x128xf32, #tpu.memory_space<vmem_shared>>
      %dma_wait3A_74 = arith.constant 0 : i32
      %dma_wait3A_75 = tpu.memref_slice %arg10[%add3A_13, %dma_wait3A_74] : memref<10112x128xf32, #tpu.memory_space<vmem_shared>> -> memref<128x128xf32, #tpu.memory_space<vmem_shared>>
      %dma_wait3A_76 = arith.constant 0 : i32
      %dma_wait3A_77 = arith.constant 0 : i32
      %dma_wait3A_78 = tpu.memref_slice %arg8[%dma_wait3A_76, %dma_wait3A_77] : memref<128x128xf32, #tpu.memory_space<vmem>> -> memref<128x128xf32, #tpu.memory_space<vmem>>
      tpu.wait_dma2 semaphore(%run_scoped3A_59 : memref<!tpu.dma_semaphore, #tpu.memory_space<semaphore_mem>>) src(%dma_wait3A_78 : memref<128x128xf32, #tpu.memory_space<vmem>>) dst(%dma_wait3A_75 : memref<128x128xf32, #tpu.memory_space<vmem_shared>>)
      tpu.yield
    }) : () -> ()
    %mul3A_14 = arith.constant 632 : i32
    %mul3A_15 = arith.muli %arg1, %mul3A_14 : i32
    %add3A_16 = arith.constant 256 : i32
    %add3A_17 = arith.addi %mul3A_15, %add3A_16 : i32
    "tpu.region"() ({
      %run_scoped3A_59 = tpu.sem_alloc : memref<!tpu.dma_semaphore, #tpu.memory_space<semaphore_mem>>
      %dma_start3A_60 = arith.constant 0 : i32
      %dma_start3A_61 = arith.constant 0 : i32
      %dma_start3A_62 = tpu.memref_slice %arg8[%dma_start3A_60, %dma_start3A_61] : memref<128x128xf32, #tpu.memory_space<vmem>> -> memref<128x128xf32, #tpu.memory_space<vmem>>
      %dma_start3A_63 = arith.constant 0 : i32
      %dma_start3A_64 = tpu.memref_slice %arg10[%add3A_17, %dma_start3A_63] : memref<10112x128xf32, #tpu.memory_space<vmem_shared>> -> memref<128x128xf32, #tpu.memory_space<vmem_shared>>
      %dma_start3A_65 = arith.constant 0 : i32
      %dma_start3A_66 = tpu.memref_slice %arg10[%add3A_17, %dma_start3A_65] : memref<10112x128xf32, #tpu.memory_space<vmem_shared>> -> memref<128x128xf32, #tpu.memory_space<vmem_shared>>
      %dma_start3A_67 = arith.constant 0 : i32
      %dma_start3A_68 = arith.constant 0 : i32
      %dma_start3A_69 = tpu.memref_slice %arg8[%dma_start3A_67, %dma_start3A_68] : memref<128x128xf32, #tpu.memory_space<vmem>> -> memref<128x128xf32, #tpu.memory_space<vmem>>
      tpu.enqueue_dma source(%dma_start3A_69 : memref<128x128xf32, #tpu.memory_space<vmem>>) target(%dma_start3A_66 : memref<128x128xf32, #tpu.memory_space<vmem_shared>>) target_semaphore(%run_scoped3A_59 : memref<!tpu.dma_semaphore, #tpu.memory_space<semaphore_mem>>)
      %dma_wait3A = arith.constant 0 : i32
      %dma_wait3A_70 = arith.constant 0 : i32
      %dma_wait3A_71 = tpu.memref_slice %arg8[%dma_wait3A, %dma_wait3A_70] : memref<128x128xf32, #tpu.memory_space<vmem>> -> memref<128x128xf32, #tpu.memory_space<vmem>>
      %dma_wait3A_72 = arith.constant 0 : i32
      %dma_wait3A_73 = tpu.memref_slice %arg10[%add3A_17, %dma_wait3A_72] : memref<10112x128xf32, #tpu.memory_space<vmem_shared>> -> memref<128x128xf32, #tpu.memory_space<vmem_shared>>
      %dma_wait3A_74 = arith.constant 0 : i32
      %dma_wait3A_75 = tpu.memref_slice %arg10[%add3A_17, %dma_wait3A_74] : memref<10112x128xf32, #tpu.memory_space<vmem_shared>> -> memref<128x128xf32, #tpu.memory_space<vmem_shared>>
      %dma_wait3A_76 = arith.constant 0 : i32
      %dma_wait3A_77 = arith.constant 0 : i32
      %dma_wait3A_78 = tpu.memref_slice %arg8[%dma_wait3A_76, %dma_wait3A_77] : memref<128x128xf32, #tpu.memory_space<vmem>> -> memref<128x128xf32, #tpu.memory_space<vmem>>
      tpu.wait_dma2 semaphore(%run_scoped3A_59 : memref<!tpu.dma_semaphore, #tpu.memory_space<semaphore_mem>>) src(%dma_wait3A_78 : memref<128x128xf32, #tpu.memory_space<vmem>>) dst(%dma_wait3A_75 : memref<128x128xf32, #tpu.memory_space<vmem_shared>>)
      tpu.yield
    }) : () -> ()
    %mul3A_18 = arith.constant 632 : i32
    %mul3A_19 = arith.muli %arg1, %mul3A_18 : i32
    %add3A_20 = arith.constant 384 : i32
    %add3A_21 = arith.addi %mul3A_19, %add3A_20 : i32
    "tpu.region"() ({
      %run_scoped3A_59 = tpu.sem_alloc : memref<!tpu.dma_semaphore, #tpu.memory_space<semaphore_mem>>
      %dma_start3A_60 = arith.constant 0 : i32
      %dma_start3A_61 = arith.constant 0 : i32
      %dma_start3A_62 = tpu.memref_slice %arg8[%dma_start3A_60, %dma_start3A_61] : memref<128x128xf32, #tpu.memory_space<vmem>> -> memref<128x128xf32, #tpu.memory_space<vmem>>
      %dma_start3A_63 = arith.constant 0 : i32
      %dma_start3A_64 = tpu.memref_slice %arg10[%add3A_21, %dma_start3A_63] : memref<10112x128xf32, #tpu.memory_space<vmem_shared>> -> memref<128x128xf32, #tpu.memory_space<vmem_shared>>
      %dma_start3A_65 = arith.constant 0 : i32
      %dma_start3A_66 = tpu.memref_slice %arg10[%add3A_21, %dma_start3A_65] : memref<10112x128xf32, #tpu.memory_space<vmem_shared>> -> memref<128x128xf32, #tpu.memory_space<vmem_shared>>
      %dma_start3A_67 = arith.constant 0 : i32
      %dma_start3A_68 = arith.constant 0 : i32
      %dma_start3A_69 = tpu.memref_slice %arg8[%dma_start3A_67, %dma_start3A_68] : memref<128x128xf32, #tpu.memory_space<vmem>> -> memref<128x128xf32, #tpu.memory_space<vmem>>
      tpu.enqueue_dma source(%dma_start3A_69 : memref<128x128xf32, #tpu.memory_space<vmem>>) target(%dma_start3A_66 : memref<128x128xf32, #tpu.memory_space<vmem_shared>>) target_semaphore(%run_scoped3A_59 : memref<!tpu.dma_semaphore, #tpu.memory_space<semaphore_mem>>)
      %dma_wait3A = arith.constant 0 : i32
      %dma_wait3A_70 = arith.constant 0 : i32
      %dma_wait3A_71 = tpu.memref_slice %arg8[%dma_wait3A, %dma_wait3A_70] : memref<128x128xf32, #tpu.memory_space<vmem>> -> memref<128x128xf32, #tpu.memory_space<vmem>>
      %dma_wait3A_72 = arith.constant 0 : i32
      %dma_wait3A_73 = tpu.memref_slice %arg10[%add3A_21, %dma_wait3A_72] : memref<10112x128xf32, #tpu.memory_space<vmem_shared>> -> memref<128x128xf32, #tpu.memory_space<vmem_shared>>
      %dma_wait3A_74 = arith.constant 0 : i32
      %dma_wait3A_75 = tpu.memref_slice %arg10[%add3A_21, %dma_wait3A_74] : memref<10112x128xf32, #tpu.memory_space<vmem_shared>> -> memref<128x128xf32, #tpu.memory_space<vmem_shared>>
      %dma_wait3A_76 = arith.constant 0 : i32
      %dma_wait3A_77 = arith.constant 0 : i32
      %dma_wait3A_78 = tpu.memref_slice %arg8[%dma_wait3A_76, %dma_wait3A_77] : memref<128x128xf32, #tpu.memory_space<vmem>> -> memref<128x128xf32, #tpu.memory_space<vmem>>
      tpu.wait_dma2 semaphore(%run_scoped3A_59 : memref<!tpu.dma_semaphore, #tpu.memory_space<semaphore_mem>>) src(%dma_wait3A_78 : memref<128x128xf32, #tpu.memory_space<vmem>>) dst(%dma_wait3A_75 : memref<128x128xf32, #tpu.memory_space<vmem_shared>>)
      tpu.yield
    }) : () -> ()
    %mul3A_22 = arith.constant 632 : i32
    %mul3A_23 = arith.muli %arg1, %mul3A_22 : i32
    %add3A_24 = arith.constant 512 : i32
    %add3A_25 = arith.addi %mul3A_23, %add3A_24 : i32
    "tpu.region"() ({
      %run_scoped3A_59 = tpu.sem_alloc : memref<!tpu.dma_semaphore, #tpu.memory_space<semaphore_mem>>
      %dma_start3A_60 = arith.constant 0 : i32
      %dma_start3A_61 = arith.constant 0 : i32
      %dma_start3A_62 = tpu.memref_slice %arg8[%dma_start3A_60, %dma_start3A_61] : memref<128x128xf32, #tpu.memory_space<vmem>> -> memref<120x128xf32, #tpu.memory_space<vmem>>
      %dma_start3A_63 = arith.constant 0 : i32
      %dma_start3A_64 = tpu.memref_slice %arg10[%add3A_25, %dma_start3A_63] : memref<10112x128xf32, #tpu.memory_space<vmem_shared>> -> memref<120x128xf32, #tpu.memory_space<vmem_shared>>
      %dma_start3A_65 = arith.constant 0 : i32
      %dma_start3A_66 = tpu.memref_slice %arg10[%add3A_25, %dma_start3A_65] : memref<10112x128xf32, #tpu.memory_space<vmem_shared>> -> memref<120x128xf32, #tpu.memory_space<vmem_shared>>
      %dma_start3A_67 = arith.constant 0 : i32
      %dma_start3A_68 = arith.constant 0 : i32
      %dma_start3A_69 = tpu.memref_slice %arg8[%dma_start3A_67, %dma_start3A_68] : memref<128x128xf32, #tpu.memory_space<vmem>> -> memref<120x128xf32, #tpu.memory_space<vmem>>
      tpu.enqueue_dma source(%dma_start3A_69 : memref<120x128xf32, #tpu.memory_space<vmem>>) target(%dma_start3A_66 : memref<120x128xf32, #tpu.memory_space<vmem_shared>>) target_semaphore(%run_scoped3A_59 : memref<!tpu.dma_semaphore, #tpu.memory_space<semaphore_mem>>)
      %dma_wait3A = arith.constant 0 : i32
      %dma_wait3A_70 = arith.constant 0 : i32
      %dma_wait3A_71 = tpu.memref_slice %arg8[%dma_wait3A, %dma_wait3A_70] : memref<128x128xf32, #tpu.memory_space<vmem>> -> memref<120x128xf32, #tpu.memory_space<vmem>>
      %dma_wait3A_72 = arith.constant 0 : i32
      %dma_wait3A_73 = tpu.memref_slice %arg10[%add3A_25, %dma_wait3A_72] : memref<10112x128xf32, #tpu.memory_space<vmem_shared>> -> memref<120x128xf32, #tpu.memory_space<vmem_shared>>
      %dma_wait3A_74 = arith.constant 0 : i32
      %dma_wait3A_75 = tpu.memref_slice %arg10[%add3A_25, %dma_wait3A_74] : memref<10112x128xf32, #tpu.memory_space<vmem_shared>> -> memref<120x128xf32, #tpu.memory_space<vmem_shared>>
      %dma_wait3A_76 = arith.constant 0 : i32
      %dma_wait3A_77 = arith.constant 0 : i32
      %dma_wait3A_78 = tpu.memref_slice %arg8[%dma_wait3A_76, %dma_wait3A_77] : memref<128x128xf32, #tpu.memory_space<vmem>> -> memref<120x128xf32, #tpu.memory_space<vmem>>
      tpu.wait_dma2 semaphore(%run_scoped3A_59 : memref<!tpu.dma_semaphore, #tpu.memory_space<semaphore_mem>>) src(%dma_wait3A_78 : memref<120x128xf32, #tpu.memory_space<vmem>>) dst(%dma_wait3A_75 : memref<120x128xf32, #tpu.memory_space<vmem_shared>>)
      tpu.yield
    }) : () -> ()
    %barrier3A = arith.constant 0 : index
    tpu.barrier barrier_id(%barrier3A)
    %run_scoped3A = arith.constant 0 : i32
    "tpu.region"() ({
      %run_scoped3A_59 = tpu.sem_alloc : memref<!tpu.dma_semaphore, #tpu.memory_space<semaphore_mem>>
      %dma_start3A_60 = arith.constant 0 : i32
      %dma_start3A_61 = arith.constant 0 : i32
      %dma_start3A_62 = tpu.memref_slice %arg3[%add3A, %run_scoped3A, %dma_start3A_60, %dma_start3A_61] : memref<32x2x40x128xi32, #tpu.memory_space<hbm>> -> memref<1x1x40x128xi32, #tpu.memory_space<hbm>>
      %dma_start3A_63 = tpu.memref_squeeze %dma_start3A_62 : memref<1x1x40x128xi32, #tpu.memory_space<hbm>> -> memref<40x128xi32, #tpu.memory_space<hbm>>
      %dma_start3A_64 = arith.constant 0 : i32
      %dma_start3A_65 = arith.constant 0 : i32
      %dma_start3A_66 = tpu.memref_slice %arg3[%add3A, %run_scoped3A, %dma_start3A_64, %dma_start3A_65] : memref<32x2x40x128xi32, #tpu.memory_space<hbm>> -> memref<1x1x40x128xi32, #tpu.memory_space<hbm>>
      %dma_start3A_67 = tpu.memref_squeeze %dma_start3A_66 : memref<1x1x40x128xi32, #tpu.memory_space<hbm>> -> memref<40x128xi32, #tpu.memory_space<hbm>>
      tpu.enqueue_dma source(%dma_start3A_67 : memref<40x128xi32, #tpu.memory_space<hbm>>) target(%arg6 : memref<40x128xi32, #tpu.memory_space<vmem>>) target_semaphore(%run_scoped3A_59 : memref<!tpu.dma_semaphore, #tpu.memory_space<semaphore_mem>>)
      %dma_wait3A = arith.constant 0 : i32
      %dma_wait3A_68 = arith.constant 0 : i32
      %dma_wait3A_69 = tpu.memref_slice %arg3[%add3A, %run_scoped3A, %dma_wait3A, %dma_wait3A_68] : memref<32x2x40x128xi32, #tpu.memory_space<hbm>> -> memref<1x1x40x128xi32, #tpu.memory_space<hbm>>
      %dma_wait3A_70 = tpu.memref_squeeze %dma_wait3A_69 : memref<1x1x40x128xi32, #tpu.memory_space<hbm>> -> memref<40x128xi32, #tpu.memory_space<hbm>>
      %dma_wait3A_71 = arith.constant 0 : i32
      %dma_wait3A_72 = arith.constant 0 : i32
      %dma_wait3A_73 = tpu.memref_slice %arg3[%add3A, %run_scoped3A, %dma_wait3A_71, %dma_wait3A_72] : memref<32x2x40x128xi32, #tpu.memory_space<hbm>> -> memref<1x1x40x128xi32, #tpu.memory_space<hbm>>
      %dma_wait3A_74 = tpu.memref_squeeze %dma_wait3A_73 : memref<1x1x40x128xi32, #tpu.memory_space<hbm>> -> memref<40x128xi32, #tpu.memory_space<hbm>>
      tpu.wait_dma2 semaphore(%run_scoped3A_59 : memref<!tpu.dma_semaphore, #tpu.memory_space<semaphore_mem>>) src(%dma_wait3A_74 : memref<40x128xi32, #tpu.memory_space<hbm>>) dst(%arg6 : memref<40x128xi32, #tpu.memory_space<vmem>>)
      tpu.yield
    }) : () -> ()
    %run_scoped3A_26 = arith.constant 0 : i32
    "tpu.region"() ({
      %run_scoped3A_59 = tpu.sem_alloc : memref<!tpu.dma_semaphore, #tpu.memory_space<semaphore_mem>>
      %dma_start3A_60 = arith.constant 0 : i32
      %dma_start3A_61 = arith.constant 0 : i32
      %dma_start3A_62 = tpu.memref_slice %arg4[%add3A, %run_scoped3A_26, %dma_start3A_60, %dma_start3A_61] : memref<32x2x40x128xi32, #tpu.memory_space<hbm>> -> memref<1x1x40x128xi32, #tpu.memory_space<hbm>>
      %dma_start3A_63 = tpu.memref_squeeze %dma_start3A_62 : memref<1x1x40x128xi32, #tpu.memory_space<hbm>> -> memref<40x128xi32, #tpu.memory_space<hbm>>
      %dma_start3A_64 = arith.constant 0 : i32
      %dma_start3A_65 = arith.constant 0 : i32
      %dma_start3A_66 = tpu.memref_slice %arg4[%add3A, %run_scoped3A_26, %dma_start3A_64, %dma_start3A_65] : memref<32x2x40x128xi32, #tpu.memory_space<hbm>> -> memref<1x1x40x128xi32, #tpu.memory_space<hbm>>
      %dma_start3A_67 = tpu.memref_squeeze %dma_start3A_66 : memref<1x1x40x128xi32, #tpu.memory_space<hbm>> -> memref<40x128xi32, #tpu.memory_space<hbm>>
      tpu.enqueue_dma source(%dma_start3A_67 : memref<40x128xi32, #tpu.memory_space<hbm>>) target(%arg7 : memref<40x128xi32, #tpu.memory_space<vmem>>) target_semaphore(%run_scoped3A_59 : memref<!tpu.dma_semaphore, #tpu.memory_space<semaphore_mem>>)
      %dma_wait3A = arith.constant 0 : i32
      %dma_wait3A_68 = arith.constant 0 : i32
      %dma_wait3A_69 = tpu.memref_slice %arg4[%add3A, %run_scoped3A_26, %dma_wait3A, %dma_wait3A_68] : memref<32x2x40x128xi32, #tpu.memory_space<hbm>> -> memref<1x1x40x128xi32, #tpu.memory_space<hbm>>
      %dma_wait3A_70 = tpu.memref_squeeze %dma_wait3A_69 : memref<1x1x40x128xi32, #tpu.memory_space<hbm>> -> memref<40x128xi32, #tpu.memory_space<hbm>>
      %dma_wait3A_71 = arith.constant 0 : i32
      %dma_wait3A_72 = arith.constant 0 : i32
      %dma_wait3A_73 = tpu.memref_slice %arg4[%add3A, %run_scoped3A_26, %dma_wait3A_71, %dma_wait3A_72] : memref<32x2x40x128xi32, #tpu.memory_space<hbm>> -> memref<1x1x40x128xi32, #tpu.memory_space<hbm>>
      %dma_wait3A_74 = tpu.memref_squeeze %dma_wait3A_73 : memref<1x1x40x128xi32, #tpu.memory_space<hbm>> -> memref<40x128xi32, #tpu.memory_space<hbm>>
      tpu.wait_dma2 semaphore(%run_scoped3A_59 : memref<!tpu.dma_semaphore, #tpu.memory_space<semaphore_mem>>) src(%dma_wait3A_74 : memref<40x128xi32, #tpu.memory_space<hbm>>) dst(%arg7 : memref<40x128xi32, #tpu.memory_space<vmem>>)
      tpu.yield
    }) : () -> ()
    %dma_start3A = arith.constant 0 : i32
    %dma_start3A_27 = arith.constant 0 : i32
    %dma_start3A_28 = tpu.memref_slice %arg6[%dma_start3A, %dma_start3A_27] : memref<40x128xi32, #tpu.memory_space<vmem>> -> memref<1x128xi32, #tpu.memory_space<vmem>>
    %dma_start3A_29 = tpu.memref_squeeze %dma_start3A_28 : memref<1x128xi32, #tpu.memory_space<vmem>> -> memref<128xi32, #tpu.memory_space<vmem>>
    %dma_start3A_30 = arith.constant 0 : i32
    %dma_start3A_31 = arith.constant 0 : i32
    %dma_start3A_32 = tpu.memref_slice %arg2[%dma_start3A_30, %dma_start3A_31] : memref<10000x128xf32, #tpu.memory_space<hbm>> -> memref<10000x128xf32, #tpu.memory_space<hbm>>
    tpu.enqueue_indirect_dma source(%dma_start3A_32 : memref<10000x128xf32, #tpu.memory_space<hbm>>) target(%arg8 : memref<128x128xf32, #tpu.memory_space<vmem>>) offsets(%dma_start3A_29 : memref<128xi32, #tpu.memory_space<vmem>>) semaphore(%arg11 : memref<!tpu.dma_semaphore, #tpu.memory_space<semaphore_mem>>)
    %scan3A_33 = arith.constant 0 : i32
    %scan3A_34 = arith.constant 0 : i32
    %scan3A_35 = arith.constant 20 : i32
    %scan3A_36 = arith.addi %scan3A_34, %scan3A_35 : i32
    %scan3A_37 = arith.constant 1 : i32
    scf.for %scan3A_59 = %scan3A_34 to %scan3A_36 step %scan3A_37  : i32 {
      %mul3A_60 = arith.constant 2 : i32
      %mul3A_61 = arith.muli %mul3A_60, %scan3A_59 : i32
      %add3A_62 = arith.constant 1 : i32
      %add3A_63 = arith.addi %mul3A_61, %add3A_62 : i32
      %dma_start3A_64 = arith.constant 0 : i32
      %dma_start3A_65 = tpu.memref_slice %arg6[%add3A_63, %dma_start3A_64] : memref<40x128xi32, #tpu.memory_space<vmem>> -> memref<1x128xi32, #tpu.memory_space<vmem>>
      %dma_start3A_66 = tpu.memref_squeeze %dma_start3A_65 : memref<1x128xi32, #tpu.memory_space<vmem>> -> memref<128xi32, #tpu.memory_space<vmem>>
      %dma_start3A_67 = arith.constant 0 : i32
      %dma_start3A_68 = arith.constant 0 : i32
      %dma_start3A_69 = tpu.memref_slice %arg2[%dma_start3A_67, %dma_start3A_68] : memref<10000x128xf32, #tpu.memory_space<hbm>> -> memref<10000x128xf32, #tpu.memory_space<hbm>>
      tpu.enqueue_indirect_dma source(%dma_start3A_69 : memref<10000x128xf32, #tpu.memory_space<hbm>>) target(%arg9 : memref<128x128xf32, #tpu.memory_space<vmem>>) offsets(%dma_start3A_66 : memref<128xi32, #tpu.memory_space<vmem>>) semaphore(%arg12 : memref<!tpu.dma_semaphore, #tpu.memory_space<semaphore_mem>>)
      %dma_wait3A = arith.constant 0 : i32
      %dma_wait3A_70 = tpu.memref_slice %arg6[%mul3A_61, %dma_wait3A] : memref<40x128xi32, #tpu.memory_space<vmem>> -> memref<1x128xi32, #tpu.memory_space<vmem>>
      %dma_wait3A_71 = tpu.memref_squeeze %dma_wait3A_70 : memref<1x128xi32, #tpu.memory_space<vmem>> -> memref<128xi32, #tpu.memory_space<vmem>>
      %dma_wait3A_72 = arith.constant 0 : i32
      %dma_wait3A_73 = arith.constant 0 : i32
      %dma_wait3A_74 = tpu.memref_slice %arg2[%dma_wait3A_72, %dma_wait3A_73] : memref<10000x128xf32, #tpu.memory_space<hbm>> -> memref<10000x128xf32, #tpu.memory_space<hbm>>
      tpu.wait_indirect_dma semaphore(%arg11 : memref<!tpu.dma_semaphore, #tpu.memory_space<semaphore_mem>>) src(%dma_wait3A_74 : memref<10000x128xf32, #tpu.memory_space<hbm>>) dst(%arg8 : memref<128x128xf32, #tpu.memory_space<vmem>>)
      %dma_start3A_75 = arith.constant 0 : i32
      %dma_start3A_76 = tpu.memref_slice %arg7[%mul3A_61, %dma_start3A_75] : memref<40x128xi32, #tpu.memory_space<vmem>> -> memref<1x128xi32, #tpu.memory_space<vmem>>
      %dma_start3A_77 = tpu.memref_squeeze %dma_start3A_76 : memref<1x128xi32, #tpu.memory_space<vmem>> -> memref<128xi32, #tpu.memory_space<vmem>>
      %dma_start3A_78 = arith.constant 0 : i32
      %dma_start3A_79 = arith.constant 0 : i32
      %dma_start3A_80 = tpu.memref_slice %arg10[%dma_start3A_78, %dma_start3A_79] : memref<10112x128xf32, #tpu.memory_space<vmem_shared>> -> memref<10112x128xf32, #tpu.memory_space<vmem_shared>>
      tpu.enqueue_indirect_dma source(%arg8 : memref<128x128xf32, #tpu.memory_space<vmem>>) target(%dma_start3A_80 : memref<10112x128xf32, #tpu.memory_space<vmem_shared>>) offsets(%dma_start3A_77 : memref<128xi32, #tpu.memory_space<vmem>>) semaphore(%arg13 : memref<!tpu.dma_semaphore, #tpu.memory_space<semaphore_mem>>) {add = true}
      %dma_wait3A_81 = arith.constant 0 : i32
      %dma_wait3A_82 = tpu.memref_slice %arg6[%add3A_63, %dma_wait3A_81] : memref<40x128xi32, #tpu.memory_space<vmem>> -> memref<1x128xi32, #tpu.memory_space<vmem>>
      %dma_wait3A_83 = tpu.memref_squeeze %dma_wait3A_82 : memref<1x128xi32, #tpu.memory_space<vmem>> -> memref<128xi32, #tpu.memory_space<vmem>>
      %dma_wait3A_84 = arith.constant 0 : i32
      %dma_wait3A_85 = arith.constant 0 : i32
      %dma_wait3A_86 = tpu.memref_slice %arg2[%dma_wait3A_84, %dma_wait3A_85] : memref<10000x128xf32, #tpu.memory_space<hbm>> -> memref<10000x128xf32, #tpu.memory_space<hbm>>
      tpu.wait_indirect_dma semaphore(%arg12 : memref<!tpu.dma_semaphore, #tpu.memory_space<semaphore_mem>>) src(%dma_wait3A_86 : memref<10000x128xf32, #tpu.memory_space<hbm>>) dst(%arg9 : memref<128x128xf32, #tpu.memory_space<vmem>>)
      %dma_start3A_87 = arith.constant 0 : i32
      %dma_start3A_88 = tpu.memref_slice %arg7[%add3A_63, %dma_start3A_87] : memref<40x128xi32, #tpu.memory_space<vmem>> -> memref<1x128xi32, #tpu.memory_space<vmem>>
      %dma_start3A_89 = tpu.memref_squeeze %dma_start3A_88 : memref<1x128xi32, #tpu.memory_space<vmem>> -> memref<128xi32, #tpu.memory_space<vmem>>
      %dma_start3A_90 = arith.constant 0 : i32
      %dma_start3A_91 = arith.constant 0 : i32
      %dma_start3A_92 = tpu.memref_slice %arg10[%dma_start3A_90, %dma_start3A_91] : memref<10112x128xf32, #tpu.memory_space<vmem_shared>> -> memref<10112x128xf32, #tpu.memory_space<vmem_shared>>
      tpu.enqueue_indirect_dma source(%arg9 : memref<128x128xf32, #tpu.memory_space<vmem>>) target(%dma_start3A_92 : memref<10112x128xf32, #tpu.memory_space<vmem_shared>>) offsets(%dma_start3A_89 : memref<128xi32, #tpu.memory_space<vmem>>) semaphore(%arg14 : memref<!tpu.dma_semaphore, #tpu.memory_space<semaphore_mem>>) {add = true}
      %dma_wait3A_93 = arith.constant 0 : i32
      %dma_wait3A_94 = tpu.memref_slice %arg7[%mul3A_61, %dma_wait3A_93] : memref<40x128xi32, #tpu.memory_space<vmem>> -> memref<1x128xi32, #tpu.memory_space<vmem>>
      %dma_wait3A_95 = tpu.memref_squeeze %dma_wait3A_94 : memref<1x128xi32, #tpu.memory_space<vmem>> -> memref<128xi32, #tpu.memory_space<vmem>>
      %dma_wait3A_96 = arith.constant 0 : i32
      %dma_wait3A_97 = arith.constant 0 : i32
      %dma_wait3A_98 = tpu.memref_slice %arg10[%dma_wait3A_96, %dma_wait3A_97] : memref<10112x128xf32, #tpu.memory_space<vmem_shared>> -> memref<10112x128xf32, #tpu.memory_space<vmem_shared>>
      tpu.wait_indirect_dma semaphore(%arg13 : memref<!tpu.dma_semaphore, #tpu.memory_space<semaphore_mem>>) src(%arg8 : memref<128x128xf32, #tpu.memory_space<vmem>>) dst(%dma_wait3A_98 : memref<10112x128xf32, #tpu.memory_space<vmem_shared>>)
      %add3A_99 = arith.constant 2 : i32
      %add3A_100 = arith.addi %mul3A_61, %add3A_99 : i32
      %lt3A = arith.constant 40 : i32
      %lt3A_101 = arith.cmpi slt, %add3A_100, %lt3A : i32
      %convert_element_type3A = arith.extui %lt3A_101 : i1 to i32
      %cond3A = arith.constant 0 : i32
      %cond3A_102 = arith.cmpi ne, %convert_element_type3A, %cond3A : i32
      scf.if %cond3A_102 {
        %add3A_109 = arith.constant 2 : i32
        %add3A_110 = arith.addi %mul3A_61, %add3A_109 : i32
        %dma_start3A_111 = arith.constant 0 : i32
        %dma_start3A_112 = tpu.memref_slice %arg6[%add3A_110, %dma_start3A_111] : memref<40x128xi32, #tpu.memory_space<vmem>> -> memref<1x128xi32, #tpu.memory_space<vmem>>
        %dma_start3A_113 = tpu.memref_squeeze %dma_start3A_112 : memref<1x128xi32, #tpu.memory_space<vmem>> -> memref<128xi32, #tpu.memory_space<vmem>>
        %dma_start3A_114 = arith.constant 0 : i32
        %dma_start3A_115 = arith.constant 0 : i32
        %dma_start3A_116 = tpu.memref_slice %arg2[%dma_start3A_114, %dma_start3A_115] : memref<10000x128xf32, #tpu.memory_space<hbm>> -> memref<10000x128xf32, #tpu.memory_space<hbm>>
        tpu.enqueue_indirect_dma source(%dma_start3A_116 : memref<10000x128xf32, #tpu.memory_space<hbm>>) target(%arg8 : memref<128x128xf32, #tpu.memory_space<vmem>>) offsets(%dma_start3A_113 : memref<128xi32, #tpu.memory_space<vmem>>) semaphore(%arg11 : memref<!tpu.dma_semaphore, #tpu.memory_space<semaphore_mem>>)
      } else {
      }
      %dma_wait3A_103 = arith.constant 0 : i32
      %dma_wait3A_104 = tpu.memref_slice %arg7[%add3A_63, %dma_wait3A_103] : memref<40x128xi32, #tpu.memory_space<vmem>> -> memref<1x128xi32, #tpu.memory_space<vmem>>
      %dma_wait3A_105 = tpu.memref_squeeze %dma_wait3A_104 : memref<1x128xi32, #tpu.memory_space<vmem>> -> memref<128xi32, #tpu.memory_space<vmem>>
      %dma_wait3A_106 = arith.constant 0 : i32
      %dma_wait3A_107 = arith.constant 0 : i32
      %dma_wait3A_108 = tpu.memref_slice %arg10[%dma_wait3A_106, %dma_wait3A_107] : memref<10112x128xf32, #tpu.memory_space<vmem_shared>> -> memref<10112x128xf32, #tpu.memory_space<vmem_shared>>
      tpu.wait_indirect_dma semaphore(%arg14 : memref<!tpu.dma_semaphore, #tpu.memory_space<semaphore_mem>>) src(%arg9 : memref<128x128xf32, #tpu.memory_space<vmem>>) dst(%dma_wait3A_108 : memref<10112x128xf32, #tpu.memory_space<vmem_shared>>)
    }
    %scan3A_38 = arith.constant 20 : i32
    %run_scoped3A_39 = arith.constant 1 : i32
    "tpu.region"() ({
      %run_scoped3A_59 = tpu.sem_alloc : memref<!tpu.dma_semaphore, #tpu.memory_space<semaphore_mem>>
      %dma_start3A_60 = arith.constant 0 : i32
      %dma_start3A_61 = arith.constant 0 : i32
      %dma_start3A_62 = tpu.memref_slice %arg3[%add3A, %run_scoped3A_39, %dma_start3A_60, %dma_start3A_61] : memref<32x2x40x128xi32, #tpu.memory_space<hbm>> -> memref<1x1x40x128xi32, #tpu.memory_space<hbm>>
      %dma_start3A_63 = tpu.memref_squeeze %dma_start3A_62 : memref<1x1x40x128xi32, #tpu.memory_space<hbm>> -> memref<40x128xi32, #tpu.memory_space<hbm>>
      %dma_start3A_64 = arith.constant 0 : i32
      %dma_start3A_65 = arith.constant 0 : i32
      %dma_start3A_66 = tpu.memref_slice %arg3[%add3A, %run_scoped3A_39, %dma_start3A_64, %dma_start3A_65] : memref<32x2x40x128xi32, #tpu.memory_space<hbm>> -> memref<1x1x40x128xi32, #tpu.memory_space<hbm>>
      %dma_start3A_67 = tpu.memref_squeeze %dma_start3A_66 : memref<1x1x40x128xi32, #tpu.memory_space<hbm>> -> memref<40x128xi32, #tpu.memory_space<hbm>>
      tpu.enqueue_dma source(%dma_start3A_67 : memref<40x128xi32, #tpu.memory_space<hbm>>) target(%arg6 : memref<40x128xi32, #tpu.memory_space<vmem>>) target_semaphore(%run_scoped3A_59 : memref<!tpu.dma_semaphore, #tpu.memory_space<semaphore_mem>>)
      %dma_wait3A = arith.constant 0 : i32
      %dma_wait3A_68 = arith.constant 0 : i32
      %dma_wait3A_69 = tpu.memref_slice %arg3[%add3A, %run_scoped3A_39, %dma_wait3A, %dma_wait3A_68] : memref<32x2x40x128xi32, #tpu.memory_space<hbm>> -> memref<1x1x40x128xi32, #tpu.memory_space<hbm>>
      %dma_wait3A_70 = tpu.memref_squeeze %dma_wait3A_69 : memref<1x1x40x128xi32, #tpu.memory_space<hbm>> -> memref<40x128xi32, #tpu.memory_space<hbm>>
      %dma_wait3A_71 = arith.constant 0 : i32
      %dma_wait3A_72 = arith.constant 0 : i32
      %dma_wait3A_73 = tpu.memref_slice %arg3[%add3A, %run_scoped3A_39, %dma_wait3A_71, %dma_wait3A_72] : memref<32x2x40x128xi32, #tpu.memory_space<hbm>> -> memref<1x1x40x128xi32, #tpu.memory_space<hbm>>
      %dma_wait3A_74 = tpu.memref_squeeze %dma_wait3A_73 : memref<1x1x40x128xi32, #tpu.memory_space<hbm>> -> memref<40x128xi32, #tpu.memory_space<hbm>>
      tpu.wait_dma2 semaphore(%run_scoped3A_59 : memref<!tpu.dma_semaphore, #tpu.memory_space<semaphore_mem>>) src(%dma_wait3A_74 : memref<40x128xi32, #tpu.memory_space<hbm>>) dst(%arg6 : memref<40x128xi32, #tpu.memory_space<vmem>>)
      tpu.yield
    }) : () -> ()
    %run_scoped3A_40 = arith.constant 1 : i32
    "tpu.region"() ({
      %run_scoped3A_59 = tpu.sem_alloc : memref<!tpu.dma_semaphore, #tpu.memory_space<semaphore_mem>>
      %dma_start3A_60 = arith.constant 0 : i32
      %dma_start3A_61 = arith.constant 0 : i32
      %dma_start3A_62 = tpu.memref_slice %arg4[%add3A, %run_scoped3A_40, %dma_start3A_60, %dma_start3A_61] : memref<32x2x40x128xi32, #tpu.memory_space<hbm>> -> memref<1x1x40x128xi32, #tpu.memory_space<hbm>>
      %dma_start3A_63 = tpu.memref_squeeze %dma_start3A_62 : memref<1x1x40x128xi32, #tpu.memory_space<hbm>> -> memref<40x128xi32, #tpu.memory_space<hbm>>
      %dma_start3A_64 = arith.constant 0 : i32
      %dma_start3A_65 = arith.constant 0 : i32
      %dma_start3A_66 = tpu.memref_slice %arg4[%add3A, %run_scoped3A_40, %dma_start3A_64, %dma_start3A_65] : memref<32x2x40x128xi32, #tpu.memory_space<hbm>> -> memref<1x1x40x128xi32, #tpu.memory_space<hbm>>
      %dma_start3A_67 = tpu.memref_squeeze %dma_start3A_66 : memref<1x1x40x128xi32, #tpu.memory_space<hbm>> -> memref<40x128xi32, #tpu.memory_space<hbm>>
      tpu.enqueue_dma source(%dma_start3A_67 : memref<40x128xi32, #tpu.memory_space<hbm>>) target(%arg7 : memref<40x128xi32, #tpu.memory_space<vmem>>) target_semaphore(%run_scoped3A_59 : memref<!tpu.dma_semaphore, #tpu.memory_space<semaphore_mem>>)
      %dma_wait3A = arith.constant 0 : i32
      %dma_wait3A_68 = arith.constant 0 : i32
      %dma_wait3A_69 = tpu.memref_slice %arg4[%add3A, %run_scoped3A_40, %dma_wait3A, %dma_wait3A_68] : memref<32x2x40x128xi32, #tpu.memory_space<hbm>> -> memref<1x1x40x128xi32, #tpu.memory_space<hbm>>
      %dma_wait3A_70 = tpu.memref_squeeze %dma_wait3A_69 : memref<1x1x40x128xi32, #tpu.memory_space<hbm>> -> memref<40x128xi32, #tpu.memory_space<hbm>>
      %dma_wait3A_71 = arith.constant 0 : i32
      %dma_wait3A_72 = arith.constant 0 : i32
      %dma_wait3A_73 = tpu.memref_slice %arg4[%add3A, %run_scoped3A_40, %dma_wait3A_71, %dma_wait3A_72] : memref<32x2x40x128xi32, #tpu.memory_space<hbm>> -> memref<1x1x40x128xi32, #tpu.memory_space<hbm>>
      %dma_wait3A_74 = tpu.memref_squeeze %dma_wait3A_73 : memref<1x1x40x128xi32, #tpu.memory_space<hbm>> -> memref<40x128xi32, #tpu.memory_space<hbm>>
      tpu.wait_dma2 semaphore(%run_scoped3A_59 : memref<!tpu.dma_semaphore, #tpu.memory_space<semaphore_mem>>) src(%dma_wait3A_74 : memref<40x128xi32, #tpu.memory_space<hbm>>) dst(%arg7 : memref<40x128xi32, #tpu.memory_space<vmem>>)
      tpu.yield
    }) : () -> ()
    %dma_start3A_41 = arith.constant 0 : i32
    %dma_start3A_42 = arith.constant 0 : i32
    %dma_start3A_43 = tpu.memref_slice %arg6[%dma_start3A_41, %dma_start3A_42] : memref<40x128xi32, #tpu.memory_space<vmem>> -> memref<1x128xi32, #tpu.memory_space<vmem>>
    %dma_start3A_44 = tpu.memref_squeeze %dma_start3A_43 : memref<1x128xi32, #tpu.memory_space<vmem>> -> memref<128xi32, #tpu.memory_space<vmem>>
    %dma_start3A_45 = arith.constant 0 : i32
    %dma_start3A_46 = arith.constant 0 : i32
    %dma_start3A_47 = tpu.memref_slice %arg2[%dma_start3A_45, %dma_start3A_46] : memref<10000x128xf32, #tpu.memory_space<hbm>> -> memref<10000x128xf32, #tpu.memory_space<hbm>>
    tpu.enqueue_indirect_dma source(%dma_start3A_47 : memref<10000x128xf32, #tpu.memory_space<hbm>>) target(%arg8 : memref<128x128xf32, #tpu.memory_space<vmem>>) offsets(%dma_start3A_44 : memref<128xi32, #tpu.memory_space<vmem>>) semaphore(%arg11 : memref<!tpu.dma_semaphore, #tpu.memory_space<semaphore_mem>>)
    %scan3A_48 = arith.constant 0 : i32
    %scan3A_49 = arith.constant 0 : i32
    %scan3A_50 = arith.constant 20 : i32
    %scan3A_51 = arith.addi %scan3A_49, %scan3A_50 : i32
    %scan3A_52 = arith.constant 1 : i32
    scf.for %scan3A_59 = %scan3A_49 to %scan3A_51 step %scan3A_52  : i32 {
      %mul3A_60 = arith.constant 2 : i32
      %mul3A_61 = arith.muli %mul3A_60, %scan3A_59 : i32
      %add3A_62 = arith.constant 1 : i32
      %add3A_63 = arith.addi %mul3A_61, %add3A_62 : i32
      %dma_start3A_64 = arith.constant 0 : i32
      %dma_start3A_65 = tpu.memref_slice %arg6[%add3A_63, %dma_start3A_64] : memref<40x128xi32, #tpu.memory_space<vmem>> -> memref<1x128xi32, #tpu.memory_space<vmem>>
      %dma_start3A_66 = tpu.memref_squeeze %dma_start3A_65 : memref<1x128xi32, #tpu.memory_space<vmem>> -> memref<128xi32, #tpu.memory_space<vmem>>
      %dma_start3A_67 = arith.constant 0 : i32
      %dma_start3A_68 = arith.constant 0 : i32
      %dma_start3A_69 = tpu.memref_slice %arg2[%dma_start3A_67, %dma_start3A_68] : memref<10000x128xf32, #tpu.memory_space<hbm>> -> memref<10000x128xf32, #tpu.memory_space<hbm>>
      tpu.enqueue_indirect_dma source(%dma_start3A_69 : memref<10000x128xf32, #tpu.memory_space<hbm>>) target(%arg9 : memref<128x128xf32, #tpu.memory_space<vmem>>) offsets(%dma_start3A_66 : memref<128xi32, #tpu.memory_space<vmem>>) semaphore(%arg12 : memref<!tpu.dma_semaphore, #tpu.memory_space<semaphore_mem>>)
      %dma_wait3A = arith.constant 0 : i32
      %dma_wait3A_70 = tpu.memref_slice %arg6[%mul3A_61, %dma_wait3A] : memref<40x128xi32, #tpu.memory_space<vmem>> -> memref<1x128xi32, #tpu.memory_space<vmem>>
      %dma_wait3A_71 = tpu.memref_squeeze %dma_wait3A_70 : memref<1x128xi32, #tpu.memory_space<vmem>> -> memref<128xi32, #tpu.memory_space<vmem>>
      %dma_wait3A_72 = arith.constant 0 : i32
      %dma_wait3A_73 = arith.constant 0 : i32
      %dma_wait3A_74 = tpu.memref_slice %arg2[%dma_wait3A_72, %dma_wait3A_73] : memref<10000x128xf32, #tpu.memory_space<hbm>> -> memref<10000x128xf32, #tpu.memory_space<hbm>>
      tpu.wait_indirect_dma semaphore(%arg11 : memref<!tpu.dma_semaphore, #tpu.memory_space<semaphore_mem>>) src(%dma_wait3A_74 : memref<10000x128xf32, #tpu.memory_space<hbm>>) dst(%arg8 : memref<128x128xf32, #tpu.memory_space<vmem>>)
      %dma_start3A_75 = arith.constant 0 : i32
      %dma_start3A_76 = tpu.memref_slice %arg7[%mul3A_61, %dma_start3A_75] : memref<40x128xi32, #tpu.memory_space<vmem>> -> memref<1x128xi32, #tpu.memory_space<vmem>>
      %dma_start3A_77 = tpu.memref_squeeze %dma_start3A_76 : memref<1x128xi32, #tpu.memory_space<vmem>> -> memref<128xi32, #tpu.memory_space<vmem>>
      %dma_start3A_78 = arith.constant 0 : i32
      %dma_start3A_79 = arith.constant 0 : i32
      %dma_start3A_80 = tpu.memref_slice %arg10[%dma_start3A_78, %dma_start3A_79] : memref<10112x128xf32, #tpu.memory_space<vmem_shared>> -> memref<10112x128xf32, #tpu.memory_space<vmem_shared>>
      tpu.enqueue_indirect_dma source(%arg8 : memref<128x128xf32, #tpu.memory_space<vmem>>) target(%dma_start3A_80 : memref<10112x128xf32, #tpu.memory_space<vmem_shared>>) offsets(%dma_start3A_77 : memref<128xi32, #tpu.memory_space<vmem>>) semaphore(%arg13 : memref<!tpu.dma_semaphore, #tpu.memory_space<semaphore_mem>>) {add = true}
      %dma_wait3A_81 = arith.constant 0 : i32
      %dma_wait3A_82 = tpu.memref_slice %arg6[%add3A_63, %dma_wait3A_81] : memref<40x128xi32, #tpu.memory_space<vmem>> -> memref<1x128xi32, #tpu.memory_space<vmem>>
      %dma_wait3A_83 = tpu.memref_squeeze %dma_wait3A_82 : memref<1x128xi32, #tpu.memory_space<vmem>> -> memref<128xi32, #tpu.memory_space<vmem>>
      %dma_wait3A_84 = arith.constant 0 : i32
      %dma_wait3A_85 = arith.constant 0 : i32
      %dma_wait3A_86 = tpu.memref_slice %arg2[%dma_wait3A_84, %dma_wait3A_85] : memref<10000x128xf32, #tpu.memory_space<hbm>> -> memref<10000x128xf32, #tpu.memory_space<hbm>>
      tpu.wait_indirect_dma semaphore(%arg12 : memref<!tpu.dma_semaphore, #tpu.memory_space<semaphore_mem>>) src(%dma_wait3A_86 : memref<10000x128xf32, #tpu.memory_space<hbm>>) dst(%arg9 : memref<128x128xf32, #tpu.memory_space<vmem>>)
      %dma_start3A_87 = arith.constant 0 : i32
      %dma_start3A_88 = tpu.memref_slice %arg7[%add3A_63, %dma_start3A_87] : memref<40x128xi32, #tpu.memory_space<vmem>> -> memref<1x128xi32, #tpu.memory_space<vmem>>
      %dma_start3A_89 = tpu.memref_squeeze %dma_start3A_88 : memref<1x128xi32, #tpu.memory_space<vmem>> -> memref<128xi32, #tpu.memory_space<vmem>>
      %dma_start3A_90 = arith.constant 0 : i32
      %dma_start3A_91 = arith.constant 0 : i32
      %dma_start3A_92 = tpu.memref_slice %arg10[%dma_start3A_90, %dma_start3A_91] : memref<10112x128xf32, #tpu.memory_space<vmem_shared>> -> memref<10112x128xf32, #tpu.memory_space<vmem_shared>>
      tpu.enqueue_indirect_dma source(%arg9 : memref<128x128xf32, #tpu.memory_space<vmem>>) target(%dma_start3A_92 : memref<10112x128xf32, #tpu.memory_space<vmem_shared>>) offsets(%dma_start3A_89 : memref<128xi32, #tpu.memory_space<vmem>>) semaphore(%arg14 : memref<!tpu.dma_semaphore, #tpu.memory_space<semaphore_mem>>) {add = true}
      %dma_wait3A_93 = arith.constant 0 : i32
      %dma_wait3A_94 = tpu.memref_slice %arg7[%mul3A_61, %dma_wait3A_93] : memref<40x128xi32, #tpu.memory_space<vmem>> -> memref<1x128xi32, #tpu.memory_space<vmem>>
      %dma_wait3A_95 = tpu.memref_squeeze %dma_wait3A_94 : memref<1x128xi32, #tpu.memory_space<vmem>> -> memref<128xi32, #tpu.memory_space<vmem>>
      %dma_wait3A_96 = arith.constant 0 : i32
      %dma_wait3A_97 = arith.constant 0 : i32
      %dma_wait3A_98 = tpu.memref_slice %arg10[%dma_wait3A_96, %dma_wait3A_97] : memref<10112x128xf32, #tpu.memory_space<vmem_shared>> -> memref<10112x128xf32, #tpu.memory_space<vmem_shared>>
      tpu.wait_indirect_dma semaphore(%arg13 : memref<!tpu.dma_semaphore, #tpu.memory_space<semaphore_mem>>) src(%arg8 : memref<128x128xf32, #tpu.memory_space<vmem>>) dst(%dma_wait3A_98 : memref<10112x128xf32, #tpu.memory_space<vmem_shared>>)
      %add3A_99 = arith.constant 2 : i32
      %add3A_100 = arith.addi %mul3A_61, %add3A_99 : i32
      %lt3A = arith.constant 40 : i32
      %lt3A_101 = arith.cmpi slt, %add3A_100, %lt3A : i32
      %convert_element_type3A = arith.extui %lt3A_101 : i1 to i32
      %cond3A = arith.constant 0 : i32
      %cond3A_102 = arith.cmpi ne, %convert_element_type3A, %cond3A : i32
      scf.if %cond3A_102 {
        %add3A_109 = arith.constant 2 : i32
        %add3A_110 = arith.addi %mul3A_61, %add3A_109 : i32
        %dma_start3A_111 = arith.constant 0 : i32
        %dma_start3A_112 = tpu.memref_slice %arg6[%add3A_110, %dma_start3A_111] : memref<40x128xi32, #tpu.memory_space<vmem>> -> memref<1x128xi32, #tpu.memory_space<vmem>>
        %dma_start3A_113 = tpu.memref_squeeze %dma_start3A_112 : memref<1x128xi32, #tpu.memory_space<vmem>> -> memref<128xi32, #tpu.memory_space<vmem>>
        %dma_start3A_114 = arith.constant 0 : i32
        %dma_start3A_115 = arith.constant 0 : i32
        %dma_start3A_116 = tpu.memref_slice %arg2[%dma_start3A_114, %dma_start3A_115] : memref<10000x128xf32, #tpu.memory_space<hbm>> -> memref<10000x128xf32, #tpu.memory_space<hbm>>
        tpu.enqueue_indirect_dma source(%dma_start3A_116 : memref<10000x128xf32, #tpu.memory_space<hbm>>) target(%arg8 : memref<128x128xf32, #tpu.memory_space<vmem>>) offsets(%dma_start3A_113 : memref<128xi32, #tpu.memory_space<vmem>>) semaphore(%arg11 : memref<!tpu.dma_semaphore, #tpu.memory_space<semaphore_mem>>)
      } else {
      }
      %dma_wait3A_103 = arith.constant 0 : i32
      %dma_wait3A_104 = tpu.memref_slice %arg7[%add3A_63, %dma_wait3A_103] : memref<40x128xi32, #tpu.memory_space<vmem>> -> memref<1x128xi32, #tpu.memory_space<vmem>>
      %dma_wait3A_105 = tpu.memref_squeeze %dma_wait3A_104 : memref<1x128xi32, #tpu.memory_space<vmem>> -> memref<128xi32, #tpu.memory_space<vmem>>
      %dma_wait3A_106 = arith.constant 0 : i32
      %dma_wait3A_107 = arith.constant 0 : i32
      %dma_wait3A_108 = tpu.memref_slice %arg10[%dma_wait3A_106, %dma_wait3A_107] : memref<10112x128xf32, #tpu.memory_space<vmem_shared>> -> memref<10112x128xf32, #tpu.memory_space<vmem_shared>>
      tpu.wait_indirect_dma semaphore(%arg14 : memref<!tpu.dma_semaphore, #tpu.memory_space<semaphore_mem>>) src(%arg9 : memref<128x128xf32, #tpu.memory_space<vmem>>) dst(%dma_wait3A_108 : memref<10112x128xf32, #tpu.memory_space<vmem_shared>>)
    }
    %scan3A_53 = arith.constant 20 : i32
    %barrier3A_54 = arith.constant 0 : index
    tpu.barrier barrier_id(%barrier3A_54)
    %mul3A_55 = arith.constant 632 : i32
    %mul3A_56 = arith.muli %arg1, %mul3A_55 : i32
    %mul3A_57 = arith.constant 632 : i32
    %mul3A_58 = arith.muli %arg1, %mul3A_57 : i32
    "tpu.region"() ({
      %run_scoped3A_59 = tpu.sem_alloc : memref<!tpu.dma_semaphore, #tpu.memory_space<semaphore_mem>>
      %dma_start3A_60 = arith.constant 0 : i32
      %dma_start3A_61 = tpu.memref_slice %arg5[%arg0, %mul3A_58, %dma_start3A_60] : memref<2x10112x128xf32, #tpu.memory_space<hbm>> -> memref<1x632x128xf32, #tpu.memory_space<hbm>>
      %dma_start3A_62 = tpu.memref_squeeze %dma_start3A_61 : memref<1x632x128xf32, #tpu.memory_space<hbm>> -> memref<632x128xf32, #tpu.memory_space<hbm>>
      %dma_start3A_63 = arith.constant 0 : i32
      %dma_start3A_64 = tpu.memref_slice %arg10[%mul3A_56, %dma_start3A_63] : memref<10112x128xf32, #tpu.memory_space<vmem_shared>> -> memref<632x128xf32, #tpu.memory_space<vmem_shared>>
      tpu.enqueue_dma source(%dma_start3A_64 : memref<632x128xf32, #tpu.memory_space<vmem_shared>>) target(%dma_start3A_62 : memref<632x128xf32, #tpu.memory_space<hbm>>) target_semaphore(%run_scoped3A_59 : memref<!tpu.dma_semaphore, #tpu.memory_space<semaphore_mem>>)
      %dma_wait3A = arith.constant 0 : i32
      %dma_wait3A_65 = tpu.memref_slice %arg5[%arg0, %mul3A_58, %dma_wait3A] : memref<2x10112x128xf32, #tpu.memory_space<hbm>> -> memref<1x632x128xf32, #tpu.memory_space<hbm>>
      %dma_wait3A_66 = tpu.memref_squeeze %dma_wait3A_65 : memref<1x632x128xf32, #tpu.memory_space<hbm>> -> memref<632x128xf32, #tpu.memory_space<hbm>>
      %dma_wait3A_67 = arith.constant 0 : i32
      %dma_wait3A_68 = tpu.memref_slice %arg10[%mul3A_56, %dma_wait3A_67] : memref<10112x128xf32, #tpu.memory_space<vmem_shared>> -> memref<632x128xf32, #tpu.memory_space<vmem_shared>>
      tpu.wait_dma2 semaphore(%run_scoped3A_59 : memref<!tpu.dma_semaphore, #tpu.memory_space<semaphore_mem>>) src(%dma_wait3A_68 : memref<632x128xf32, #tpu.memory_space<vmem_shared>>) dst(%dma_wait3A_66 : memref<632x128xf32, #tpu.memory_space<hbm>>)
      tpu.yield
    }) : () -> ()
    return
  }
}

#map = affine_map<(d0, d1) -> (0, 0)>
#map1 = affine_map<(d0, d1) -> (0, 0, 0, 0)>
#map2 = affine_map<(d0, d1) -> (0, 0, 0)>
module attributes {stable_mosaic.version = 14 : i64} {
  func.func @sc_scatter(%arg0: i32, %arg1: i32, %arg2: memref<10000x128xf32, #tpu.memory_space<hbm>>, %arg3: memref<32x2x40x128xi32, #tpu.memory_space<hbm>>, %arg4: memref<32x2x40x128xi32, #tpu.memory_space<hbm>>, %arg5: memref<2x10112x128xf32, #tpu.memory_space<hbm>>, %arg6: memref<40x128xi32, #tpu.memory_space<vmem>>, %arg7: memref<40x128xi32, #tpu.memory_space<vmem>>, %arg8: memref<128x128xf32, #tpu.memory_space<vmem>>, %arg9: memref<128x128xf32, #tpu.memory_space<vmem>>, %arg10: memref<10112x128xf32, #tpu.memory_space<vmem_shared>>, %arg11: memref<!tpu.dma_semaphore, #tpu.memory_space<semaphore_mem>>, %arg12: memref<!tpu.dma_semaphore, #tpu.memory_space<semaphore_mem>>, %arg13: memref<!tpu.dma_semaphore, #tpu.memory_space<semaphore_mem>>, %arg14: memref<!tpu.dma_semaphore, #tpu.memory_space<semaphore_mem>>) attributes {dimension_semantics = [#tpu.dimension_semantics<core_parallel>, #tpu.dimension_semantics<subcore_parallel>], iteration_bounds = array<i64: 2, 16>, scalar_prefetch = 0 : i64, scratch_operands = 9 : i64, tpu.core_type = #tpu.core_type<sc_vector_subcore>, window_params = [{transform_indices = #map}, {transform_indices = #map1}, {transform_indices = #map1}, {transform_indices = #map2}]} {
    %mul3A = arith.constant 16 : i32
    %mul3A_0 = arith.muli %arg0, %mul3A : i32
    %add3A = arith.addi %mul3A_0, %arg1 : i32
    %scan3A = arith.constant 0 : i32
    %scan3A_1 = arith.constant 0 : i32
    %scan3A_2 = arith.constant 128 : i32
    %scan3A_3 = arith.addi %scan3A_1, %scan3A_2 : i32
    %scan3A_4 = arith.constant 1 : i32
    scf.for %scan3A_59 = %scan3A_1 to %scan3A_3 step %scan3A_4  : i32 {
      %broadcast_in_dim3A = arith.constant 0.000000e+00 : f32
      %broadcast_in_dim3A_60 = vector.broadcast %broadcast_in_dim3A : f32 to vector<16xf32>
      %swap3A = arith.index_cast %scan3A_59 : i32 to index
      %swap3A_61 = arith.constant 0 : index
      %swap3A_62 = tpu.vector_load %arg8[%swap3A, %swap3A_61] {strides = array<i32>} : memref<128x128xf32, #tpu.memory_space<vmem>>, vector<1x16xf32>,
      %swap3A_63 = vector.shape_cast %swap3A_62 : vector<1x16xf32> to vector<16xf32>
      %swap3A_64 = vector.shape_cast %broadcast_in_dim3A_60 : vector<16xf32> to vector<1x16xf32>
      tpu.vector_store %arg8[%swap3A, %swap3A_61], %swap3A_64 {strides = array<i32>} : memref<128x128xf32, #tpu.memory_space<vmem>>, vector<1x16xf32>,
      %broadcast_in_dim3A_65 = arith.constant 0.000000e+00 : f32
      %broadcast_in_dim3A_66 = vector.broadcast %broadcast_in_dim3A_65 : f32 to vector<16xf32>
      %swap3A_67 = arith.index_cast %scan3A_59 : i32 to index
      %swap3A_68 = arith.constant 16 : index
      %swap3A_69 = tpu.vector_load %arg8[%swap3A_67, %swap3A_68] {strides = array<i32>} : memref<128x128xf32, #tpu.memory_space<vmem>>, vector<1x16xf32>,
      %swap3A_70 = vector.shape_cast %swap3A_69 : vector<1x16xf32> to vector<16xf32>
      %swap3A_71 = vector.shape_cast %broadcast_in_dim3A_66 : vector<16xf32> to vector<1x16xf32>
      tpu.vector_store %arg8[%swap3A_67, %swap3A_68], %swap3A_71 {strides = array<i32>} : memref<128x128xf32, #tpu.memory_space<vmem>>, vector<1x16xf32>,
      %broadcast_in_dim3A_72 = arith.constant 0.000000e+00 : f32
      %broadcast_in_dim3A_73 = vector.broadcast %broadcast_in_dim3A_72 : f32 to vector<16xf32>
      %swap3A_74 = arith.index_cast %scan3A_59 : i32 to index
      %swap3A_75 = arith.constant 32 : index
      %swap3A_76 = tpu.vector_load %arg8[%swap3A_74, %swap3A_75] {strides = array<i32>} : memref<128x128xf32, #tpu.memory_space<vmem>>, vector<1x16xf32>,
      %swap3A_77 = vector.shape_cast %swap3A_76 : vector<1x16xf32> to vector<16xf32>
      %swap3A_78 = vector.shape_cast %broadcast_in_dim3A_73 : vector<16xf32> to vector<1x16xf32>
      tpu.vector_store %arg8[%swap3A_74, %swap3A_75], %swap3A_78 {strides = array<i32>} : memref<128x128xf32, #tpu.memory_space<vmem>>, vector<1x16xf32>,
      %broadcast_in_dim3A_79 = arith.constant 0.000000e+00 : f32
      %broadcast_in_dim3A_80 = vector.broadcast %broadcast_in_dim3A_79 : f32 to vector<16xf32>
      %swap3A_81 = arith.index_cast %scan3A_59 : i32 to index
      %swap3A_82 = arith.constant 48 : index
      %swap3A_83 = tpu.vector_load %arg8[%swap3A_81, %swap3A_82] {strides = array<i32>} : memref<128x128xf32, #tpu.memory_space<vmem>>, vector<1x16xf32>,
      %swap3A_84 = vector.shape_cast %swap3A_83 : vector<1x16xf32> to vector<16xf32>
      %swap3A_85 = vector.shape_cast %broadcast_in_dim3A_80 : vector<16xf32> to vector<1x16xf32>
      tpu.vector_store %arg8[%swap3A_81, %swap3A_82], %swap3A_85 {strides = array<i32>} : memref<128x128xf32, #tpu.memory_space<vmem>>, vector<1x16xf32>,
      %broadcast_in_dim3A_86 = arith.constant 0.000000e+00 : f32
      %broadcast_in_dim3A_87 = vector.broadcast %broadcast_in_dim3A_86 : f32 to vector<16xf32>
      %swap3A_88 = arith.index_cast %scan3A_59 : i32 to index
      %swap3A_89 = arith.constant 64 : index
      %swap3A_90 = tpu.vector_load %arg8[%swap3A_88, %swap3A_89] {strides = array<i32>} : memref<128x128xf32, #tpu.memory_space<vmem>>, vector<1x16xf32>,
      %swap3A_91 = vector.shape_cast %swap3A_90 : vector<1x16xf32> to vector<16xf32>
      %swap3A_92 = vector.shape_cast %broadcast_in_dim3A_87 : vector<16xf32> to vector<1x16xf32>
      tpu.vector_store %arg8[%swap3A_88, %swap3A_89], %swap3A_92 {strides = array<i32>} : memref<128x128xf32, #tpu.memory_space<vmem>>, vector<1x16xf32>,
      %broadcast_in_dim3A_93 = arith.constant 0.000000e+00 : f32
      %broadcast_in_dim3A_94 = vector.broadcast %broadcast_in_dim3A_93 : f32 to vector<16xf32>
      %swap3A_95 = arith.index_cast %scan3A_59 : i32 to index
      %swap3A_96 = arith.constant 80 : index
      %swap3A_97 = tpu.vector_load %arg8[%swap3A_95, %swap3A_96] {strides = array<i32>} : memref<128x128xf32, #tpu.memory_space<vmem>>, vector<1x16xf32>,
      %swap3A_98 = vector.shape_cast %swap3A_97 : vector<1x16xf32> to vector<16xf32>
      %swap3A_99 = vector.shape_cast %broadcast_in_dim3A_94 : vector<16xf32> to vector<1x16xf32>
      tpu.vector_store %arg8[%swap3A_95, %swap3A_96], %swap3A_99 {strides = array<i32>} : memref<128x128xf32, #tpu.memory_space<vmem>>, vector<1x16xf32>,
      %broadcast_in_dim3A_100 = arith.constant 0.000000e+00 : f32
      %broadcast_in_dim3A_101 = vector.broadcast %broadcast_in_dim3A_100 : f32 to vector<16xf32>
      %swap3A_102 = arith.index_cast %scan3A_59 : i32 to index
      %swap3A_103 = arith.constant 96 : index
      %swap3A_104 = tpu.vector_load %arg8[%swap3A_102, %swap3A_103] {strides = array<i32>} : memref<128x128xf32, #tpu.memory_space<vmem>>, vector<1x16xf32>,
      %swap3A_105 = vector.shape_cast %swap3A_104 : vector<1x16xf32> to vector<16xf32>
      %swap3A_106 = vector.shape_cast %broadcast_in_dim3A_101 : vector<16xf32> to vector<1x16xf32>
      tpu.vector_store %arg8[%swap3A_102, %swap3A_103], %swap3A_106 {strides = array<i32>} : memref<128x128xf32, #tpu.memory_space<vmem>>, vector<1x16xf32>,
      %broadcast_in_dim3A_107 = arith.constant 0.000000e+00 : f32
      %broadcast_in_dim3A_108 = vector.broadcast %broadcast_in_dim3A_107 : f32 to vector<16xf32>
      %swap3A_109 = arith.index_cast %scan3A_59 : i32 to index
      %swap3A_110 = arith.constant 112 : index
      %swap3A_111 = tpu.vector_load %arg8[%swap3A_109, %swap3A_110] {strides = array<i32>} : memref<128x128xf32, #tpu.memory_space<vmem>>, vector<1x16xf32>,
      %swap3A_112 = vector.shape_cast %swap3A_111 : vector<1x16xf32> to vector<16xf32>
      %swap3A_113 = vector.shape_cast %broadcast_in_dim3A_108 : vector<16xf32> to vector<1x16xf32>
      tpu.vector_store %arg8[%swap3A_109, %swap3A_110], %swap3A_113 {strides = array<i32>} : memref<128x128xf32, #tpu.memory_space<vmem>>, vector<1x16xf32>,
    }
    %scan3A_5 = arith.constant 128 : i32
    %mul3A_6 = arith.constant 632 : i32
    %mul3A_7 = arith.muli %arg1, %mul3A_6 : i32
    %add3A_8 = arith.constant 0 : i32
    %add3A_9 = arith.addi %mul3A_7, %add3A_8 : i32
    "tpu.region"() ({
      %run_scoped3A_59 = tpu.sem_alloc : memref<!tpu.dma_semaphore, #tpu.memory_space<semaphore_mem>>
      %dma_start3A_60 = arith.constant 0 : i32
      %dma_start3A_61 = arith.constant 0 : i32
      %dma_start3A_62 = tpu.memref_slice %arg8[%dma_start3A_60, %dma_start3A_61] : memref<128x128xf32, #tpu.memory_space<vmem>> -> memref<128x128xf32, #tpu.memory_space<vmem>>
      %dma_start3A_63 = arith.constant 0 : i32
      %dma_start3A_64 = tpu.memref_slice %arg10[%add3A_9, %dma_start3A_63] : memref<10112x128xf32, #tpu.memory_space<vmem_shared>> -> memref<128x128xf32, #tpu.memory_space<vmem_shared>>
      %dma_start3A_65 = arith.constant 0 : i32
      %dma_start3A_66 = tpu.memref_slice %arg10[%add3A_9, %dma_start3A_65] : memref<10112x128xf32, #tpu.memory_space<vmem_shared>> -> memref<128x128xf32, #tpu.memory_space<vmem_shared>>
      %dma_start3A_67 = arith.constant 0 : i32
      %dma_start3A_68 = arith.constant 0 : i32
      %dma_start3A_69 = tpu.memref_slice %arg8[%dma_start3A_67, %dma_start3A_68] : memref<128x128xf32, #tpu.memory_space<vmem>> -> memref<128x128xf32, #tpu.memory_space<vmem>>
      tpu.enqueue_dma source(%dma_start3A_69 : memref<128x128xf32, #tpu.memory_space<vmem>>) target(%dma_start3A_66 : memref<128x128xf32, #tpu.memory_space<vmem_shared>>) target_semaphore(%run_scoped3A_59 : memref<!tpu.dma_semaphore, #tpu.memory_space<semaphore_mem>>)
      %dma_wait3A = arith.constant 0 : i32
      %dma_wait3A_70 = arith.constant 0 : i32
      %dma_wait3A_71 = tpu.memref_slice %arg8[%dma_wait3A, %dma_wait3A_70] : memref<128x128xf32, #tpu.memory_space<vmem>> -> memref<128x128xf32, #tpu.memory_space<vmem>>
      %dma_wait3A_72 = arith.constant 0 : i32
      %dma_wait3A_73 = tpu.memref_slice %arg10[%add3A_9, %dma_wait3A_72] : memref<10112x128xf32, #tpu.memory_space<vmem_shared>> -> memref<128x128xf32, #tpu.memory_space<vmem_shared>>
      %dma_wait3A_74 = arith.constant 0 : i32
      %dma_wait3A_75 = tpu.memref_slice %arg10[%add3A_9, %dma_wait3A_74] : memref<10112x128xf32, #tpu.memory_space<vmem_shared>> -> memref<128x128xf32, #tpu.memory_space<vmem_shared>>
      %dma_wait3A_76 = arith.constant 0 : i32
      %dma_wait3A_77 = arith.constant 0 : i32
      %dma_wait3A_78 = tpu.memref_slice %arg8[%dma_wait3A_76, %dma_wait3A_77] : memref<128x128xf32, #tpu.memory_space<vmem>> -> memref<128x128xf32, #tpu.memory_space<vmem>>
      tpu.wait_dma2 semaphore(%run_scoped3A_59 : memref<!tpu.dma_semaphore, #tpu.memory_space<semaphore_mem>>) src(%dma_wait3A_78 : memref<128x128xf32, #tpu.memory_space<vmem>>) dst(%dma_wait3A_75 : memref<128x128xf32, #tpu.memory_space<vmem_shared>>)
      tpu.yield
    }) : () -> ()
    %mul3A_10 = arith.constant 632 : i32
    %mul3A_11 = arith.muli %arg1, %mul3A_10 : i32
    %add3A_12 = arith.constant 128 : i32
    %add3A_13 = arith.addi %mul3A_11, %add3A_12 : i32
    "tpu.region"() ({
      %run_scoped3A_59 = tpu.sem_alloc : memref<!tpu.dma_semaphore, #tpu.memory_space<semaphore_mem>>
      %dma_start3A_60 = arith.constant 0 : i32
      %dma_start3A_61 = arith.constant 0 : i32
      %dma_start3A_62 = tpu.memref_slice %arg8[%dma_start3A_60, %dma_start3A_61] : memref<128x128xf32, #tpu.memory_space<vmem>> -> memref<128x128xf32, #tpu.memory_space<vmem>>
      %dma_start3A_63 = arith.constant 0 : i32
      %dma_start3A_64 = tpu.memref_slice %arg10[%add3A_13, %dma_start3A_63] : memref<10112x128xf32, #tpu.memory_space<vmem_shared>> -> memref<128x128xf32, #tpu.memory_space<vmem_shared>>
      %dma_start3A_65 = arith.constant 0 : i32
      %dma_start3A_66 = tpu.memref_slice %arg10[%add3A_13, %dma_start3A_65] : memref<10112x128xf32, #tpu.memory_space<vmem_shared>> -> memref<128x128xf32, #tpu.memory_space<vmem_shared>>
      %dma_start3A_67 = arith.constant 0 : i32
      %dma_start3A_68 = arith.constant 0 : i32
      %dma_start3A_69 = tpu.memref_slice %arg8[%dma_start3A_67, %dma_start3A_68] : memref<128x128xf32, #tpu.memory_space<vmem>> -> memref<128x128xf32, #tpu.memory_space<vmem>>
      tpu.enqueue_dma source(%dma_start3A_69 : memref<128x128xf32, #tpu.memory_space<vmem>>) target(%dma_start3A_66 : memref<128x128xf32, #tpu.memory_space<vmem_shared>>) target_semaphore(%run_scoped3A_59 : memref<!tpu.dma_semaphore, #tpu.memory_space<semaphore_mem>>)
      %dma_wait3A = arith.constant 0 : i32
      %dma_wait3A_70 = arith.constant 0 : i32
      %dma_wait3A_71 = tpu.memref_slice %arg8[%dma_wait3A, %dma_wait3A_70] : memref<128x128xf32, #tpu.memory_space<vmem>> -> memref<128x128xf32, #tpu.memory_space<vmem>>
      %dma_wait3A_72 = arith.constant 0 : i32
      %dma_wait3A_73 = tpu.memref_slice %arg10[%add3A_13, %dma_wait3A_72] : memref<10112x128xf32, #tpu.memory_space<vmem_shared>> -> memref<128x128xf32, #tpu.memory_space<vmem_shared>>
      %dma_wait3A_74 = arith.constant 0 : i32
      %dma_wait3A_75 = tpu.memref_slice %arg10[%add3A_13, %dma_wait3A_74] : memref<10112x128xf32, #tpu.memory_space<vmem_shared>> -> memref<128x128xf32, #tpu.memory_space<vmem_shared>>
      %dma_wait3A_76 = arith.constant 0 : i32
      %dma_wait3A_77 = arith.constant 0 : i32
      %dma_wait3A_78 = tpu.memref_slice %arg8[%dma_wait3A_76, %dma_wait3A_77] : memref<128x128xf32, #tpu.memory_space<vmem>> -> memref<128x128xf32, #tpu.memory_space<vmem>>
      tpu.wait_dma2 semaphore(%run_scoped3A_59 : memref<!tpu.dma_semaphore, #tpu.memory_space<semaphore_mem>>) src(%dma_wait3A_78 : memref<128x128xf32, #tpu.memory_space<vmem>>) dst(%dma_wait3A_75 : memref<128x128xf32, #tpu.memory_space<vmem_shared>>)
      tpu.yield
    }) : () -> ()
    %mul3A_14 = arith.constant 632 : i32
    %mul3A_15 = arith.muli %arg1, %mul3A_14 : i32
    %add3A_16 = arith.constant 256 : i32
    %add3A_17 = arith.addi %mul3A_15, %add3A_16 : i32
    "tpu.region"() ({
      %run_scoped3A_59 = tpu.sem_alloc : memref<!tpu.dma_semaphore, #tpu.memory_space<semaphore_mem>>
      %dma_start3A_60 = arith.constant 0 : i32
      %dma_start3A_61 = arith.constant 0 : i32
      %dma_start3A_62 = tpu.memref_slice %arg8[%dma_start3A_60, %dma_start3A_61] : memref<128x128xf32, #tpu.memory_space<vmem>> -> memref<128x128xf32, #tpu.memory_space<vmem>>
      %dma_start3A_63 = arith.constant 0 : i32
      %dma_start3A_64 = tpu.memref_slice %arg10[%add3A_17, %dma_start3A_63] : memref<10112x128xf32, #tpu.memory_space<vmem_shared>> -> memref<128x128xf32, #tpu.memory_space<vmem_shared>>
      %dma_start3A_65 = arith.constant 0 : i32
      %dma_start3A_66 = tpu.memref_slice %arg10[%add3A_17, %dma_start3A_65] : memref<10112x128xf32, #tpu.memory_space<vmem_shared>> -> memref<128x128xf32, #tpu.memory_space<vmem_shared>>
      %dma_start3A_67 = arith.constant 0 : i32
      %dma_start3A_68 = arith.constant 0 : i32
      %dma_start3A_69 = tpu.memref_slice %arg8[%dma_start3A_67, %dma_start3A_68] : memref<128x128xf32, #tpu.memory_space<vmem>> -> memref<128x128xf32, #tpu.memory_space<vmem>>
      tpu.enqueue_dma source(%dma_start3A_69 : memref<128x128xf32, #tpu.memory_space<vmem>>) target(%dma_start3A_66 : memref<128x128xf32, #tpu.memory_space<vmem_shared>>) target_semaphore(%run_scoped3A_59 : memref<!tpu.dma_semaphore, #tpu.memory_space<semaphore_mem>>)
      %dma_wait3A = arith.constant 0 : i32
      %dma_wait3A_70 = arith.constant 0 : i32
      %dma_wait3A_71 = tpu.memref_slice %arg8[%dma_wait3A, %dma_wait3A_70] : memref<128x128xf32, #tpu.memory_space<vmem>> -> memref<128x128xf32, #tpu.memory_space<vmem>>
      %dma_wait3A_72 = arith.constant 0 : i32
      %dma_wait3A_73 = tpu.memref_slice %arg10[%add3A_17, %dma_wait3A_72] : memref<10112x128xf32, #tpu.memory_space<vmem_shared>> -> memref<128x128xf32, #tpu.memory_space<vmem_shared>>
      %dma_wait3A_74 = arith.constant 0 : i32
      %dma_wait3A_75 = tpu.memref_slice %arg10[%add3A_17, %dma_wait3A_74] : memref<10112x128xf32, #tpu.memory_space<vmem_shared>> -> memref<128x128xf32, #tpu.memory_space<vmem_shared>>
      %dma_wait3A_76 = arith.constant 0 : i32
      %dma_wait3A_77 = arith.constant 0 : i32
      %dma_wait3A_78 = tpu.memref_slice %arg8[%dma_wait3A_76, %dma_wait3A_77] : memref<128x128xf32, #tpu.memory_space<vmem>> -> memref<128x128xf32, #tpu.memory_space<vmem>>
      tpu.wait_dma2 semaphore(%run_scoped3A_59 : memref<!tpu.dma_semaphore, #tpu.memory_space<semaphore_mem>>) src(%dma_wait3A_78 : memref<128x128xf32, #tpu.memory_space<vmem>>) dst(%dma_wait3A_75 : memref<128x128xf32, #tpu.memory_space<vmem_shared>>)
      tpu.yield
    }) : () -> ()
    %mul3A_18 = arith.constant 632 : i32
    %mul3A_19 = arith.muli %arg1, %mul3A_18 : i32
    %add3A_20 = arith.constant 384 : i32
    %add3A_21 = arith.addi %mul3A_19, %add3A_20 : i32
    "tpu.region"() ({
      %run_scoped3A_59 = tpu.sem_alloc : memref<!tpu.dma_semaphore, #tpu.memory_space<semaphore_mem>>
      %dma_start3A_60 = arith.constant 0 : i32
      %dma_start3A_61 = arith.constant 0 : i32
      %dma_start3A_62 = tpu.memref_slice %arg8[%dma_start3A_60, %dma_start3A_61] : memref<128x128xf32, #tpu.memory_space<vmem>> -> memref<128x128xf32, #tpu.memory_space<vmem>>
      %dma_start3A_63 = arith.constant 0 : i32
      %dma_start3A_64 = tpu.memref_slice %arg10[%add3A_21, %dma_start3A_63] : memref<10112x128xf32, #tpu.memory_space<vmem_shared>> -> memref<128x128xf32, #tpu.memory_space<vmem_shared>>
      %dma_start3A_65 = arith.constant 0 : i32
      %dma_start3A_66 = tpu.memref_slice %arg10[%add3A_21, %dma_start3A_65] : memref<10112x128xf32, #tpu.memory_space<vmem_shared>> -> memref<128x128xf32, #tpu.memory_space<vmem_shared>>
      %dma_start3A_67 = arith.constant 0 : i32
      %dma_start3A_68 = arith.constant 0 : i32
      %dma_start3A_69 = tpu.memref_slice %arg8[%dma_start3A_67, %dma_start3A_68] : memref<128x128xf32, #tpu.memory_space<vmem>> -> memref<128x128xf32, #tpu.memory_space<vmem>>
      tpu.enqueue_dma source(%dma_start3A_69 : memref<128x128xf32, #tpu.memory_space<vmem>>) target(%dma_start3A_66 : memref<128x128xf32, #tpu.memory_space<vmem_shared>>) target_semaphore(%run_scoped3A_59 : memref<!tpu.dma_semaphore, #tpu.memory_space<semaphore_mem>>)
      %dma_wait3A = arith.constant 0 : i32
      %dma_wait3A_70 = arith.constant 0 : i32
      %dma_wait3A_71 = tpu.memref_slice %arg8[%dma_wait3A, %dma_wait3A_70] : memref<128x128xf32, #tpu.memory_space<vmem>> -> memref<128x128xf32, #tpu.memory_space<vmem>>
      %dma_wait3A_72 = arith.constant 0 : i32
      %dma_wait3A_73 = tpu.memref_slice %arg10[%add3A_21, %dma_wait3A_72] : memref<10112x128xf32, #tpu.memory_space<vmem_shared>> -> memref<128x128xf32, #tpu.memory_space<vmem_shared>>
      %dma_wait3A_74 = arith.constant 0 : i32
      %dma_wait3A_75 = tpu.memref_slice %arg10[%add3A_21, %dma_wait3A_74] : memref<10112x128xf32, #tpu.memory_space<vmem_shared>> -> memref<128x128xf32, #tpu.memory_space<vmem_shared>>
      %dma_wait3A_76 = arith.constant 0 : i32
      %dma_wait3A_77 = arith.constant 0 : i32
      %dma_wait3A_78 = tpu.memref_slice %arg8[%dma_wait3A_76, %dma_wait3A_77] : memref<128x128xf32, #tpu.memory_space<vmem>> -> memref<128x128xf32, #tpu.memory_space<vmem>>
      tpu.wait_dma2 semaphore(%run_scoped3A_59 : memref<!tpu.dma_semaphore, #tpu.memory_space<semaphore_mem>>) src(%dma_wait3A_78 : memref<128x128xf32, #tpu.memory_space<vmem>>) dst(%dma_wait3A_75 : memref<128x128xf32, #tpu.memory_space<vmem_shared>>)
      tpu.yield
    }) : () -> ()
    %mul3A_22 = arith.constant 632 : i32
    %mul3A_23 = arith.muli %arg1, %mul3A_22 : i32
    %add3A_24 = arith.constant 512 : i32
    %add3A_25 = arith.addi %mul3A_23, %add3A_24 : i32
    "tpu.region"() ({
      %run_scoped3A_59 = tpu.sem_alloc : memref<!tpu.dma_semaphore, #tpu.memory_space<semaphore_mem>>
      %dma_start3A_60 = arith.constant 0 : i32
      %dma_start3A_61 = arith.constant 0 : i32
      %dma_start3A_62 = tpu.memref_slice %arg8[%dma_start3A_60, %dma_start3A_61] : memref<128x128xf32, #tpu.memory_space<vmem>> -> memref<120x128xf32, #tpu.memory_space<vmem>>
      %dma_start3A_63 = arith.constant 0 : i32
      %dma_start3A_64 = tpu.memref_slice %arg10[%add3A_25, %dma_start3A_63] : memref<10112x128xf32, #tpu.memory_space<vmem_shared>> -> memref<120x128xf32, #tpu.memory_space<vmem_shared>>
      %dma_start3A_65 = arith.constant 0 : i32
      %dma_start3A_66 = tpu.memref_slice %arg10[%add3A_25, %dma_start3A_65] : memref<10112x128xf32, #tpu.memory_space<vmem_shared>> -> memref<120x128xf32, #tpu.memory_space<vmem_shared>>
      %dma_start3A_67 = arith.constant 0 : i32
      %dma_start3A_68 = arith.constant 0 : i32
      %dma_start3A_69 = tpu.memref_slice %arg8[%dma_start3A_67, %dma_start3A_68] : memref<128x128xf32, #tpu.memory_space<vmem>> -> memref<120x128xf32, #tpu.memory_space<vmem>>
      tpu.enqueue_dma source(%dma_start3A_69 : memref<120x128xf32, #tpu.memory_space<vmem>>) target(%dma_start3A_66 : memref<120x128xf32, #tpu.memory_space<vmem_shared>>) target_semaphore(%run_scoped3A_59 : memref<!tpu.dma_semaphore, #tpu.memory_space<semaphore_mem>>)
      %dma_wait3A = arith.constant 0 : i32
      %dma_wait3A_70 = arith.constant 0 : i32
      %dma_wait3A_71 = tpu.memref_slice %arg8[%dma_wait3A, %dma_wait3A_70] : memref<128x128xf32, #tpu.memory_space<vmem>> -> memref<120x128xf32, #tpu.memory_space<vmem>>
      %dma_wait3A_72 = arith.constant 0 : i32
      %dma_wait3A_73 = tpu.memref_slice %arg10[%add3A_25, %dma_wait3A_72] : memref<10112x128xf32, #tpu.memory_space<vmem_shared>> -> memref<120x128xf32, #tpu.memory_space<vmem_shared>>
      %dma_wait3A_74 = arith.constant 0 : i32
      %dma_wait3A_75 = tpu.memref_slice %arg10[%add3A_25, %dma_wait3A_74] : memref<10112x128xf32, #tpu.memory_space<vmem_shared>> -> memref<120x128xf32, #tpu.memory_space<vmem_shared>>
      %dma_wait3A_76 = arith.constant 0 : i32
      %dma_wait3A_77 = arith.constant 0 : i32
      %dma_wait3A_78 = tpu.memref_slice %arg8[%dma_wait3A_76, %dma_wait3A_77] : memref<128x128xf32, #tpu.memory_space<vmem>> -> memref<120x128xf32, #tpu.memory_space<vmem>>
      tpu.wait_dma2 semaphore(%run_scoped3A_59 : memref<!tpu.dma_semaphore, #tpu.memory_space<semaphore_mem>>) src(%dma_wait3A_78 : memref<120x128xf32, #tpu.memory_space<vmem>>) dst(%dma_wait3A_75 : memref<120x128xf32, #tpu.memory_space<vmem_shared>>)
      tpu.yield
    }) : () -> ()
    %barrier3A = arith.constant 0 : index
    tpu.barrier barrier_id(%barrier3A)
    %run_scoped3A = arith.constant 0 : i32
    "tpu.region"() ({
      %run_scoped3A_59 = tpu.sem_alloc : memref<!tpu.dma_semaphore, #tpu.memory_space<semaphore_mem>>
      %dma_start3A_60 = arith.constant 0 : i32
      %dma_start3A_61 = arith.constant 0 : i32
      %dma_start3A_62 = tpu.memref_slice %arg3[%add3A, %run_scoped3A, %dma_start3A_60, %dma_start3A_61] : memref<32x2x40x128xi32, #tpu.memory_space<hbm>> -> memref<1x1x40x128xi32, #tpu.memory_space<hbm>>
      %dma_start3A_63 = tpu.memref_squeeze %dma_start3A_62 : memref<1x1x40x128xi32, #tpu.memory_space<hbm>> -> memref<40x128xi32, #tpu.memory_space<hbm>>
      %dma_start3A_64 = arith.constant 0 : i32
      %dma_start3A_65 = arith.constant 0 : i32
      %dma_start3A_66 = tpu.memref_slice %arg3[%add3A, %run_scoped3A, %dma_start3A_64, %dma_start3A_65] : memref<32x2x40x128xi32, #tpu.memory_space<hbm>> -> memref<1x1x40x128xi32, #tpu.memory_space<hbm>>
      %dma_start3A_67 = tpu.memref_squeeze %dma_start3A_66 : memref<1x1x40x128xi32, #tpu.memory_space<hbm>> -> memref<40x128xi32, #tpu.memory_space<hbm>>
      tpu.enqueue_dma source(%dma_start3A_67 : memref<40x128xi32, #tpu.memory_space<hbm>>) target(%arg6 : memref<40x128xi32, #tpu.memory_space<vmem>>) target_semaphore(%run_scoped3A_59 : memref<!tpu.dma_semaphore, #tpu.memory_space<semaphore_mem>>)
      %dma_wait3A = arith.constant 0 : i32
      %dma_wait3A_68 = arith.constant 0 : i32
      %dma_wait3A_69 = tpu.memref_slice %arg3[%add3A, %run_scoped3A, %dma_wait3A, %dma_wait3A_68] : memref<32x2x40x128xi32, #tpu.memory_space<hbm>> -> memref<1x1x40x128xi32, #tpu.memory_space<hbm>>
      %dma_wait3A_70 = tpu.memref_squeeze %dma_wait3A_69 : memref<1x1x40x128xi32, #tpu.memory_space<hbm>> -> memref<40x128xi32, #tpu.memory_space<hbm>>
      %dma_wait3A_71 = arith.constant 0 : i32
      %dma_wait3A_72 = arith.constant 0 : i32
      %dma_wait3A_73 = tpu.memref_slice %arg3[%add3A, %run_scoped3A, %dma_wait3A_71, %dma_wait3A_72] : memref<32x2x40x128xi32, #tpu.memory_space<hbm>> -> memref<1x1x40x128xi32, #tpu.memory_space<hbm>>
      %dma_wait3A_74 = tpu.memref_squeeze %dma_wait3A_73 : memref<1x1x40x128xi32, #tpu.memory_space<hbm>> -> memref<40x128xi32, #tpu.memory_space<hbm>>
      tpu.wait_dma2 semaphore(%run_scoped3A_59 : memref<!tpu.dma_semaphore, #tpu.memory_space<semaphore_mem>>) src(%dma_wait3A_74 : memref<40x128xi32, #tpu.memory_space<hbm>>) dst(%arg6 : memref<40x128xi32, #tpu.memory_space<vmem>>)
      tpu.yield
    }) : () -> ()
    %run_scoped3A_26 = arith.constant 0 : i32
    "tpu.region"() ({
      %run_scoped3A_59 = tpu.sem_alloc : memref<!tpu.dma_semaphore, #tpu.memory_space<semaphore_mem>>
      %dma_start3A_60 = arith.constant 0 : i32
      %dma_start3A_61 = arith.constant 0 : i32
      %dma_start3A_62 = tpu.memref_slice %arg4[%add3A, %run_scoped3A_26, %dma_start3A_60, %dma_start3A_61] : memref<32x2x40x128xi32, #tpu.memory_space<hbm>> -> memref<1x1x40x128xi32, #tpu.memory_space<hbm>>
      %dma_start3A_63 = tpu.memref_squeeze %dma_start3A_62 : memref<1x1x40x128xi32, #tpu.memory_space<hbm>> -> memref<40x128xi32, #tpu.memory_space<hbm>>
      %dma_start3A_64 = arith.constant 0 : i32
      %dma_start3A_65 = arith.constant 0 : i32
      %dma_start3A_66 = tpu.memref_slice %arg4[%add3A, %run_scoped3A_26, %dma_start3A_64, %dma_start3A_65] : memref<32x2x40x128xi32, #tpu.memory_space<hbm>> -> memref<1x1x40x128xi32, #tpu.memory_space<hbm>>
      %dma_start3A_67 = tpu.memref_squeeze %dma_start3A_66 : memref<1x1x40x128xi32, #tpu.memory_space<hbm>> -> memref<40x128xi32, #tpu.memory_space<hbm>>
      tpu.enqueue_dma source(%dma_start3A_67 : memref<40x128xi32, #tpu.memory_space<hbm>>) target(%arg7 : memref<40x128xi32, #tpu.memory_space<vmem>>) target_semaphore(%run_scoped3A_59 : memref<!tpu.dma_semaphore, #tpu.memory_space<semaphore_mem>>)
      %dma_wait3A = arith.constant 0 : i32
      %dma_wait3A_68 = arith.constant 0 : i32
      %dma_wait3A_69 = tpu.memref_slice %arg4[%add3A, %run_scoped3A_26, %dma_wait3A, %dma_wait3A_68] : memref<32x2x40x128xi32, #tpu.memory_space<hbm>> -> memref<1x1x40x128xi32, #tpu.memory_space<hbm>>
      %dma_wait3A_70 = tpu.memref_squeeze %dma_wait3A_69 : memref<1x1x40x128xi32, #tpu.memory_space<hbm>> -> memref<40x128xi32, #tpu.memory_space<hbm>>
      %dma_wait3A_71 = arith.constant 0 : i32
      %dma_wait3A_72 = arith.constant 0 : i32
      %dma_wait3A_73 = tpu.memref_slice %arg4[%add3A, %run_scoped3A_26, %dma_wait3A_71, %dma_wait3A_72] : memref<32x2x40x128xi32, #tpu.memory_space<hbm>> -> memref<1x1x40x128xi32, #tpu.memory_space<hbm>>
      %dma_wait3A_74 = tpu.memref_squeeze %dma_wait3A_73 : memref<1x1x40x128xi32, #tpu.memory_space<hbm>> -> memref<40x128xi32, #tpu.memory_space<hbm>>
      tpu.wait_dma2 semaphore(%run_scoped3A_59 : memref<!tpu.dma_semaphore, #tpu.memory_space<semaphore_mem>>) src(%dma_wait3A_74 : memref<40x128xi32, #tpu.memory_space<hbm>>) dst(%arg7 : memref<40x128xi32, #tpu.memory_space<vmem>>)
      tpu.yield
    }) : () -> ()
    %dma_start3A = arith.constant 0 : i32
    %dma_start3A_27 = arith.constant 0 : i32
    %dma_start3A_28 = tpu.memref_slice %arg6[%dma_start3A, %dma_start3A_27] : memref<40x128xi32, #tpu.memory_space<vmem>> -> memref<1x128xi32, #tpu.memory_space<vmem>>
    %dma_start3A_29 = tpu.memref_squeeze %dma_start3A_28 : memref<1x128xi32, #tpu.memory_space<vmem>> -> memref<128xi32, #tpu.memory_space<vmem>>
    %dma_start3A_30 = arith.constant 0 : i32
    %dma_start3A_31 = arith.constant 0 : i32
    %dma_start3A_32 = tpu.memref_slice %arg2[%dma_start3A_30, %dma_start3A_31] : memref<10000x128xf32, #tpu.memory_space<hbm>> -> memref<10000x128xf32, #tpu.memory_space<hbm>>
    tpu.enqueue_indirect_dma source(%dma_start3A_32 : memref<10000x128xf32, #tpu.memory_space<hbm>>) target(%arg8 : memref<128x128xf32, #tpu.memory_space<vmem>>) offsets(%dma_start3A_29 : memref<128xi32, #tpu.memory_space<vmem>>) semaphore(%arg11 : memref<!tpu.dma_semaphore, #tpu.memory_space<semaphore_mem>>)
    %scan3A_33 = arith.constant 0 : i32
    %scan3A_34 = arith.constant 0 : i32
    %scan3A_35 = arith.constant 20 : i32
    %scan3A_36 = arith.addi %scan3A_34, %scan3A_35 : i32
    %scan3A_37 = arith.constant 1 : i32
    scf.for %scan3A_59 = %scan3A_34 to %scan3A_36 step %scan3A_37  : i32 {
      %mul3A_60 = arith.constant 2 : i32
      %mul3A_61 = arith.muli %mul3A_60, %scan3A_59 : i32
      %add3A_62 = arith.constant 1 : i32
      %add3A_63 = arith.addi %mul3A_61, %add3A_62 : i32
      %dma_start3A_64 = arith.constant 0 : i32
      %dma_start3A_65 = tpu.memref_slice %arg6[%add3A_63, %dma_start3A_64] : memref<40x128xi32, #tpu.memory_space<vmem>> -> memref<1x128xi32, #tpu.memory_space<vmem>>
      %dma_start3A_66 = tpu.memref_squeeze %dma_start3A_65 : memref<1x128xi32, #tpu.memory_space<vmem>> -> memref<128xi32, #tpu.memory_space<vmem>>
      %dma_start3A_67 = arith.constant 0 : i32
      %dma_start3A_68 = arith.constant 0 : i32
      %dma_start3A_69 = tpu.memref_slice %arg2[%dma_start3A_67, %dma_start3A_68] : memref<10000x128xf32, #tpu.memory_space<hbm>> -> memref<10000x128xf32, #tpu.memory_space<hbm>>
      tpu.enqueue_indirect_dma source(%dma_start3A_69 : memref<10000x128xf32, #tpu.memory_space<hbm>>) target(%arg9 : memref<128x128xf32, #tpu.memory_space<vmem>>) offsets(%dma_start3A_66 : memref<128xi32, #tpu.memory_space<vmem>>) semaphore(%arg12 : memref<!tpu.dma_semaphore, #tpu.memory_space<semaphore_mem>>)
      %dma_wait3A = arith.constant 0 : i32
      %dma_wait3A_70 = tpu.memref_slice %arg6[%mul3A_61, %dma_wait3A] : memref<40x128xi32, #tpu.memory_space<vmem>> -> memref<1x128xi32, #tpu.memory_space<vmem>>
      %dma_wait3A_71 = tpu.memref_squeeze %dma_wait3A_70 : memref<1x128xi32, #tpu.memory_space<vmem>> -> memref<128xi32, #tpu.memory_space<vmem>>
      %dma_wait3A_72 = arith.constant 0 : i32
      %dma_wait3A_73 = arith.constant 0 : i32
      %dma_wait3A_74 = tpu.memref_slice %arg2[%dma_wait3A_72, %dma_wait3A_73] : memref<10000x128xf32, #tpu.memory_space<hbm>> -> memref<10000x128xf32, #tpu.memory_space<hbm>>
      tpu.wait_indirect_dma semaphore(%arg11 : memref<!tpu.dma_semaphore, #tpu.memory_space<semaphore_mem>>) src(%dma_wait3A_74 : memref<10000x128xf32, #tpu.memory_space<hbm>>) dst(%arg8 : memref<128x128xf32, #tpu.memory_space<vmem>>)
      %dma_start3A_75 = arith.constant 0 : i32
      %dma_start3A_76 = tpu.memref_slice %arg7[%mul3A_61, %dma_start3A_75] : memref<40x128xi32, #tpu.memory_space<vmem>> -> memref<1x128xi32, #tpu.memory_space<vmem>>
      %dma_start3A_77 = tpu.memref_squeeze %dma_start3A_76 : memref<1x128xi32, #tpu.memory_space<vmem>> -> memref<128xi32, #tpu.memory_space<vmem>>
      %dma_start3A_78 = arith.constant 0 : i32
      %dma_start3A_79 = arith.constant 0 : i32
      %dma_start3A_80 = tpu.memref_slice %arg10[%dma_start3A_78, %dma_start3A_79] : memref<10112x128xf32, #tpu.memory_space<vmem_shared>> -> memref<10112x128xf32, #tpu.memory_space<vmem_shared>>
      tpu.enqueue_indirect_dma source(%arg8 : memref<128x128xf32, #tpu.memory_space<vmem>>) target(%dma_start3A_80 : memref<10112x128xf32, #tpu.memory_space<vmem_shared>>) offsets(%dma_start3A_77 : memref<128xi32, #tpu.memory_space<vmem>>) semaphore(%arg13 : memref<!tpu.dma_semaphore, #tpu.memory_space<semaphore_mem>>) {add = true}
      %dma_wait3A_81 = arith.constant 0 : i32
      %dma_wait3A_82 = tpu.memref_slice %arg6[%add3A_63, %dma_wait3A_81] : memref<40x128xi32, #tpu.memory_space<vmem>> -> memref<1x128xi32, #tpu.memory_space<vmem>>
      %dma_wait3A_83 = tpu.memref_squeeze %dma_wait3A_82 : memref<1x128xi32, #tpu.memory_space<vmem>> -> memref<128xi32, #tpu.memory_space<vmem>>
      %dma_wait3A_84 = arith.constant 0 : i32
      %dma_wait3A_85 = arith.constant 0 : i32
      %dma_wait3A_86 = tpu.memref_slice %arg2[%dma_wait3A_84, %dma_wait3A_85] : memref<10000x128xf32, #tpu.memory_space<hbm>> -> memref<10000x128xf32, #tpu.memory_space<hbm>>
      tpu.wait_indirect_dma semaphore(%arg12 : memref<!tpu.dma_semaphore, #tpu.memory_space<semaphore_mem>>) src(%dma_wait3A_86 : memref<10000x128xf32, #tpu.memory_space<hbm>>) dst(%arg9 : memref<128x128xf32, #tpu.memory_space<vmem>>)
      %dma_start3A_87 = arith.constant 0 : i32
      %dma_start3A_88 = tpu.memref_slice %arg7[%add3A_63, %dma_start3A_87] : memref<40x128xi32, #tpu.memory_space<vmem>> -> memref<1x128xi32, #tpu.memory_space<vmem>>
      %dma_start3A_89 = tpu.memref_squeeze %dma_start3A_88 : memref<1x128xi32, #tpu.memory_space<vmem>> -> memref<128xi32, #tpu.memory_space<vmem>>
      %dma_start3A_90 = arith.constant 0 : i32
      %dma_start3A_91 = arith.constant 0 : i32
      %dma_start3A_92 = tpu.memref_slice %arg10[%dma_start3A_90, %dma_start3A_91] : memref<10112x128xf32, #tpu.memory_space<vmem_shared>> -> memref<10112x128xf32, #tpu.memory_space<vmem_shared>>
      tpu.enqueue_indirect_dma source(%arg9 : memref<128x128xf32, #tpu.memory_space<vmem>>) target(%dma_start3A_92 : memref<10112x128xf32, #tpu.memory_space<vmem_shared>>) offsets(%dma_start3A_89 : memref<128xi32, #tpu.memory_space<vmem>>) semaphore(%arg14 : memref<!tpu.dma_semaphore, #tpu.memory_space<semaphore_mem>>) {add = true}
      %dma_wait3A_93 = arith.constant 0 : i32
      %dma_wait3A_94 = tpu.memref_slice %arg7[%mul3A_61, %dma_wait3A_93] : memref<40x128xi32, #tpu.memory_space<vmem>> -> memref<1x128xi32, #tpu.memory_space<vmem>>
      %dma_wait3A_95 = tpu.memref_squeeze %dma_wait3A_94 : memref<1x128xi32, #tpu.memory_space<vmem>> -> memref<128xi32, #tpu.memory_space<vmem>>
      %dma_wait3A_96 = arith.constant 0 : i32
      %dma_wait3A_97 = arith.constant 0 : i32
      %dma_wait3A_98 = tpu.memref_slice %arg10[%dma_wait3A_96, %dma_wait3A_97] : memref<10112x128xf32, #tpu.memory_space<vmem_shared>> -> memref<10112x128xf32, #tpu.memory_space<vmem_shared>>
      tpu.wait_indirect_dma semaphore(%arg13 : memref<!tpu.dma_semaphore, #tpu.memory_space<semaphore_mem>>) src(%arg8 : memref<128x128xf32, #tpu.memory_space<vmem>>) dst(%dma_wait3A_98 : memref<10112x128xf32, #tpu.memory_space<vmem_shared>>)
      %add3A_99 = arith.constant 2 : i32
      %add3A_100 = arith.addi %mul3A_61, %add3A_99 : i32
      %lt3A = arith.constant 40 : i32
      %lt3A_101 = arith.cmpi slt, %add3A_100, %lt3A : i32
      %convert_element_type3A = arith.extui %lt3A_101 : i1 to i32
      %cond3A = arith.constant 0 : i32
      %cond3A_102 = arith.cmpi ne, %convert_element_type3A, %cond3A : i32
      scf.if %cond3A_102 {
        %add3A_109 = arith.constant 2 : i32
        %add3A_110 = arith.addi %mul3A_61, %add3A_109 : i32
        %dma_start3A_111 = arith.constant 0 : i32
        %dma_start3A_112 = tpu.memref_slice %arg6[%add3A_110, %dma_start3A_111] : memref<40x128xi32, #tpu.memory_space<vmem>> -> memref<1x128xi32, #tpu.memory_space<vmem>>
        %dma_start3A_113 = tpu.memref_squeeze %dma_start3A_112 : memref<1x128xi32, #tpu.memory_space<vmem>> -> memref<128xi32, #tpu.memory_space<vmem>>
        %dma_start3A_114 = arith.constant 0 : i32
        %dma_start3A_115 = arith.constant 0 : i32
        %dma_start3A_116 = tpu.memref_slice %arg2[%dma_start3A_114, %dma_start3A_115] : memref<10000x128xf32, #tpu.memory_space<hbm>> -> memref<10000x128xf32, #tpu.memory_space<hbm>>
        tpu.enqueue_indirect_dma source(%dma_start3A_116 : memref<10000x128xf32, #tpu.memory_space<hbm>>) target(%arg8 : memref<128x128xf32, #tpu.memory_space<vmem>>) offsets(%dma_start3A_113 : memref<128xi32, #tpu.memory_space<vmem>>) semaphore(%arg11 : memref<!tpu.dma_semaphore, #tpu.memory_space<semaphore_mem>>)
      } else {
      }
      %dma_wait3A_103 = arith.constant 0 : i32
      %dma_wait3A_104 = tpu.memref_slice %arg7[%add3A_63, %dma_wait3A_103] : memref<40x128xi32, #tpu.memory_space<vmem>> -> memref<1x128xi32, #tpu.memory_space<vmem>>
      %dma_wait3A_105 = tpu.memref_squeeze %dma_wait3A_104 : memref<1x128xi32, #tpu.memory_space<vmem>> -> memref<128xi32, #tpu.memory_space<vmem>>
      %dma_wait3A_106 = arith.constant 0 : i32
      %dma_wait3A_107 = arith.constant 0 : i32
      %dma_wait3A_108 = tpu.memref_slice %arg10[%dma_wait3A_106, %dma_wait3A_107] : memref<10112x128xf32, #tpu.memory_space<vmem_shared>> -> memref<10112x128xf32, #tpu.memory_space<vmem_shared>>
      tpu.wait_indirect_dma semaphore(%arg14 : memref<!tpu.dma_semaphore, #tpu.memory_space<semaphore_mem>>) src(%arg9 : memref<128x128xf32, #tpu.memory_space<vmem>>) dst(%dma_wait3A_108 : memref<10112x128xf32, #tpu.memory_space<vmem_shared>>)
    }
    %scan3A_38 = arith.constant 20 : i32
    %run_scoped3A_39 = arith.constant 1 : i32
    "tpu.region"() ({
      %run_scoped3A_59 = tpu.sem_alloc : memref<!tpu.dma_semaphore, #tpu.memory_space<semaphore_mem>>
      %dma_start3A_60 = arith.constant 0 : i32
      %dma_start3A_61 = arith.constant 0 : i32
      %dma_start3A_62 = tpu.memref_slice %arg3[%add3A, %run_scoped3A_39, %dma_start3A_60, %dma_start3A_61] : memref<32x2x40x128xi32, #tpu.memory_space<hbm>> -> memref<1x1x40x128xi32, #tpu.memory_space<hbm>>
      %dma_start3A_63 = tpu.memref_squeeze %dma_start3A_62 : memref<1x1x40x128xi32, #tpu.memory_space<hbm>> -> memref<40x128xi32, #tpu.memory_space<hbm>>
      %dma_start3A_64 = arith.constant 0 : i32
      %dma_start3A_65 = arith.constant 0 : i32
      %dma_start3A_66 = tpu.memref_slice %arg3[%add3A, %run_scoped3A_39, %dma_start3A_64, %dma_start3A_65] : memref<32x2x40x128xi32, #tpu.memory_space<hbm>> -> memref<1x1x40x128xi32, #tpu.memory_space<hbm>>
      %dma_start3A_67 = tpu.memref_squeeze %dma_start3A_66 : memref<1x1x40x128xi32, #tpu.memory_space<hbm>> -> memref<40x128xi32, #tpu.memory_space<hbm>>
      tpu.enqueue_dma source(%dma_start3A_67 : memref<40x128xi32, #tpu.memory_space<hbm>>) target(%arg6 : memref<40x128xi32, #tpu.memory_space<vmem>>) target_semaphore(%run_scoped3A_59 : memref<!tpu.dma_semaphore, #tpu.memory_space<semaphore_mem>>)
      %dma_wait3A = arith.constant 0 : i32
      %dma_wait3A_68 = arith.constant 0 : i32
      %dma_wait3A_69 = tpu.memref_slice %arg3[%add3A, %run_scoped3A_39, %dma_wait3A, %dma_wait3A_68] : memref<32x2x40x128xi32, #tpu.memory_space<hbm>> -> memref<1x1x40x128xi32, #tpu.memory_space<hbm>>
      %dma_wait3A_70 = tpu.memref_squeeze %dma_wait3A_69 : memref<1x1x40x128xi32, #tpu.memory_space<hbm>> -> memref<40x128xi32, #tpu.memory_space<hbm>>
      %dma_wait3A_71 = arith.constant 0 : i32
      %dma_wait3A_72 = arith.constant 0 : i32
      %dma_wait3A_73 = tpu.memref_slice %arg3[%add3A, %run_scoped3A_39, %dma_wait3A_71, %dma_wait3A_72] : memref<32x2x40x128xi32, #tpu.memory_space<hbm>> -> memref<1x1x40x128xi32, #tpu.memory_space<hbm>>
      %dma_wait3A_74 = tpu.memref_squeeze %dma_wait3A_73 : memref<1x1x40x128xi32, #tpu.memory_space<hbm>> -> memref<40x128xi32, #tpu.memory_space<hbm>>
      tpu.wait_dma2 semaphore(%run_scoped3A_59 : memref<!tpu.dma_semaphore, #tpu.memory_space<semaphore_mem>>) src(%dma_wait3A_74 : memref<40x128xi32, #tpu.memory_space<hbm>>) dst(%arg6 : memref<40x128xi32, #tpu.memory_space<vmem>>)
      tpu.yield
    }) : () -> ()
    %run_scoped3A_40 = arith.constant 1 : i32
    "tpu.region"() ({
      %run_scoped3A_59 = tpu.sem_alloc : memref<!tpu.dma_semaphore, #tpu.memory_space<semaphore_mem>>
      %dma_start3A_60 = arith.constant 0 : i32
      %dma_start3A_61 = arith.constant 0 : i32
      %dma_start3A_62 = tpu.memref_slice %arg4[%add3A, %run_scoped3A_40, %dma_start3A_60, %dma_start3A_61] : memref<32x2x40x128xi32, #tpu.memory_space<hbm>> -> memref<1x1x40x128xi32, #tpu.memory_space<hbm>>
      %dma_start3A_63 = tpu.memref_squeeze %dma_start3A_62 : memref<1x1x40x128xi32, #tpu.memory_space<hbm>> -> memref<40x128xi32, #tpu.memory_space<hbm>>
      %dma_start3A_64 = arith.constant 0 : i32
      %dma_start3A_65 = arith.constant 0 : i32
      %dma_start3A_66 = tpu.memref_slice %arg4[%add3A, %run_scoped3A_40, %dma_start3A_64, %dma_start3A_65] : memref<32x2x40x128xi32, #tpu.memory_space<hbm>> -> memref<1x1x40x128xi32, #tpu.memory_space<hbm>>
      %dma_start3A_67 = tpu.memref_squeeze %dma_start3A_66 : memref<1x1x40x128xi32, #tpu.memory_space<hbm>> -> memref<40x128xi32, #tpu.memory_space<hbm>>
      tpu.enqueue_dma source(%dma_start3A_67 : memref<40x128xi32, #tpu.memory_space<hbm>>) target(%arg7 : memref<40x128xi32, #tpu.memory_space<vmem>>) target_semaphore(%run_scoped3A_59 : memref<!tpu.dma_semaphore, #tpu.memory_space<semaphore_mem>>)
      %dma_wait3A = arith.constant 0 : i32
      %dma_wait3A_68 = arith.constant 0 : i32
      %dma_wait3A_69 = tpu.memref_slice %arg4[%add3A, %run_scoped3A_40, %dma_wait3A, %dma_wait3A_68] : memref<32x2x40x128xi32, #tpu.memory_space<hbm>> -> memref<1x1x40x128xi32, #tpu.memory_space<hbm>>
      %dma_wait3A_70 = tpu.memref_squeeze %dma_wait3A_69 : memref<1x1x40x128xi32, #tpu.memory_space<hbm>> -> memref<40x128xi32, #tpu.memory_space<hbm>>
      %dma_wait3A_71 = arith.constant 0 : i32
      %dma_wait3A_72 = arith.constant 0 : i32
      %dma_wait3A_73 = tpu.memref_slice %arg4[%add3A, %run_scoped3A_40, %dma_wait3A_71, %dma_wait3A_72] : memref<32x2x40x128xi32, #tpu.memory_space<hbm>> -> memref<1x1x40x128xi32, #tpu.memory_space<hbm>>
      %dma_wait3A_74 = tpu.memref_squeeze %dma_wait3A_73 : memref<1x1x40x128xi32, #tpu.memory_space<hbm>> -> memref<40x128xi32, #tpu.memory_space<hbm>>
      tpu.wait_dma2 semaphore(%run_scoped3A_59 : memref<!tpu.dma_semaphore, #tpu.memory_space<semaphore_mem>>) src(%dma_wait3A_74 : memref<40x128xi32, #tpu.memory_space<hbm>>) dst(%arg7 : memref<40x128xi32, #tpu.memory_space<vmem>>)
      tpu.yield
    }) : () -> ()
    %dma_start3A_41 = arith.constant 0 : i32
    %dma_start3A_42 = arith.constant 0 : i32
    %dma_start3A_43 = tpu.memref_slice %arg6[%dma_start3A_41, %dma_start3A_42] : memref<40x128xi32, #tpu.memory_space<vmem>> -> memref<1x128xi32, #tpu.memory_space<vmem>>
    %dma_start3A_44 = tpu.memref_squeeze %dma_start3A_43 : memref<1x128xi32, #tpu.memory_space<vmem>> -> memref<128xi32, #tpu.memory_space<vmem>>
    %dma_start3A_45 = arith.constant 0 : i32
    %dma_start3A_46 = arith.constant 0 : i32
    %dma_start3A_47 = tpu.memref_slice %arg2[%dma_start3A_45, %dma_start3A_46] : memref<10000x128xf32, #tpu.memory_space<hbm>> -> memref<10000x128xf32, #tpu.memory_space<hbm>>
    tpu.enqueue_indirect_dma source(%dma_start3A_47 : memref<10000x128xf32, #tpu.memory_space<hbm>>) target(%arg8 : memref<128x128xf32, #tpu.memory_space<vmem>>) offsets(%dma_start3A_44 : memref<128xi32, #tpu.memory_space<vmem>>) semaphore(%arg11 : memref<!tpu.dma_semaphore, #tpu.memory_space<semaphore_mem>>)
    %scan3A_48 = arith.constant 0 : i32
    %scan3A_49 = arith.constant 0 : i32
    %scan3A_50 = arith.constant 20 : i32
    %scan3A_51 = arith.addi %scan3A_49, %scan3A_50 : i32
    %scan3A_52 = arith.constant 1 : i32
    scf.for %scan3A_59 = %scan3A_49 to %scan3A_51 step %scan3A_52  : i32 {
      %mul3A_60 = arith.constant 2 : i32
      %mul3A_61 = arith.muli %mul3A_60, %scan3A_59 : i32
      %add3A_62 = arith.constant 1 : i32
      %add3A_63 = arith.addi %mul3A_61, %add3A_62 : i32
      %dma_start3A_64 = arith.constant 0 : i32
      %dma_start3A_65 = tpu.memref_slice %arg6[%add3A_63, %dma_start3A_64] : memref<40x128xi32, #tpu.memory_space<vmem>> -> memref<1x128xi32, #tpu.memory_space<vmem>>
      %dma_start3A_66 = tpu.memref_squeeze %dma_start3A_65 : memref<1x128xi32, #tpu.memory_space<vmem>> -> memref<128xi32, #tpu.memory_space<vmem>>
      %dma_start3A_67 = arith.constant 0 : i32
      %dma_start3A_68 = arith.constant 0 : i32
      %dma_start3A_69 = tpu.memref_slice %arg2[%dma_start3A_67, %dma_start3A_68] : memref<10000x128xf32, #tpu.memory_space<hbm>> -> memref<10000x128xf32, #tpu.memory_space<hbm>>
      tpu.enqueue_indirect_dma source(%dma_start3A_69 : memref<10000x128xf32, #tpu.memory_space<hbm>>) target(%arg9 : memref<128x128xf32, #tpu.memory_space<vmem>>) offsets(%dma_start3A_66 : memref<128xi32, #tpu.memory_space<vmem>>) semaphore(%arg12 : memref<!tpu.dma_semaphore, #tpu.memory_space<semaphore_mem>>)
      %dma_wait3A = arith.constant 0 : i32
      %dma_wait3A_70 = tpu.memref_slice %arg6[%mul3A_61, %dma_wait3A] : memref<40x128xi32, #tpu.memory_space<vmem>> -> memref<1x128xi32, #tpu.memory_space<vmem>>
      %dma_wait3A_71 = tpu.memref_squeeze %dma_wait3A_70 : memref<1x128xi32, #tpu.memory_space<vmem>> -> memref<128xi32, #tpu.memory_space<vmem>>
      %dma_wait3A_72 = arith.constant 0 : i32
      %dma_wait3A_73 = arith.constant 0 : i32
      %dma_wait3A_74 = tpu.memref_slice %arg2[%dma_wait3A_72, %dma_wait3A_73] : memref<10000x128xf32, #tpu.memory_space<hbm>> -> memref<10000x128xf32, #tpu.memory_space<hbm>>
      tpu.wait_indirect_dma semaphore(%arg11 : memref<!tpu.dma_semaphore, #tpu.memory_space<semaphore_mem>>) src(%dma_wait3A_74 : memref<10000x128xf32, #tpu.memory_space<hbm>>) dst(%arg8 : memref<128x128xf32, #tpu.memory_space<vmem>>)
      %dma_start3A_75 = arith.constant 0 : i32
      %dma_start3A_76 = tpu.memref_slice %arg7[%mul3A_61, %dma_start3A_75] : memref<40x128xi32, #tpu.memory_space<vmem>> -> memref<1x128xi32, #tpu.memory_space<vmem>>
      %dma_start3A_77 = tpu.memref_squeeze %dma_start3A_76 : memref<1x128xi32, #tpu.memory_space<vmem>> -> memref<128xi32, #tpu.memory_space<vmem>>
      %dma_start3A_78 = arith.constant 0 : i32
      %dma_start3A_79 = arith.constant 0 : i32
      %dma_start3A_80 = tpu.memref_slice %arg10[%dma_start3A_78, %dma_start3A_79] : memref<10112x128xf32, #tpu.memory_space<vmem_shared>> -> memref<10112x128xf32, #tpu.memory_space<vmem_shared>>
      tpu.enqueue_indirect_dma source(%arg8 : memref<128x128xf32, #tpu.memory_space<vmem>>) target(%dma_start3A_80 : memref<10112x128xf32, #tpu.memory_space<vmem_shared>>) offsets(%dma_start3A_77 : memref<128xi32, #tpu.memory_space<vmem>>) semaphore(%arg13 : memref<!tpu.dma_semaphore, #tpu.memory_space<semaphore_mem>>) {add = true}
      %dma_wait3A_81 = arith.constant 0 : i32
      %dma_wait3A_82 = tpu.memref_slice %arg6[%add3A_63, %dma_wait3A_81] : memref<40x128xi32, #tpu.memory_space<vmem>> -> memref<1x128xi32, #tpu.memory_space<vmem>>
      %dma_wait3A_83 = tpu.memref_squeeze %dma_wait3A_82 : memref<1x128xi32, #tpu.memory_space<vmem>> -> memref<128xi32, #tpu.memory_space<vmem>>
      %dma_wait3A_84 = arith.constant 0 : i32
      %dma_wait3A_85 = arith.constant 0 : i32
      %dma_wait3A_86 = tpu.memref_slice %arg2[%dma_wait3A_84, %dma_wait3A_85] : memref<10000x128xf32, #tpu.memory_space<hbm>> -> memref<10000x128xf32, #tpu.memory_space<hbm>>
      tpu.wait_indirect_dma semaphore(%arg12 : memref<!tpu.dma_semaphore, #tpu.memory_space<semaphore_mem>>) src(%dma_wait3A_86 : memref<10000x128xf32, #tpu.memory_space<hbm>>) dst(%arg9 : memref<128x128xf32, #tpu.memory_space<vmem>>)
      %dma_start3A_87 = arith.constant 0 : i32
      %dma_start3A_88 = tpu.memref_slice %arg7[%add3A_63, %dma_start3A_87] : memref<40x128xi32, #tpu.memory_space<vmem>> -> memref<1x128xi32, #tpu.memory_space<vmem>>
      %dma_start3A_89 = tpu.memref_squeeze %dma_start3A_88 : memref<1x128xi32, #tpu.memory_space<vmem>> -> memref<128xi32, #tpu.memory_space<vmem>>
      %dma_start3A_90 = arith.constant 0 : i32
      %dma_start3A_91 = arith.constant 0 : i32
      %dma_start3A_92 = tpu.memref_slice %arg10[%dma_start3A_90, %dma_start3A_91] : memref<10112x128xf32, #tpu.memory_space<vmem_shared>> -> memref<10112x128xf32, #tpu.memory_space<vmem_shared>>
      tpu.enqueue_indirect_dma source(%arg9 : memref<128x128xf32, #tpu.memory_space<vmem>>) target(%dma_start3A_92 : memref<10112x128xf32, #tpu.memory_space<vmem_shared>>) offsets(%dma_start3A_89 : memref<128xi32, #tpu.memory_space<vmem>>) semaphore(%arg14 : memref<!tpu.dma_semaphore, #tpu.memory_space<semaphore_mem>>) {add = true}
      %dma_wait3A_93 = arith.constant 0 : i32
      %dma_wait3A_94 = tpu.memref_slice %arg7[%mul3A_61, %dma_wait3A_93] : memref<40x128xi32, #tpu.memory_space<vmem>> -> memref<1x128xi32, #tpu.memory_space<vmem>>
      %dma_wait3A_95 = tpu.memref_squeeze %dma_wait3A_94 : memref<1x128xi32, #tpu.memory_space<vmem>> -> memref<128xi32, #tpu.memory_space<vmem>>
      %dma_wait3A_96 = arith.constant 0 : i32
      %dma_wait3A_97 = arith.constant 0 : i32
      %dma_wait3A_98 = tpu.memref_slice %arg10[%dma_wait3A_96, %dma_wait3A_97] : memref<10112x128xf32, #tpu.memory_space<vmem_shared>> -> memref<10112x128xf32, #tpu.memory_space<vmem_shared>>
      tpu.wait_indirect_dma semaphore(%arg13 : memref<!tpu.dma_semaphore, #tpu.memory_space<semaphore_mem>>) src(%arg8 : memref<128x128xf32, #tpu.memory_space<vmem>>) dst(%dma_wait3A_98 : memref<10112x128xf32, #tpu.memory_space<vmem_shared>>)
      %add3A_99 = arith.constant 2 : i32
      %add3A_100 = arith.addi %mul3A_61, %add3A_99 : i32
      %lt3A = arith.constant 40 : i32
      %lt3A_101 = arith.cmpi slt, %add3A_100, %lt3A : i32
      %convert_element_type3A = arith.extui %lt3A_101 : i1 to i32
      %cond3A = arith.constant 0 : i32
      %cond3A_102 = arith.cmpi ne, %convert_element_type3A, %cond3A : i32
      scf.if %cond3A_102 {
        %add3A_109 = arith.constant 2 : i32
        %add3A_110 = arith.addi %mul3A_61, %add3A_109 : i32
        %dma_start3A_111 = arith.constant 0 : i32
        %dma_start3A_112 = tpu.memref_slice %arg6[%add3A_110, %dma_start3A_111] : memref<40x128xi32, #tpu.memory_space<vmem>> -> memref<1x128xi32, #tpu.memory_space<vmem>>
        %dma_start3A_113 = tpu.memref_squeeze %dma_start3A_112 : memref<1x128xi32, #tpu.memory_space<vmem>> -> memref<128xi32, #tpu.memory_space<vmem>>
        %dma_start3A_114 = arith.constant 0 : i32
        %dma_start3A_115 = arith.constant 0 : i32
        %dma_start3A_116 = tpu.memref_slice %arg2[%dma_start3A_114, %dma_start3A_115] : memref<10000x128xf32, #tpu.memory_space<hbm>> -> memref<10000x128xf32, #tpu.memory_space<hbm>>
        tpu.enqueue_indirect_dma source(%dma_start3A_116 : memref<10000x128xf32, #tpu.memory_space<hbm>>) target(%arg8 : memref<128x128xf32, #tpu.memory_space<vmem>>) offsets(%dma_start3A_113 : memref<128xi32, #tpu.memory_space<vmem>>) semaphore(%arg11 : memref<!tpu.dma_semaphore, #tpu.memory_space<semaphore_mem>>)
      } else {
      }
      %dma_wait3A_103 = arith.constant 0 : i32
      %dma_wait3A_104 = tpu.memref_slice %arg7[%add3A_63, %dma_wait3A_103] : memref<40x128xi32, #tpu.memory_space<vmem>> -> memref<1x128xi32, #tpu.memory_space<vmem>>
      %dma_wait3A_105 = tpu.memref_squeeze %dma_wait3A_104 : memref<1x128xi32, #tpu.memory_space<vmem>> -> memref<128xi32, #tpu.memory_space<vmem>>
      %dma_wait3A_106 = arith.constant 0 : i32
      %dma_wait3A_107 = arith.constant 0 : i32
      %dma_wait3A_108 = tpu.memref_slice %arg10[%dma_wait3A_106, %dma_wait3A_107] : memref<10112x128xf32, #tpu.memory_space<vmem_shared>> -> memref<10112x128xf32, #tpu.memory_space<vmem_shared>>
      tpu.wait_indirect_dma semaphore(%arg14 : memref<!tpu.dma_semaphore, #tpu.memory_space<semaphore_mem>>) src(%arg9 : memref<128x128xf32, #tpu.memory_space<vmem>>) dst(%dma_wait3A_108 : memref<10112x128xf32, #tpu.memory_space<vmem_shared>>)
    }
    %scan3A_53 = arith.constant 20 : i32
    %barrier3A_54 = arith.constant 0 : index
    tpu.barrier barrier_id(%barrier3A_54)
    %mul3A_55 = arith.constant 632 : i32
    %mul3A_56 = arith.muli %arg1, %mul3A_55 : i32
    %mul3A_57 = arith.constant 632 : i32
    %mul3A_58 = arith.muli %arg1, %mul3A_57 : i32
    "tpu.region"() ({
      %run_scoped3A_59 = tpu.sem_alloc : memref<!tpu.dma_semaphore, #tpu.memory_space<semaphore_mem>>
      %dma_start3A_60 = arith.constant 0 : i32
      %dma_start3A_61 = tpu.memref_slice %arg5[%arg0, %mul3A_58, %dma_start3A_60] : memref<2x10112x128xf32, #tpu.memory_space<hbm>> -> memref<1x632x128xf32, #tpu.memory_space<hbm>>
      %dma_start3A_62 = tpu.memref_squeeze %dma_start3A_61 : memref<1x632x128xf32, #tpu.memory_space<hbm>> -> memref<632x128xf32, #tpu.memory_space<hbm>>
      %dma_start3A_63 = arith.constant 0 : i32
      %dma_start3A_64 = tpu.memref_slice %arg10[%mul3A_56, %dma_start3A_63] : memref<10112x128xf32, #tpu.memory_space<vmem_shared>> -> memref<632x128xf32, #tpu.memory_space<vmem_shared>>
      tpu.enqueue_dma source(%dma_start3A_64 : memref<632x128xf32, #tpu.memory_space<vmem_shared>>) target(%dma_start3A_62 : memref<632x128xf32, #tpu.memory_space<hbm>>) target_semaphore(%run_scoped3A_59 : memref<!tpu.dma_semaphore, #tpu.memory_space<semaphore_mem>>)
      %dma_wait3A = arith.constant 0 : i32
      %dma_wait3A_65 = tpu.memref_slice %arg5[%arg0, %mul3A_58, %dma_wait3A] : memref<2x10112x128xf32, #tpu.memory_space<hbm>> -> memref<1x632x128xf32, #tpu.memory_space<hbm>>
      %dma_wait3A_66 = tpu.memref_squeeze %dma_wait3A_65 : memref<1x632x128xf32, #tpu.memory_space<hbm>> -> memref<632x128xf32, #tpu.memory_space<hbm>>
      %dma_wait3A_67 = arith.constant 0 : i32
      %dma_wait3A_68 = tpu.memref_slice %arg10[%mul3A_56, %dma_wait3A_67] : memref<10112x128xf32, #tpu.memory_space<vmem_shared>> -> memref<632x128xf32, #tpu.memory_space<vmem_shared>>
      tpu.wait_dma2 semaphore(%run_scoped3A_59 : memref<!tpu.dma_semaphore, #tpu.memory_space<semaphore_mem>>) src(%dma_wait3A_68 : memref<632x128xf32, #tpu.memory_space<vmem_shared>>) dst(%dma_wait3A_66 : memref<632x128xf32, #tpu.memory_space<hbm>>)
      tpu.yield
    }) : () -> ()
    return
  }
}

module attributes {stable_mosaic.version = 14 : i64} {
  func.func @_init_mlp_body(%arg0: i32, %arg1: memref<400x128xf32, #tpu.memory_space<vmem>>, %arg2: memref<128x128xf32, #tpu.memory_space<vmem>>, %arg3: memref<1x128xf32, #tpu.memory_space<vmem>>, %arg4: memref<128x128xf32, #tpu.memory_space<vmem>>, %arg5: memref<1x128xf32, #tpu.memory_space<vmem>>, %arg6: memref<128x128xf32, #tpu.memory_space<vmem>>, %arg7: memref<1x128xf32, #tpu.memory_space<vmem>>, %arg8: memref<400x128xf32, #tpu.memory_space<vmem>>, %arg9: memref<8x128xf32, #tpu.memory_space<vmem>>) attributes {dimension_semantics = [#tpu.dimension_semantics<arbitrary>], iteration_bounds = array<i64: 25>, scalar_prefetch = 0 : i64, scratch_operands = 0 : i64, tpu.core_type = #tpu.core_type<tc>, window_params = [{transform_indices = @transform_0, window_bounds = array<i64: 400, 128>}, {pipeline_mode = #tpu.pipeline_mode<synchronous>, transform_indices = @transform_1, window_bounds = array<i64: 128, 128>}, {pipeline_mode = #tpu.pipeline_mode<synchronous>, transform_indices = @transform_2, window_bounds = array<i64: 1, 128>}, {pipeline_mode = #tpu.pipeline_mode<synchronous>, transform_indices = @transform_3, window_bounds = array<i64: 128, 128>}, {pipeline_mode = #tpu.pipeline_mode<synchronous>, transform_indices = @transform_4, window_bounds = array<i64: 1, 128>}, {pipeline_mode = #tpu.pipeline_mode<synchronous>, transform_indices = @transform_5, window_bounds = array<i64: 128, 128>}, {pipeline_mode = #tpu.pipeline_mode<synchronous>, transform_indices = @transform_6, window_bounds = array<i64: 1, 128>}, {transform_indices = @transform_7, window_bounds = array<i64: 400, 128>}, {pipeline_mode = #tpu.pipeline_mode<synchronous>, transform_indices = @transform_8, window_bounds = array<i64: 8, 128>}]} {
    %get3A = arith.constant 0 : index
    %get3A_0 = arith.constant 0 : index
    %get3A_1 = vector.load %arg1[%get3A, %get3A_0] : memref<400x128xf32, #tpu.memory_space<vmem>>, vector<400x128xf32>
    %get3A_2 = arith.constant 0 : index
    %get3A_3 = arith.constant 0 : index
    %get3A_4 = vector.load %arg2[%get3A_2, %get3A_3] : memref<128x128xf32, #tpu.memory_space<vmem>>, vector<128x128xf32>
    %dot_general3A = arith.constant dense<0.000000e+00> : vector<400x128xf32>
    %dot_general3A_5 = tpu.matmul %get3A_1, %get3A_4, %dot_general3A {dimension_numbers = #tpu.dot_dimension_numbers<[1], [0], [0], [1], [0, 0, 1, 1], [], []>, transpose_lhs_hint = false} : vector<400x128xf32>, vector<128x128xf32>, vector<400x128xf32> -> vector<400x128xf32>
    %get3A_6 = arith.constant 0 : index
    %get3A_7 = arith.constant 0 : index
    %get3A_8 = vector.load %arg3[%get3A_6, %get3A_7] : memref<1x128xf32, #tpu.memory_space<vmem>>, vector<1x128xf32>
    %add3A = vector.broadcast %get3A_8 : vector<1x128xf32> to vector<400x128xf32>
    %add3A_9 = arith.addf %dot_general3A_5, %add3A : vector<400x128xf32>
    %max3A = arith.constant 0.000000e+00 : f32
    %max3A_10 = vector.broadcast %max3A : f32 to vector<400x128xf32>
    %max3A_11 = arith.maximumf %add3A_9, %max3A_10 : vector<400x128xf32>
    %get3A_12 = arith.constant 0 : index
    %get3A_13 = arith.constant 0 : index
    %get3A_14 = vector.load %arg4[%get3A_12, %get3A_13] : memref<128x128xf32, #tpu.memory_space<vmem>>, vector<128x128xf32>
    %dot_general3A_15 = arith.constant dense<0.000000e+00> : vector<400x128xf32>
    %dot_general3A_16 = tpu.matmul %max3A_11, %get3A_14, %dot_general3A_15 {dimension_numbers = #tpu.dot_dimension_numbers<[1], [0], [0], [1], [0, 0, 1, 1], [], []>, transpose_lhs_hint = false} : vector<400x128xf32>, vector<128x128xf32>, vector<400x128xf32> -> vector<400x128xf32>
    %get3A_17 = arith.constant 0 : index
    %get3A_18 = arith.constant 0 : index
    %get3A_19 = vector.load %arg5[%get3A_17, %get3A_18] : memref<1x128xf32, #tpu.memory_space<vmem>>, vector<1x128xf32>
    %add3A_20 = vector.broadcast %get3A_19 : vector<1x128xf32> to vector<400x128xf32>
    %add3A_21 = arith.addf %dot_general3A_16, %add3A_20 : vector<400x128xf32>
    %max3A_22 = arith.constant 0.000000e+00 : f32
    %max3A_23 = vector.broadcast %max3A_22 : f32 to vector<400x128xf32>
    %max3A_24 = arith.maximumf %add3A_21, %max3A_23 : vector<400x128xf32>
    %get3A_25 = arith.constant 0 : index
    %get3A_26 = arith.constant 0 : index
    %get3A_27 = vector.load %arg6[%get3A_25, %get3A_26] : memref<128x128xf32, #tpu.memory_space<vmem>>, vector<128x128xf32>
    %dot_general3A_28 = arith.constant dense<0.000000e+00> : vector<400x128xf32>
    %dot_general3A_29 = tpu.matmul %max3A_24, %get3A_27, %dot_general3A_28 {dimension_numbers = #tpu.dot_dimension_numbers<[1], [0], [0], [1], [0, 0, 1, 1], [], []>, transpose_lhs_hint = false} : vector<400x128xf32>, vector<128x128xf32>, vector<400x128xf32> -> vector<400x128xf32>
    %get3A_30 = arith.constant 0 : index
    %get3A_31 = arith.constant 0 : index
    %get3A_32 = vector.load %arg7[%get3A_30, %get3A_31] : memref<1x128xf32, #tpu.memory_space<vmem>>, vector<1x128xf32>
    %add3A_33 = vector.broadcast %get3A_32 : vector<1x128xf32> to vector<400x128xf32>
    %add3A_34 = arith.addf %dot_general3A_29, %add3A_33 : vector<400x128xf32>
    %swap3A = arith.constant 0 : index
    %swap3A_35 = arith.constant 0 : index
    %swap3A_36 = vector.load %arg8[%swap3A, %swap3A_35] : memref<400x128xf32, #tpu.memory_space<vmem>>, vector<400x128xf32>
    tpu.vector_store %arg8[%swap3A, %swap3A_35], %add3A_34 {strides = array<i32>} : memref<400x128xf32, #tpu.memory_space<vmem>>, vector<400x128xf32>,
    %eq3A = arith.constant 0 : i32
    %eq3A_37 = arith.cmpi eq, %arg0, %eq3A : i32
    %convert_element_type3A = arith.extui %eq3A_37 : i1 to i32
    %cond3A = arith.constant 0 : i32
    %cond3A_38 = arith.cmpi ne, %convert_element_type3A, %cond3A : i32
    scf.if %cond3A_38 {
      %broadcast_in_dim3A_49 = arith.constant 0.000000e+00 : f32
      %broadcast_in_dim3A_50 = vector.broadcast %broadcast_in_dim3A_49 : f32 to vector<8x128xf32>
      %swap3A_51 = arith.constant 0 : index
      %swap3A_52 = arith.constant 0 : index
      %swap3A_53 = vector.load %arg9[%swap3A_51, %swap3A_52] : memref<8x128xf32, #tpu.memory_space<vmem>>, vector<8x128xf32>
      tpu.vector_store %arg9[%swap3A_51, %swap3A_52], %broadcast_in_dim3A_50 {strides = array<i32>} : memref<8x128xf32, #tpu.memory_space<vmem>>, vector<8x128xf32>,
    } else {
    }
    %reduce_sum3A = arith.constant dense<0.000000e+00> : vector<128xf32>
    %reduce_sum3A_39 = vector.multi_reduction <add>, %add3A_34, %reduce_sum3A [0] : vector<400x128xf32> to vector<128xf32>
    %broadcast_in_dim3A = vector.shape_cast %reduce_sum3A_39 : vector<128xf32> to vector<1x128xf32>
    %get3A_40 = arith.constant 0 : index
    %get3A_41 = arith.constant 0 : index
    %get3A_42 = vector.load %arg9[%get3A_40, %get3A_41] : memref<8x128xf32, #tpu.memory_space<vmem>>, vector<8x128xf32>
    %broadcast_in_dim3A_43 = vector.shape_cast %broadcast_in_dim3A : vector<1x128xf32> to vector<1x128xf32>
    %broadcast_in_dim3A_44 = vector.broadcast %broadcast_in_dim3A_43 : vector<1x128xf32> to vector<8x128xf32>
    %add3A_45 = arith.addf %get3A_42, %broadcast_in_dim3A_44 : vector<8x128xf32>
    %swap3A_46 = arith.constant 0 : index
    %swap3A_47 = arith.constant 0 : index
    %swap3A_48 = vector.load %arg9[%swap3A_46, %swap3A_47] : memref<8x128xf32, #tpu.memory_space<vmem>>, vector<8x128xf32>
    tpu.vector_store %arg9[%swap3A_46, %swap3A_47], %add3A_45 {strides = array<i32>} : memref<8x128xf32, #tpu.memory_space<vmem>>, vector<8x128xf32>,
    return
  }
  func.func @transform_0(%arg0: i32) -> (i32, i32) {
    %c0_i32 = arith.constant 0 : i32
    %c0_i32_0 = arith.constant 0 : i32
    return %arg0, %c0_i32 : i32, i32
  }
  func.func @transform_1(%arg0: i32) -> (i32, i32) {
    %c0_i32 = arith.constant 0 : i32
    %c0_i32_0 = arith.constant 0 : i32
    %c0_i32_1 = arith.constant 0 : i32
    return %c0_i32, %c0_i32_0 : i32, i32
  }
  func.func @transform_2(%arg0: i32) -> (i32, i32) {
    %c0_i32 = arith.constant 0 : i32
    %c0_i32_0 = arith.constant 0 : i32
    %c0_i32_1 = arith.constant 0 : i32
    return %c0_i32, %c0_i32_0 : i32, i32
  }
  func.func @transform_3(%arg0: i32) -> (i32, i32) {
    %c0_i32 = arith.constant 0 : i32
    %c0_i32_0 = arith.constant 0 : i32
    %c0_i32_1 = arith.constant 0 : i32
    return %c0_i32, %c0_i32_0 : i32, i32
  }
  func.func @transform_4(%arg0: i32) -> (i32, i32) {
    %c0_i32 = arith.constant 0 : i32
    %c0_i32_0 = arith.constant 0 : i32
    %c0_i32_1 = arith.constant 0 : i32
    return %c0_i32, %c0_i32_0 : i32, i32
  }
  func.func @transform_5(%arg0: i32) -> (i32, i32) {
    %c0_i32 = arith.constant 0 : i32
    %c0_i32_0 = arith.constant 0 : i32
    %c0_i32_1 = arith.constant 0 : i32
    return %c0_i32, %c0_i32_0 : i32, i32
  }
  func.func @transform_6(%arg0: i32) -> (i32, i32) {
    %c0_i32 = arith.constant 0 : i32
    %c0_i32_0 = arith.constant 0 : i32
    %c0_i32_1 = arith.constant 0 : i32
    return %c0_i32, %c0_i32_0 : i32, i32
  }
  func.func @transform_7(%arg0: i32) -> (i32, i32) {
    %c0_i32 = arith.constant 0 : i32
    %c0_i32_0 = arith.constant 0 : i32
    return %arg0, %c0_i32 : i32, i32
  }
  func.func @transform_8(%arg0: i32) -> (i32, i32) {
    %c0_i32 = arith.constant 0 : i32
    %c0_i32_0 = arith.constant 0 : i32
    %c0_i32_1 = arith.constant 0 : i32
    return %c0_i32, %c0_i32_0 : i32, i32
  }
}

module attributes {stable_mosaic.version = 14 : i64} {
  func.func @_node_mlp_body(%arg0: i32, %arg1: memref<2x400x128xf32, #tpu.memory_space<vmem>>, %arg2: memref<400x128xf32, #tpu.memory_space<vmem>>, %arg3: memref<8x128xf32, #tpu.memory_space<vmem>>, %arg4: memref<384x128xf32, #tpu.memory_space<vmem>>, %arg5: memref<1x128xf32, #tpu.memory_space<vmem>>, %arg6: memref<128x128xf32, #tpu.memory_space<vmem>>, %arg7: memref<1x128xf32, #tpu.memory_space<vmem>>, %arg8: memref<128x128xf32, #tpu.memory_space<vmem>>, %arg9: memref<1x128xf32, #tpu.memory_space<vmem>>, %arg10: memref<400x128xf32, #tpu.memory_space<vmem>>, %arg11: memref<8x128xf32, #tpu.memory_space<vmem>>) attributes {dimension_semantics = [#tpu.dimension_semantics<arbitrary>], iteration_bounds = array<i64: 25>, scalar_prefetch = 0 : i64, scratch_operands = 0 : i64, tpu.core_type = #tpu.core_type<tc>, window_params = [{transform_indices = @transform_0, window_bounds = array<i64: 2, 400, 128>}, {transform_indices = @transform_1, window_bounds = array<i64: 400, 128>}, {pipeline_mode = #tpu.pipeline_mode<synchronous>, transform_indices = @transform_2, window_bounds = array<i64: 8, 128>}, {pipeline_mode = #tpu.pipeline_mode<synchronous>, transform_indices = @transform_3, window_bounds = array<i64: 384, 128>}, {pipeline_mode = #tpu.pipeline_mode<synchronous>, transform_indices = @transform_4, window_bounds = array<i64: 1, 128>}, {pipeline_mode = #tpu.pipeline_mode<synchronous>, transform_indices = @transform_5, window_bounds = array<i64: 128, 128>}, {pipeline_mode = #tpu.pipeline_mode<synchronous>, transform_indices = @transform_6, window_bounds = array<i64: 1, 128>}, {pipeline_mode = #tpu.pipeline_mode<synchronous>, transform_indices = @transform_7, window_bounds = array<i64: 128, 128>}, {pipeline_mode = #tpu.pipeline_mode<synchronous>, transform_indices = @transform_8, window_bounds = array<i64: 1, 128>}, {transform_indices = @transform_9, window_bounds = array<i64: 400, 128>}, {pipeline_mode = #tpu.pipeline_mode<synchronous>, transform_indices = @transform_10, window_bounds = array<i64: 8, 128>}]} {
    %get3A = arith.constant 0 : index
    %get3A_0 = arith.constant 0 : index
    %get3A_1 = vector.load %arg3[%get3A, %get3A_0] : memref<8x128xf32, #tpu.memory_space<vmem>>, vector<1x128xf32>
    %mul3A = arith.mulf %get3A_1, %get3A_1 : vector<1x128xf32>
    %reduce_sum3A = vector.shape_cast %mul3A : vector<1x128xf32> to vector<1x1x128xf32>
    %reduce_sum3A_2 = arith.constant dense<0.000000e+00> : vector<1xf32>
    %reduce_sum3A_3 = vector.multi_reduction <add>, %reduce_sum3A, %reduce_sum3A_2 [1, 2] : vector<1x1x128xf32> to vector<1xf32>
    %reduce_sum3A_4 = vector.shape_cast %reduce_sum3A_3 : vector<1xf32> to vector<1x1x1xf32>
    %reduce_sum3A_5 = vector.extract %reduce_sum3A_4[0, 0, 0] : f32 from vector<1x1x1xf32>
    %sqrt3A = math.sqrt %reduce_sum3A_5 : f32
    %add3A = arith.constant 9.99999993E-9 : f32
    %add3A_6 = arith.addf %sqrt3A, %add3A : f32
    %div3A = vector.broadcast %add3A_6 : f32 to vector<1x128xf32>
    %div3A_7 = arith.divf %get3A_1, %div3A : vector<1x128xf32>
    %get3A_8 = arith.constant 256 : index
    %get3A_9 = arith.constant 0 : index
    %get3A_10 = vector.load %arg4[%get3A_8, %get3A_9] : memref<384x128xf32, #tpu.memory_space<vmem>>, vector<128x128xf32>
    %dot_general3A = arith.constant dense<0.000000e+00> : vector<1x128xf32>
    %dot_general3A_11 = tpu.matmul %div3A_7, %get3A_10, %dot_general3A {dimension_numbers = #tpu.dot_dimension_numbers<[1], [0], [0], [1], [0, 0, 1, 1], [], []>, transpose_lhs_hint = false} : vector<1x128xf32>, vector<128x128xf32>, vector<1x128xf32> -> vector<1x128xf32>
    %get3A_12 = arith.constant 0 : index
    %get3A_13 = arith.constant 0 : index
    %get3A_14 = vector.load %arg5[%get3A_12, %get3A_13] : memref<1x128xf32, #tpu.memory_space<vmem>>, vector<1x128xf32>
    %add3A_15 = arith.addf %dot_general3A_11, %get3A_14 : vector<1x128xf32>
    %get3A_16 = arith.constant 0 : index
    %get3A_17 = arith.constant 0 : index
    %get3A_18 = arith.constant 0 : index
    %get3A_19 = vector.load %arg1[%get3A_16, %get3A_17, %get3A_18] : memref<2x400x128xf32, #tpu.memory_space<vmem>>, vector<1x400x128xf32>
    %get3A_20 = vector.shape_cast %get3A_19 : vector<1x400x128xf32> to vector<400x128xf32>
    %get3A_21 = arith.constant 1 : index
    %get3A_22 = arith.constant 0 : index
    %get3A_23 = arith.constant 0 : index
    %get3A_24 = vector.load %arg1[%get3A_21, %get3A_22, %get3A_23] : memref<2x400x128xf32, #tpu.memory_space<vmem>>, vector<1x400x128xf32>
    %get3A_25 = vector.shape_cast %get3A_24 : vector<1x400x128xf32> to vector<400x128xf32>
    %add3A_26 = arith.addf %get3A_20, %get3A_25 : vector<400x128xf32>
    %get3A_27 = arith.constant 0 : index
    %get3A_28 = arith.constant 0 : index
    %get3A_29 = vector.load %arg4[%get3A_27, %get3A_28] : memref<384x128xf32, #tpu.memory_space<vmem>>, vector<128x128xf32>
    %dot_general3A_30 = arith.constant dense<0.000000e+00> : vector<400x128xf32>
    %dot_general3A_31 = tpu.matmul %add3A_26, %get3A_29, %dot_general3A_30 {dimension_numbers = #tpu.dot_dimension_numbers<[1], [0], [0], [1], [0, 0, 1, 1], [], []>, transpose_lhs_hint = false} : vector<400x128xf32>, vector<128x128xf32>, vector<400x128xf32> -> vector<400x128xf32>
    %get3A_32 = arith.constant 0 : index
    %get3A_33 = arith.constant 0 : index
    %get3A_34 = vector.load %arg2[%get3A_32, %get3A_33] : memref<400x128xf32, #tpu.memory_space<vmem>>, vector<400x128xf32>
    %get3A_35 = arith.constant 128 : index
    %get3A_36 = arith.constant 0 : index
    %get3A_37 = vector.load %arg4[%get3A_35, %get3A_36] : memref<384x128xf32, #tpu.memory_space<vmem>>, vector<128x128xf32>
    %dot_general3A_38 = arith.constant dense<0.000000e+00> : vector<400x128xf32>
    %dot_general3A_39 = tpu.matmul %get3A_34, %get3A_37, %dot_general3A_38 {dimension_numbers = #tpu.dot_dimension_numbers<[1], [0], [0], [1], [0, 0, 1, 1], [], []>, transpose_lhs_hint = false} : vector<400x128xf32>, vector<128x128xf32>, vector<400x128xf32> -> vector<400x128xf32>
    %add3A_40 = arith.addf %dot_general3A_31, %dot_general3A_39 : vector<400x128xf32>
    %add3A_41 = vector.broadcast %add3A_15 : vector<1x128xf32> to vector<400x128xf32>
    %add3A_42 = arith.addf %add3A_40, %add3A_41 : vector<400x128xf32>
    %max3A = arith.constant 0.000000e+00 : f32
    %max3A_43 = vector.broadcast %max3A : f32 to vector<400x128xf32>
    %max3A_44 = arith.maximumf %add3A_42, %max3A_43 : vector<400x128xf32>
    %get3A_45 = arith.constant 0 : index
    %get3A_46 = arith.constant 0 : index
    %get3A_47 = vector.load %arg6[%get3A_45, %get3A_46] : memref<128x128xf32, #tpu.memory_space<vmem>>, vector<128x128xf32>
    %dot_general3A_48 = arith.constant dense<0.000000e+00> : vector<400x128xf32>
    %dot_general3A_49 = tpu.matmul %max3A_44, %get3A_47, %dot_general3A_48 {dimension_numbers = #tpu.dot_dimension_numbers<[1], [0], [0], [1], [0, 0, 1, 1], [], []>, transpose_lhs_hint = false} : vector<400x128xf32>, vector<128x128xf32>, vector<400x128xf32> -> vector<400x128xf32>
    %get3A_50 = arith.constant 0 : index
    %get3A_51 = arith.constant 0 : index
    %get3A_52 = vector.load %arg7[%get3A_50, %get3A_51] : memref<1x128xf32, #tpu.memory_space<vmem>>, vector<1x128xf32>
    %add3A_53 = vector.broadcast %get3A_52 : vector<1x128xf32> to vector<400x128xf32>
    %add3A_54 = arith.addf %dot_general3A_49, %add3A_53 : vector<400x128xf32>
    %max3A_55 = arith.constant 0.000000e+00 : f32
    %max3A_56 = vector.broadcast %max3A_55 : f32 to vector<400x128xf32>
    %max3A_57 = arith.maximumf %add3A_54, %max3A_56 : vector<400x128xf32>
    %get3A_58 = arith.constant 0 : index
    %get3A_59 = arith.constant 0 : index
    %get3A_60 = vector.load %arg8[%get3A_58, %get3A_59] : memref<128x128xf32, #tpu.memory_space<vmem>>, vector<128x128xf32>
    %dot_general3A_61 = arith.constant dense<0.000000e+00> : vector<400x128xf32>
    %dot_general3A_62 = tpu.matmul %max3A_57, %get3A_60, %dot_general3A_61 {dimension_numbers = #tpu.dot_dimension_numbers<[1], [0], [0], [1], [0, 0, 1, 1], [], []>, transpose_lhs_hint = false} : vector<400x128xf32>, vector<128x128xf32>, vector<400x128xf32> -> vector<400x128xf32>
    %get3A_63 = arith.constant 0 : index
    %get3A_64 = arith.constant 0 : index
    %get3A_65 = vector.load %arg9[%get3A_63, %get3A_64] : memref<1x128xf32, #tpu.memory_space<vmem>>, vector<1x128xf32>
    %add3A_66 = vector.broadcast %get3A_65 : vector<1x128xf32> to vector<400x128xf32>
    %add3A_67 = arith.addf %dot_general3A_62, %add3A_66 : vector<400x128xf32>
    %mul3A_68 = arith.mulf %add3A_67, %add3A_67 : vector<400x128xf32>
    %reduce_sum3A_69 = arith.constant dense<0.000000e+00> : vector<400xf32>
    %reduce_sum3A_70 = vector.multi_reduction <add>, %mul3A_68, %reduce_sum3A_69 [1] : vector<400x128xf32> to vector<400xf32>
    %broadcast_in_dim3A = vector.shape_cast %reduce_sum3A_70 : vector<400xf32> to vector<400x1xf32>
    %sqrt3A_71 = math.sqrt %broadcast_in_dim3A : vector<400x1xf32>
    %add3A_72 = arith.constant 9.99999993E-9 : f32
    %add3A_73 = vector.broadcast %add3A_72 : f32 to vector<400x1xf32>
    %add3A_74 = arith.addf %sqrt3A_71, %add3A_73 : vector<400x1xf32>
    %div3A_75 = vector.broadcast %add3A_74 : vector<400x1xf32> to vector<400x128xf32>
    %div3A_76 = arith.divf %add3A_67, %div3A_75 : vector<400x128xf32>
    %swap3A = arith.constant 0 : index
    %swap3A_77 = arith.constant 0 : index
    %swap3A_78 = vector.load %arg10[%swap3A, %swap3A_77] : memref<400x128xf32, #tpu.memory_space<vmem>>, vector<400x128xf32>
    tpu.vector_store %arg10[%swap3A, %swap3A_77], %div3A_76 {strides = array<i32>} : memref<400x128xf32, #tpu.memory_space<vmem>>, vector<400x128xf32>,
    %eq3A = arith.constant 0 : i32
    %eq3A_79 = arith.cmpi eq, %arg0, %eq3A : i32
    %convert_element_type3A = arith.extui %eq3A_79 : i1 to i32
    %cond3A = arith.constant 0 : i32
    %cond3A_80 = arith.cmpi ne, %convert_element_type3A, %cond3A : i32
    scf.if %cond3A_80 {
      %broadcast_in_dim3A_93 = arith.constant 0.000000e+00 : f32
      %broadcast_in_dim3A_94 = vector.broadcast %broadcast_in_dim3A_93 : f32 to vector<8x128xf32>
      %swap3A_95 = arith.constant 0 : index
      %swap3A_96 = arith.constant 0 : index
      %swap3A_97 = vector.load %arg11[%swap3A_95, %swap3A_96] : memref<8x128xf32, #tpu.memory_space<vmem>>, vector<8x128xf32>
      tpu.vector_store %arg11[%swap3A_95, %swap3A_96], %broadcast_in_dim3A_94 {strides = array<i32>} : memref<8x128xf32, #tpu.memory_space<vmem>>, vector<8x128xf32>,
    } else {
    }
    %reduce_sum3A_81 = arith.constant dense<0.000000e+00> : vector<128xf32>
    %reduce_sum3A_82 = vector.multi_reduction <add>, %div3A_76, %reduce_sum3A_81 [0] : vector<400x128xf32> to vector<128xf32>
    %broadcast_in_dim3A_83 = vector.shape_cast %reduce_sum3A_82 : vector<128xf32> to vector<1x128xf32>
    %get3A_84 = arith.constant 0 : index
    %get3A_85 = arith.constant 0 : index
    %get3A_86 = vector.load %arg11[%get3A_84, %get3A_85] : memref<8x128xf32, #tpu.memory_space<vmem>>, vector<8x128xf32>
    %broadcast_in_dim3A_87 = vector.shape_cast %broadcast_in_dim3A_83 : vector<1x128xf32> to vector<1x128xf32>
    %broadcast_in_dim3A_88 = vector.broadcast %broadcast_in_dim3A_87 : vector<1x128xf32> to vector<8x128xf32>
    %add3A_89 = arith.addf %get3A_86, %broadcast_in_dim3A_88 : vector<8x128xf32>
    %swap3A_90 = arith.constant 0 : index
    %swap3A_91 = arith.constant 0 : index
    %swap3A_92 = vector.load %arg11[%swap3A_90, %swap3A_91] : memref<8x128xf32, #tpu.memory_space<vmem>>, vector<8x128xf32>
    tpu.vector_store %arg11[%swap3A_90, %swap3A_91], %add3A_89 {strides = array<i32>} : memref<8x128xf32, #tpu.memory_space<vmem>>, vector<8x128xf32>,
    return
  }
  func.func @transform_0(%arg0: i32) -> (i32, i32, i32) {
    %c0_i32 = arith.constant 0 : i32
    %c0_i32_0 = arith.constant 0 : i32
    %c0_i32_1 = arith.constant 0 : i32
    return %c0_i32, %arg0, %c0_i32_0 : i32, i32, i32
  }
  func.func @transform_1(%arg0: i32) -> (i32, i32) {
    %c0_i32 = arith.constant 0 : i32
    %c0_i32_0 = arith.constant 0 : i32
    return %arg0, %c0_i32 : i32, i32
  }
  func.func @transform_2(%arg0: i32) -> (i32, i32) {
    %c0_i32 = arith.constant 0 : i32
    %c0_i32_0 = arith.constant 0 : i32
    %c0_i32_1 = arith.constant 0 : i32
    return %c0_i32, %c0_i32_0 : i32, i32
  }
  func.func @transform_3(%arg0: i32) -> (i32, i32) {
    %c0_i32 = arith.constant 0 : i32
    %c0_i32_0 = arith.constant 0 : i32
    %c0_i32_1 = arith.constant 0 : i32
    return %c0_i32, %c0_i32_0 : i32, i32
  }
  func.func @transform_4(%arg0: i32) -> (i32, i32) {
    %c0_i32 = arith.constant 0 : i32
    %c0_i32_0 = arith.constant 0 : i32
    %c0_i32_1 = arith.constant 0 : i32
    return %c0_i32, %c0_i32_0 : i32, i32
  }
  func.func @transform_5(%arg0: i32) -> (i32, i32) {
    %c0_i32 = arith.constant 0 : i32
    %c0_i32_0 = arith.constant 0 : i32
    %c0_i32_1 = arith.constant 0 : i32
    return %c0_i32, %c0_i32_0 : i32, i32
  }
  func.func @transform_6(%arg0: i32) -> (i32, i32) {
    %c0_i32 = arith.constant 0 : i32
    %c0_i32_0 = arith.constant 0 : i32
    %c0_i32_1 = arith.constant 0 : i32
    return %c0_i32, %c0_i32_0 : i32, i32
  }
  func.func @transform_7(%arg0: i32) -> (i32, i32) {
    %c0_i32 = arith.constant 0 : i32
    %c0_i32_0 = arith.constant 0 : i32
    %c0_i32_1 = arith.constant 0 : i32
    return %c0_i32, %c0_i32_0 : i32, i32
  }
  func.func @transform_8(%arg0: i32) -> (i32, i32) {
    %c0_i32 = arith.constant 0 : i32
    %c0_i32_0 = arith.constant 0 : i32
    %c0_i32_1 = arith.constant 0 : i32
    return %c0_i32, %c0_i32_0 : i32, i32
  }
  func.func @transform_9(%arg0: i32) -> (i32, i32) {
    %c0_i32 = arith.constant 0 : i32
    %c0_i32_0 = arith.constant 0 : i32
    return %arg0, %c0_i32 : i32, i32
  }
  func.func @transform_10(%arg0: i32) -> (i32, i32) {
    %c0_i32 = arith.constant 0 : i32
    %c0_i32_0 = arith.constant 0 : i32
    %c0_i32_1 = arith.constant 0 : i32
    return %c0_i32, %c0_i32_0 : i32, i32
  }
}

module attributes {stable_mosaic.version = 14 : i64} {
  func.func @_node_mlp_body(%arg0: i32, %arg1: memref<2x400x128xf32, #tpu.memory_space<vmem>>, %arg2: memref<400x128xf32, #tpu.memory_space<vmem>>, %arg3: memref<8x128xf32, #tpu.memory_space<vmem>>, %arg4: memref<384x128xf32, #tpu.memory_space<vmem>>, %arg5: memref<1x128xf32, #tpu.memory_space<vmem>>, %arg6: memref<128x128xf32, #tpu.memory_space<vmem>>, %arg7: memref<1x128xf32, #tpu.memory_space<vmem>>, %arg8: memref<128x128xf32, #tpu.memory_space<vmem>>, %arg9: memref<1x128xf32, #tpu.memory_space<vmem>>, %arg10: memref<400x128xf32, #tpu.memory_space<vmem>>, %arg11: memref<8x128xf32, #tpu.memory_space<vmem>>) attributes {dimension_semantics = [#tpu.dimension_semantics<arbitrary>], iteration_bounds = array<i64: 25>, scalar_prefetch = 0 : i64, scratch_operands = 0 : i64, tpu.core_type = #tpu.core_type<tc>, window_params = [{transform_indices = @transform_0, window_bounds = array<i64: 2, 400, 128>}, {transform_indices = @transform_1, window_bounds = array<i64: 400, 128>}, {pipeline_mode = #tpu.pipeline_mode<synchronous>, transform_indices = @transform_2, window_bounds = array<i64: 8, 128>}, {pipeline_mode = #tpu.pipeline_mode<synchronous>, transform_indices = @transform_3, window_bounds = array<i64: 384, 128>}, {pipeline_mode = #tpu.pipeline_mode<synchronous>, transform_indices = @transform_4, window_bounds = array<i64: 1, 128>}, {pipeline_mode = #tpu.pipeline_mode<synchronous>, transform_indices = @transform_5, window_bounds = array<i64: 128, 128>}, {pipeline_mode = #tpu.pipeline_mode<synchronous>, transform_indices = @transform_6, window_bounds = array<i64: 1, 128>}, {pipeline_mode = #tpu.pipeline_mode<synchronous>, transform_indices = @transform_7, window_bounds = array<i64: 128, 128>}, {pipeline_mode = #tpu.pipeline_mode<synchronous>, transform_indices = @transform_8, window_bounds = array<i64: 1, 128>}, {transform_indices = @transform_9, window_bounds = array<i64: 400, 128>}, {pipeline_mode = #tpu.pipeline_mode<synchronous>, transform_indices = @transform_10, window_bounds = array<i64: 8, 128>}]} {
    %get3A = arith.constant 0 : index
    %get3A_0 = arith.constant 0 : index
    %get3A_1 = vector.load %arg3[%get3A, %get3A_0] : memref<8x128xf32, #tpu.memory_space<vmem>>, vector<1x128xf32>
    %mul3A = arith.mulf %get3A_1, %get3A_1 : vector<1x128xf32>
    %reduce_sum3A = vector.shape_cast %mul3A : vector<1x128xf32> to vector<1x1x128xf32>
    %reduce_sum3A_2 = arith.constant dense<0.000000e+00> : vector<1xf32>
    %reduce_sum3A_3 = vector.multi_reduction <add>, %reduce_sum3A, %reduce_sum3A_2 [1, 2] : vector<1x1x128xf32> to vector<1xf32>
    %reduce_sum3A_4 = vector.shape_cast %reduce_sum3A_3 : vector<1xf32> to vector<1x1x1xf32>
    %reduce_sum3A_5 = vector.extract %reduce_sum3A_4[0, 0, 0] : f32 from vector<1x1x1xf32>
    %sqrt3A = math.sqrt %reduce_sum3A_5 : f32
    %add3A = arith.constant 9.99999993E-9 : f32
    %add3A_6 = arith.addf %sqrt3A, %add3A : f32
    %div3A = vector.broadcast %add3A_6 : f32 to vector<1x128xf32>
    %div3A_7 = arith.divf %get3A_1, %div3A : vector<1x128xf32>
    %get3A_8 = arith.constant 256 : index
    %get3A_9 = arith.constant 0 : index
    %get3A_10 = vector.load %arg4[%get3A_8, %get3A_9] : memref<384x128xf32, #tpu.memory_space<vmem>>, vector<128x128xf32>
    %dot_general3A = arith.constant dense<0.000000e+00> : vector<1x128xf32>
    %dot_general3A_11 = tpu.matmul %div3A_7, %get3A_10, %dot_general3A {dimension_numbers = #tpu.dot_dimension_numbers<[1], [0], [0], [1], [0, 0, 1, 1], [], []>, transpose_lhs_hint = false} : vector<1x128xf32>, vector<128x128xf32>, vector<1x128xf32> -> vector<1x128xf32>
    %get3A_12 = arith.constant 0 : index
    %get3A_13 = arith.constant 0 : index
    %get3A_14 = vector.load %arg5[%get3A_12, %get3A_13] : memref<1x128xf32, #tpu.memory_space<vmem>>, vector<1x128xf32>
    %add3A_15 = arith.addf %dot_general3A_11, %get3A_14 : vector<1x128xf32>
    %get3A_16 = arith.constant 0 : index
    %get3A_17 = arith.constant 0 : index
    %get3A_18 = arith.constant 0 : index
    %get3A_19 = vector.load %arg1[%get3A_16, %get3A_17, %get3A_18] : memref<2x400x128xf32, #tpu.memory_space<vmem>>, vector<1x400x128xf32>
    %get3A_20 = vector.shape_cast %get3A_19 : vector<1x400x128xf32> to vector<400x128xf32>
    %get3A_21 = arith.constant 1 : index
    %get3A_22 = arith.constant 0 : index
    %get3A_23 = arith.constant 0 : index
    %get3A_24 = vector.load %arg1[%get3A_21, %get3A_22, %get3A_23] : memref<2x400x128xf32, #tpu.memory_space<vmem>>, vector<1x400x128xf32>
    %get3A_25 = vector.shape_cast %get3A_24 : vector<1x400x128xf32> to vector<400x128xf32>
    %add3A_26 = arith.addf %get3A_20, %get3A_25 : vector<400x128xf32>
    %get3A_27 = arith.constant 0 : index
    %get3A_28 = arith.constant 0 : index
    %get3A_29 = vector.load %arg4[%get3A_27, %get3A_28] : memref<384x128xf32, #tpu.memory_space<vmem>>, vector<128x128xf32>
    %dot_general3A_30 = arith.constant dense<0.000000e+00> : vector<400x128xf32>
    %dot_general3A_31 = tpu.matmul %add3A_26, %get3A_29, %dot_general3A_30 {dimension_numbers = #tpu.dot_dimension_numbers<[1], [0], [0], [1], [0, 0, 1, 1], [], []>, transpose_lhs_hint = false} : vector<400x128xf32>, vector<128x128xf32>, vector<400x128xf32> -> vector<400x128xf32>
    %get3A_32 = arith.constant 0 : index
    %get3A_33 = arith.constant 0 : index
    %get3A_34 = vector.load %arg2[%get3A_32, %get3A_33] : memref<400x128xf32, #tpu.memory_space<vmem>>, vector<400x128xf32>
    %get3A_35 = arith.constant 128 : index
    %get3A_36 = arith.constant 0 : index
    %get3A_37 = vector.load %arg4[%get3A_35, %get3A_36] : memref<384x128xf32, #tpu.memory_space<vmem>>, vector<128x128xf32>
    %dot_general3A_38 = arith.constant dense<0.000000e+00> : vector<400x128xf32>
    %dot_general3A_39 = tpu.matmul %get3A_34, %get3A_37, %dot_general3A_38 {dimension_numbers = #tpu.dot_dimension_numbers<[1], [0], [0], [1], [0, 0, 1, 1], [], []>, transpose_lhs_hint = false} : vector<400x128xf32>, vector<128x128xf32>, vector<400x128xf32> -> vector<400x128xf32>
    %add3A_40 = arith.addf %dot_general3A_31, %dot_general3A_39 : vector<400x128xf32>
    %add3A_41 = vector.broadcast %add3A_15 : vector<1x128xf32> to vector<400x128xf32>
    %add3A_42 = arith.addf %add3A_40, %add3A_41 : vector<400x128xf32>
    %max3A = arith.constant 0.000000e+00 : f32
    %max3A_43 = vector.broadcast %max3A : f32 to vector<400x128xf32>
    %max3A_44 = arith.maximumf %add3A_42, %max3A_43 : vector<400x128xf32>
    %get3A_45 = arith.constant 0 : index
    %get3A_46 = arith.constant 0 : index
    %get3A_47 = vector.load %arg6[%get3A_45, %get3A_46] : memref<128x128xf32, #tpu.memory_space<vmem>>, vector<128x128xf32>
    %dot_general3A_48 = arith.constant dense<0.000000e+00> : vector<400x128xf32>
    %dot_general3A_49 = tpu.matmul %max3A_44, %get3A_47, %dot_general3A_48 {dimension_numbers = #tpu.dot_dimension_numbers<[1], [0], [0], [1], [0, 0, 1, 1], [], []>, transpose_lhs_hint = false} : vector<400x128xf32>, vector<128x128xf32>, vector<400x128xf32> -> vector<400x128xf32>
    %get3A_50 = arith.constant 0 : index
    %get3A_51 = arith.constant 0 : index
    %get3A_52 = vector.load %arg7[%get3A_50, %get3A_51] : memref<1x128xf32, #tpu.memory_space<vmem>>, vector<1x128xf32>
    %add3A_53 = vector.broadcast %get3A_52 : vector<1x128xf32> to vector<400x128xf32>
    %add3A_54 = arith.addf %dot_general3A_49, %add3A_53 : vector<400x128xf32>
    %max3A_55 = arith.constant 0.000000e+00 : f32
    %max3A_56 = vector.broadcast %max3A_55 : f32 to vector<400x128xf32>
    %max3A_57 = arith.maximumf %add3A_54, %max3A_56 : vector<400x128xf32>
    %get3A_58 = arith.constant 0 : index
    %get3A_59 = arith.constant 0 : index
    %get3A_60 = vector.load %arg8[%get3A_58, %get3A_59] : memref<128x128xf32, #tpu.memory_space<vmem>>, vector<128x128xf32>
    %dot_general3A_61 = arith.constant dense<0.000000e+00> : vector<400x128xf32>
    %dot_general3A_62 = tpu.matmul %max3A_57, %get3A_60, %dot_general3A_61 {dimension_numbers = #tpu.dot_dimension_numbers<[1], [0], [0], [1], [0, 0, 1, 1], [], []>, transpose_lhs_hint = false} : vector<400x128xf32>, vector<128x128xf32>, vector<400x128xf32> -> vector<400x128xf32>
    %get3A_63 = arith.constant 0 : index
    %get3A_64 = arith.constant 0 : index
    %get3A_65 = vector.load %arg9[%get3A_63, %get3A_64] : memref<1x128xf32, #tpu.memory_space<vmem>>, vector<1x128xf32>
    %add3A_66 = vector.broadcast %get3A_65 : vector<1x128xf32> to vector<400x128xf32>
    %add3A_67 = arith.addf %dot_general3A_62, %add3A_66 : vector<400x128xf32>
    %mul3A_68 = arith.mulf %add3A_67, %add3A_67 : vector<400x128xf32>
    %reduce_sum3A_69 = arith.constant dense<0.000000e+00> : vector<400xf32>
    %reduce_sum3A_70 = vector.multi_reduction <add>, %mul3A_68, %reduce_sum3A_69 [1] : vector<400x128xf32> to vector<400xf32>
    %broadcast_in_dim3A = vector.shape_cast %reduce_sum3A_70 : vector<400xf32> to vector<400x1xf32>
    %sqrt3A_71 = math.sqrt %broadcast_in_dim3A : vector<400x1xf32>
    %add3A_72 = arith.constant 9.99999993E-9 : f32
    %add3A_73 = vector.broadcast %add3A_72 : f32 to vector<400x1xf32>
    %add3A_74 = arith.addf %sqrt3A_71, %add3A_73 : vector<400x1xf32>
    %div3A_75 = vector.broadcast %add3A_74 : vector<400x1xf32> to vector<400x128xf32>
    %div3A_76 = arith.divf %add3A_67, %div3A_75 : vector<400x128xf32>
    %swap3A = arith.constant 0 : index
    %swap3A_77 = arith.constant 0 : index
    %swap3A_78 = vector.load %arg10[%swap3A, %swap3A_77] : memref<400x128xf32, #tpu.memory_space<vmem>>, vector<400x128xf32>
    tpu.vector_store %arg10[%swap3A, %swap3A_77], %div3A_76 {strides = array<i32>} : memref<400x128xf32, #tpu.memory_space<vmem>>, vector<400x128xf32>,
    %eq3A = arith.constant 0 : i32
    %eq3A_79 = arith.cmpi eq, %arg0, %eq3A : i32
    %convert_element_type3A = arith.extui %eq3A_79 : i1 to i32
    %cond3A = arith.constant 0 : i32
    %cond3A_80 = arith.cmpi ne, %convert_element_type3A, %cond3A : i32
    scf.if %cond3A_80 {
      %broadcast_in_dim3A_93 = arith.constant 0.000000e+00 : f32
      %broadcast_in_dim3A_94 = vector.broadcast %broadcast_in_dim3A_93 : f32 to vector<8x128xf32>
      %swap3A_95 = arith.constant 0 : index
      %swap3A_96 = arith.constant 0 : index
      %swap3A_97 = vector.load %arg11[%swap3A_95, %swap3A_96] : memref<8x128xf32, #tpu.memory_space<vmem>>, vector<8x128xf32>
      tpu.vector_store %arg11[%swap3A_95, %swap3A_96], %broadcast_in_dim3A_94 {strides = array<i32>} : memref<8x128xf32, #tpu.memory_space<vmem>>, vector<8x128xf32>,
    } else {
    }
    %reduce_sum3A_81 = arith.constant dense<0.000000e+00> : vector<128xf32>
    %reduce_sum3A_82 = vector.multi_reduction <add>, %div3A_76, %reduce_sum3A_81 [0] : vector<400x128xf32> to vector<128xf32>
    %broadcast_in_dim3A_83 = vector.shape_cast %reduce_sum3A_82 : vector<128xf32> to vector<1x128xf32>
    %get3A_84 = arith.constant 0 : index
    %get3A_85 = arith.constant 0 : index
    %get3A_86 = vector.load %arg11[%get3A_84, %get3A_85] : memref<8x128xf32, #tpu.memory_space<vmem>>, vector<8x128xf32>
    %broadcast_in_dim3A_87 = vector.shape_cast %broadcast_in_dim3A_83 : vector<1x128xf32> to vector<1x128xf32>
    %broadcast_in_dim3A_88 = vector.broadcast %broadcast_in_dim3A_87 : vector<1x128xf32> to vector<8x128xf32>
    %add3A_89 = arith.addf %get3A_86, %broadcast_in_dim3A_88 : vector<8x128xf32>
    %swap3A_90 = arith.constant 0 : index
    %swap3A_91 = arith.constant 0 : index
    %swap3A_92 = vector.load %arg11[%swap3A_90, %swap3A_91] : memref<8x128xf32, #tpu.memory_space<vmem>>, vector<8x128xf32>
    tpu.vector_store %arg11[%swap3A_90, %swap3A_91], %add3A_89 {strides = array<i32>} : memref<8x128xf32, #tpu.memory_space<vmem>>, vector<8x128xf32>,
    return
  }
  func.func @transform_0(%arg0: i32) -> (i32, i32, i32) {
    %c0_i32 = arith.constant 0 : i32
    %c0_i32_0 = arith.constant 0 : i32
    %c0_i32_1 = arith.constant 0 : i32
    return %c0_i32, %arg0, %c0_i32_0 : i32, i32, i32
  }
  func.func @transform_1(%arg0: i32) -> (i32, i32) {
    %c0_i32 = arith.constant 0 : i32
    %c0_i32_0 = arith.constant 0 : i32
    return %arg0, %c0_i32 : i32, i32
  }
  func.func @transform_2(%arg0: i32) -> (i32, i32) {
    %c0_i32 = arith.constant 0 : i32
    %c0_i32_0 = arith.constant 0 : i32
    %c0_i32_1 = arith.constant 0 : i32
    return %c0_i32, %c0_i32_0 : i32, i32
  }
  func.func @transform_3(%arg0: i32) -> (i32, i32) {
    %c0_i32 = arith.constant 0 : i32
    %c0_i32_0 = arith.constant 0 : i32
    %c0_i32_1 = arith.constant 0 : i32
    return %c0_i32, %c0_i32_0 : i32, i32
  }
  func.func @transform_4(%arg0: i32) -> (i32, i32) {
    %c0_i32 = arith.constant 0 : i32
    %c0_i32_0 = arith.constant 0 : i32
    %c0_i32_1 = arith.constant 0 : i32
    return %c0_i32, %c0_i32_0 : i32, i32
  }
  func.func @transform_5(%arg0: i32) -> (i32, i32) {
    %c0_i32 = arith.constant 0 : i32
    %c0_i32_0 = arith.constant 0 : i32
    %c0_i32_1 = arith.constant 0 : i32
    return %c0_i32, %c0_i32_0 : i32, i32
  }
  func.func @transform_6(%arg0: i32) -> (i32, i32) {
    %c0_i32 = arith.constant 0 : i32
    %c0_i32_0 = arith.constant 0 : i32
    %c0_i32_1 = arith.constant 0 : i32
    return %c0_i32, %c0_i32_0 : i32, i32
  }
  func.func @transform_7(%arg0: i32) -> (i32, i32) {
    %c0_i32 = arith.constant 0 : i32
    %c0_i32_0 = arith.constant 0 : i32
    %c0_i32_1 = arith.constant 0 : i32
    return %c0_i32, %c0_i32_0 : i32, i32
  }
  func.func @transform_8(%arg0: i32) -> (i32, i32) {
    %c0_i32 = arith.constant 0 : i32
    %c0_i32_0 = arith.constant 0 : i32
    %c0_i32_1 = arith.constant 0 : i32
    return %c0_i32, %c0_i32_0 : i32, i32
  }
  func.func @transform_9(%arg0: i32) -> (i32, i32) {
    %c0_i32 = arith.constant 0 : i32
    %c0_i32_0 = arith.constant 0 : i32
    return %arg0, %c0_i32 : i32, i32
  }
  func.func @transform_10(%arg0: i32) -> (i32, i32) {
    %c0_i32 = arith.constant 0 : i32
    %c0_i32_0 = arith.constant 0 : i32
    %c0_i32_1 = arith.constant 0 : i32
    return %c0_i32, %c0_i32_0 : i32, i32
  }
}

</mosaic_0001>

<sc_bundles>
// kernel: kernel.12.cloned.1.call-start
scs
__scs_entry_jumppad:
0x0: {  	(pc) =	sbr.rel $0x88, $3  }
0x1: {  	(tag) =	ssettag $0x0;
	lr =	simm.s32 $0x1  }
0x2: {  	[smem:$0x3F93] =	sst lr;
	_ =	strace $0xD0000000  }
0x3: {  	_ = 	snop  }
0x4: {  	_ = 	snop  }
0x5: {  	_ = 	snop  }
0x6: {  	_ = 	snop  }
0x7: {  	_ = 	snop  }
__scs_overlays_trampoline_lowered:
0x8: {  	[smem:$0x3FA2] =	sst s0  }
0x9: {  	[smem:$0x3FA3] =	sst s1  }
0xa: {  	[smem:$0x3FA4] =	sst s2  }
0xb: {  	[smem:$0x3FA5] =	sst s3  }
0xc: {  	[smem:$0x3FA6] =	sst s4  }
0xd: {  	[smem:$0x3FA7] =	sst s5  }
0xe: {  	[smem:$0x3FA8] =	sst s6  }
0xf: {  	[smem:$0x3FA9] =	sst s7  }
0x10: {  	[smem:$0x3FAA] =	sst s8  }
0x11: {  	[smem:$0x3FAB] =	sst s9;
	s0 =	simm.s32 @!p0 $0x0  }
0x12: {  	s1 =	sld [smem:$0x3F91];
	s0 =	simm.s32 @p0 $0x1  }
0x13: {  	[smem:$0x3FAC] =	sst s0;
	s0 =	simm.s32 @!p1 $0x0  }
0x14: {  	s2 =	sld [smem:$0x3F90];
	s0 =	simm.s32 @p1 $0x1  }
0x15: {  	[smem:$0x3FAD] =	sst s0;
	s0 =	simm.s32 @!p2 $0x0  }
0x16: {  	s3 =	sld [smem:$0x3FDB];
	s0 =	simm.s32 @p2 $0x1  }
0x17: {  	s4 =	simm.s32 $0x1BF5;
	[smem:$0x3FAF] =	sst s0  }
0x18: {  	s0 =	sld [smem:$0x3F92];
	_ =	swait.ge [sflag:s4], $0x0  }
0x19: {  	s7 =	sld [smem:$0x3F93]  }
0x1a: {  	s8 =	sadd.s32 $0xFFFFE003, lr  }
0x1b: {  	s9 =	sadd.s32 $0xFFFFFEF7, lr;
	s5 =	simm.s32 $0xFFFFFFFF;
	p2 =	slt.u32 s8, $0xFFFFF086  }
0x1c: {  	p1 =	slt.u32 s9, $0xF7A;
	s5 =	simm.s32 @!p2 $0x0  }
0x1d: {  	s5 =	simm.s32 @p1 $0x1;
	p0 =	seq.s32 s7, s2  }
0x1e: {  	s7 =	smul.u32 @!p0 $0xF7A, s2;
	p2 =	seq.s32 @!p0 s5, $0x0  }
0x1f: {  	s9 =	smul.u32 $0xF7A, s1;
	s8 =	simm.s32 @!p0 $0x1BF5;
	p2 =	por !p2, p0  }
0x20: {  	[sflag:s8] =	ssyncset.s32 @!p0 $0xFFFFF086;
	s6 =	sadd.s32 @!p0 s3, s7;
	s7 =	simm.s32 @!p0 $0x108  }
0x21: {  	s3 =	sadd.s32 s3, s9;
	s6 =	sadd.s32 @!p0 $0x88, s6;
	s7 =	simm.s32 @p2 $0x1082  }
0x22: {  	[simem:s7], [sflag:s8] =	dma.local @!p0 [hbm:s6], $0xF7A  }
0x23: {  	s9 =	sor.u32 $0xD0000000, s2;
	s6 =	simm.s32 $0x108;
	_ =	swait.ge @!p0 [sflag:s8], $0x0  }
0x24: {  	s3 =	sadd.s32 $0x88, s3;
	s6 =	simm.s32 @!p1 $0x1082;
	[sflag:s4] =	ssyncset.s32 $0xFFFFF086  }
0x25: {  	[simem:s6], [sflag:s4] =	dma.local [hbm:s3], $0xF7A  }
0x26: {  	[smem:$0x3F93] =	sst s1;
	(tag) =	ssettag s2;
	_ =	strace s9  }
0x27: {  	s1 =	sld [smem:$0x3FA3]  }
0x28: {  	s2 =	sld [smem:$0x3FA4]  }
0x29: {  	s4 =	sld [smem:$0x3FA6]  }
0x2a: {  	p0 =	seq.s32 s5, $0x0;
	s5 =	sld [smem:$0x3FA7]  }
0x2b: {  	s6 =	sld [smem:$0x3FA8]  }
0x2c: {  	s7 =	sld [smem:$0x3FA9]  }
0x2d: {  	s3 =	simm.s32 $0x108;
	s8 =	sld [smem:$0x3FAA]  }
0x2e: {  	s3 =	simm.s32 @!p0 $0x1082;
	s9 =	sld [smem:$0x3FAB]  }
0x2f: {  	lr =	sadd.s32 s0, s3;
	s0 =	sld [smem:$0x3FA2]  }
0x30: {  	s3 =	sld [smem:$0x3FA5]  }
0x31: {  	[smem:$0x3FAE] =	sst s10  }
0x32: {  	s10 =	sld [smem:$0x3FAC];
	_ =	sdelay $0x3  }
0x33: {  	p0 =	seq.s32 s10, $0x1;
	s10 =	sld [smem:$0x3FAE];
	_ =	sdelay $0x3  }
0x34: {  	[smem:$0x3FAE] =	sst s10  }
0x35: {  	s10 =	sld [smem:$0x3FAD];
	_ =	sdelay $0x3  }
0x36: {  	p1 =	seq.s32 s10, $0x1;
	s10 =	sld [smem:$0x3FAE];
	_ =	sdelay $0x3  }
0x37: {  	[smem:$0x3FAE] =	sst s10  }
0x38: {  	s10 =	sld [smem:$0x3FAF]  }
0x39: {  	_ = 	snop;
	(pc) =	sbr.ind lr, $3  }
0x3a: {  	_ = 	snop  }
0x3b: {  	_ = 	snop  }
0x3c: {  	p2 =	seq.s32 s10, $0x1;
	s10 =	sld [smem:$0x3FAE]  }
0x3d: {  	_ =	shalt  }
0x3e: {  	_ =	shalt  }
0x3f: {  	_ =	shalt  }
0x40: {  	_ =	shalt  }
0x41: {  	_ =	shalt  }
0x42: {  	_ =	shalt  }
0x43: {  	_ =	shalt  }
0x44: {  	_ =	shalt  }
0x45: {  	_ =	shalt  }
0x46: {  	_ =	shalt  }
0x47: {  	_ =	shalt  }
0x48: {  	_ =	shalt  }
0x49: {  	_ =	shalt  }
0x4a: {  	_ =	shalt  }
0x4b: {  	_ =	shalt  }
0x4c: {  	_ =	shalt  }
0x4d: {  	_ =	shalt  }
0x4e: {  	_ =	shalt  }
0x4f: {  	_ =	shalt  }
0x50: {  	_ =	shalt  }
0x51: {  	_ =	shalt  }
0x52: {  	_ =	shalt  }
0x53: {  	_ =	shalt  }
0x54: {  	_ =	shalt  }
0x55: {  	_ =	shalt  }
0x56: {  	_ =	shalt  }
0x57: {  	_ =	shalt  }
0x58: {  	_ =	shalt  }
0x59: {  	_ =	shalt  }
0x5a: {  	_ =	shalt  }
0x5b: {  	_ =	shalt  }
0x5c: {  	_ =	shalt  }
0x5d: {  	_ =	shalt  }
0x5e: {  	_ =	shalt  }
0x5f: {  	_ =	shalt  }
0x60: {  	_ =	shalt  }
0x61: {  	_ =	shalt  }
0x62: {  	_ =	shalt  }
0x63: {  	_ =	shalt  }
0x64: {  	_ =	shalt  }
0x65: {  	_ =	shalt  }
0x66: {  	_ =	shalt  }
0x67: {  	_ =	shalt  }
0x68: {  	_ =	shalt  }
0x69: {  	_ =	shalt  }
0x6a: {  	_ =	shalt  }
0x6b: {  	_ =	shalt  }
0x6c: {  	_ =	shalt  }
0x6d: {  	_ =	shalt  }
0x6e: {  	_ =	shalt  }
0x6f: {  	_ =	shalt  }
0x70: {  	_ =	shalt  }
0x71: {  	_ =	shalt  }
0x72: {  	_ =	shalt  }
0x73: {  	_ =	shalt  }
0x74: {  	_ =	shalt  }
0x75: {  	_ =	shalt  }
0x76: {  	_ =	shalt  }
0x77: {  	_ =	shalt  }
0x78: {  	_ =	shalt  }
0x79: {  	_ =	shalt  }
0x7a: {  	_ =	shalt  }
0x7b: {  	_ =	shalt  }
0x7c: {  	_ =	shalt  }
0x7d: {  	_ =	shalt  }
0x7e: {  	_ =	shalt  }
0x7f: {  	_ =	shalt  }
0x80: {  	_ =	shalt  }
0x81: {  	_ =	shalt  }
0x82: {  	_ =	shalt  }
0x83: {  	_ =	shalt  }
0x84: {  	_ =	shalt  }
0x85: {  	_ =	shalt  }
0x86: {  	_ =	shalt  }
0x87: {  	_ =	shalt  }
.Lfunc_end0:
.L_simem_size_0:
called_computation.1_lowered:
.L_overlay_start_0:
0x88: {  	s2 =	sld [smem:$0x3FD9]  }
0x89: {  	s3 =	sld [smem:$0x3FFE];
	_ =	sdelay $0x1  }
0x8a: {  	s1 =	srdreg.scid  }
0x8b: {  	s0 =	sand.u32 $0x1, s1  }
0x8c: {  	s17 =	sshll.u32 s0, $0xA;
	s2 =	sadd.s32 s3, s2  }
0x8d: {  	s2 =	sadd.s32 s2, s17  }
0x8e: {  	[smem:$0x3FBA] =	sst s2  }
0x8f: {  	_ = 	snop  }
0x90: {  	s2 =	sld [smem:$0x3FD0];
	(tm) =	ssettm $0x1  }
0x91: {  	s18 =	sld [smem:$0x3FFB];
	_ =	sdelay $0x3  }
0x92: {  	_ =	strace s18  }
0x93: {  	s3 =	sld [smem:$0x3FFC];
	_ =	sdelay $0x3  }
0x94: {  	_ =	strace s3  }
0x95: {  	s3 =	sld [smem:$0x3FFD];
	_ =	sdelay $0x3  }
0x96: {  	_ =	strace s3  }
0x97: {  	_ =	strace $0x8FFFFFFF  }
0x98: {  	s19 =	sld [smem:$0x3FDB];
	_ =	sdelay $0x1  }
0x99: {  	s4 =	simm.s32 $_scs_section_size  }
0x9a: {  	s5 =	simm.s32 $_size__tile_overlayer_lowered;
	s6 =	simm.s32 $_tile_overlayer_lowered  }
0x9b: {  	s22 =	simm.s32 $0x1BFF;
	s21 =	sshll.u32 s6, $0x1;
	s3 =	sadd.s32 s4, s19  }
0x9c: {  	s7 =	simm.s32 $0x0;
	s20 =	sshll.u32 s5, $0x1;
	s5 =	sadd.s32 s21, s3  }
0x9d: {  	[timem:s7], [sflag:s22] =	dma.local [hbm:s5], s20  }
0x9e: {  	_ =	swait.ge [sflag:s22], s20  }
0x9f: {  	s4 =	ssub.s32 $0x0, s20;
	[sflag:s22] =	ssyncset.done $0x0  }
0xa0: {  	[sflag:s22] =	ssyncadd.s32 s4;
	_ =	sdelay $0x1  }
0xa1: {  	s23 =	simm.s32 $0x1B8B  }
0xa2: {  	_ =	swait.ge [sflag:s23], $0x1  }
0xa3: {  	[sflag:s23] =	ssyncset.done $0x0  }
0xa4: {  	s25 =	simm.s32 $0x1B8E;
	s24 =	sld [smem:$0x3FFE];
	[sflag:s23] =	ssyncadd.s32 $0xFFFFFFFF  }
0xa5: {  	s26 =	simm.s32 $execute0_lowered;
	[smem:$0x3FD2] =	sst s25  }
0xa6: {  	s5 =	sshll.u32 s26, $0x1;
	_ =	strace $0x80000049;
	[dreg:$0x1] =	wrdreg $0xFFFFFFFF  }
0xa7: {  	s28 =	simm.s32 $_size_execute0_lowered;
	s3 =	sadd.s32 s3, s5;
	[dreg:$0x0] =	wrdreg $0x0  }
0xa8: {  	s5 =	sshll.u32 s28, $0x1;
	[dreg:$0x2] =	wrdreg s3  }
0xa9: {  	[dreg:$0x3] =	wrdreg s5  }
0xaa: {  	[dreg:$0x4] =	wrdreg $0xC0  }
0xab: {  	_ =	task [dreg:s7], $0x5FFFF  }
0xac: {  	[dreg:$0x1] =	wrdreg $0xFFFFFFFF  }
0xad: {  	[dreg:$0x0] =	wrdreg $0x60  }
0xae: {  	[dreg:$0x2] =	wrdreg s2  }
0xaf: {  	[dreg:$0x3] =	wrdreg s24  }
0xb0: {  	[dreg:$0x4] =	wrdreg $0xA8000  }
0xb1: {  	[dreg:$0x5] =	wrdreg $0x9  }
0xb2: {  	_ =	task.clear_ibuf [dreg:s7], $0x6FFFF;
	_ =	strace $0x90000049  }
0xb3: {  	s29 =	simm.s32 $0x9;
	_ =	strace $0x8000004B  }
0xb4: {  	_ =	swait.ge [sflag:s29], $0x1  }
0xb5: {  	[sflag:s29] =	ssyncadd.s32 $0xFFFFFFFF  }
0xb6: {  	_ =	strace $0x9000004B  }
0xb7: {  	_ =	sfence  }
0xb8: {  	s30 =	sld [smem:$0x0];
	_ =	sdelay $0x2  }
0xb9: {  	s31 =	sshll.u32 s1, $0xD;
	s1 =	sshrl.u32 s1, $0x2  }
0xba: {  	s3 =	sand.u32 $0x4000, s31;
	s1 =	sadd.s32 s1, s30  }
0xbb: {  	s0 =	sor.u32 s3, s0;
	s1 =	sshll.u32 s1, $0x11  }
0xbc: {  	s0 =	sor.u32 s1, s0  }
0xbd: {  	s0 =	sadd.s32 $0x8F2B, s0  }
0xbe: {  	[sflag:s0] =	ssyncadd.remote.s32 $0x1  }
0xbf: {  	_ =	sfence.sel $0xFFFF  }
0xc0: {  	[dreg:$0x0] =	wrdreg $0xFFFFFFFF;
	(pc) =	sbr.abs _section_cstart, $3  }
0xc1: {  	[dreg:$0x1] =	wrdreg $0xFFFFFFFF  }
0xc2: {  	_ =	task.clear_ibuf [dreg:s7], $0x2FFFF;
	_ =	strace $0x9FFFFFFF  }
0xc3: {  	(tm) =	ssettm $0x7FFFFFFF  }
tec
execute0_lowered:
.L_overlay_start_1:
0x0: {  	(tag) =	ssettag $0x1  }
0x1: {  	s1 =	rddreg [dreg:$0x0]  }
0x2: {  	s5 =	rddreg [dreg:$0x1]  }
0x3: {  	s2 =	rddreg [dreg:$0x2];
	s3 =	srdreg.scid  }
0x4: {  	s4 =	simm.s32 $0x0;
	s0 =	stileid.u32;
	s17 =	simm.s32 $0x5  }
0x5: {  	s18 =	simm.s32 $0x1400;
	s19 =	simm.s32 $0x80;
	s20 =	simm.s32 $0x6800  }
0x6: {  	s21 =	simm.s32 $0x1;
	s22 =	simm.s32 $0x2;
	s23 =	simm.s32 $0x3  }
0x7: {  	s24 =	simm.s32 $0x4;
	s25 =	simm.s32 $0x1380;
	s26 =	simm.s32 $0x2700  }
0x8: {  	s28 =	simm.s32 $0x2780;
	s6 =	sand.u32 $0x1, s3;
	s8 =	smul.u32 $0x13C00, s0  }
0x9: {  	[smem:$0x7FF] =	sst s4;
	s12 =	sadd.s32 $0x5400, s5;
	s9 =	smul.u32 $0x4F000, s0  }
0xa: {  	s7 =	smul.u32 $0x13C000, s6;
	s31 =	sshll.u32 s6, $0x4;
	s6 =	ssub.s32 $0x2, s6  }
0xb: {  	s13 =	sadd.s32 $0xF400, s5;
	_ =	strace $0x8000004A;
	s10 =	sshrl.u32 s6, $0x1  }
0xc: {  	s9 =	sshrl.u32 s9, $0x2;
	s7 =	sadd.s32 s8, s7;
	s8 =	sor.u32 s0, s31  }
0xd: {  	s15 =	ssub.s32 s6, s10;
	s7 =	sshrl.u32 s7, $0x3;
	s8 =	smul.u32 $0x2800, s8  }
0xe: {  	s15 =	smax.u32 s15, $0x1;
	s14 =	sadd.s32 s7, s5;
	s5 =	sadd.s32 s9, s2  }
0xf: {  	s6 =	sadd.s32 $0x4000, s5;
	s7 =	sadd.s32 $0x8000, s5;
	s11 =	sshrl.u32 s8, $0x3  }
0x10: {  	s8 =	sadd.s32 $0xC000, s5;
	s9 =	sadd.s32 $0x10000, s5;
	s14 =	sadd.s32 $0x19400, s14  }
0x11: {  	s16 =	sadd.s32 $0x280, s11;
	s10 =	sadd.s32 s12, s11;
	s11 =	sadd.s32 s13, s11  }
0x12: {  	v0 =	vimm.f32 $0.0e+00;
	s12 =	sadd.s32 s12, s16;
	s13 =	sadd.s32 s13, s16;
	s16 =	simm.s32 $0x2800  }
.LBB2_1:
0x13: {  	s29 =	simm.s32 $0x0;
	s30 =	simm.s32 $0x200  }
.LBB2_2:
0x14: {  	p0 =	sne.s32 s30, $0xFE00;
	[tilespmem:s29+$0x2870] =	vst v0  }
0x15: {  	[tilespmem:s29+$0x2800] =	vst v0  }
0x16: {  	[tilespmem:s29+$0x2810] =	vst v0  }
.Ltmp0:
0x17: {  	[tilespmem:s29+$0x2820] =	vst v0;
	(pc) =	sbr.rel @p0 .LBB2_2-.Ltmp0, $4  }
0x18: {  	[tilespmem:s29+$0x2830] =	vst v0  }
0x19: {  	[tilespmem:s29+$0x2840] =	vst v0  }
0x1a: {  	[tilespmem:s29+$0x2850] =	vst v0  }
0x1b: {  	[tilespmem:s29+$0x2860] =	vst v0;
	s29 =	sshra.s32 s30, $0x2;
	s30 =	sadd.s32 $0x200, s30  }
0x1c: {  	[tilespmem:s29+$0x2870] =	vst v0  }
0x1d: {  	[tilespmem:s29+$0x2800] =	vst v0  }
0x1e: {  	[tilespmem:s29+$0x2810] =	vst v0  }
0x1f: {  	[tilespmem:s29+$0x2820] =	vst v0  }
0x20: {  	[tilespmem:s29+$0x2830] =	vst v0  }
0x21: {  	[tilespmem:s29+$0x2840] =	vst v0  }
0x22: {  	[tilespmem:s29+$0x2850] =	vst v0  }
0x23: {  	[tilespmem:s29+$0x2860] =	vst v0  }
0x24: {  	[spmem:s5] =	stream.linear.scatter [tilespmem:s16], [sflag:$0x5], $0x4000, $0x38;
	[tilespmem:$0x1E400] =	vst v63  }
0x25: {  	_ =	swait.ge [sflag:s17], $0x4000  }
0x26: {  	[sflag:s17] =	ssyncset.done $0x0  }
0x27: {  	[sflag:s17] =	ssyncadd.s32 $0xFFFFC000  }
0x28: {  	[spmem:s6] =	stream.linear.scatter [tilespmem:s16], [sflag:$0x5], $0x4000, $0x38;
	[tilespmem:$0x1E400] =	vst v63  }
0x29: {  	_ =	swait.ge [sflag:s17], $0x4000  }
0x2a: {  	[sflag:s17] =	ssyncset.done $0x0  }
0x2b: {  	[sflag:s17] =	ssyncadd.s32 $0xFFFFC000  }
0x2c: {  	[spmem:s7] =	stream.linear.scatter [tilespmem:s16], [sflag:$0x5], $0x4000, $0x38;
	[tilespmem:$0x1E400] =	vst v63  }
0x2d: {  	_ =	swait.ge [sflag:s17], $0x4000  }
0x2e: {  	[sflag:s17] =	ssyncset.done $0x0  }
0x2f: {  	[sflag:s17] =	ssyncadd.s32 $0xFFFFC000  }
0x30: {  	[spmem:s8] =	stream.linear.scatter [tilespmem:s16], [sflag:$0x5], $0x4000, $0x38;
	[tilespmem:$0x1E400] =	vst v63  }
0x31: {  	_ =	swait.ge [sflag:s17], $0x4000  }
0x32: {  	[sflag:s17] =	ssyncset.done $0x0  }
0x33: {  	[sflag:s17] =	ssyncadd.s32 $0xFFFFC000  }
0x34: {  	[spmem:s9] =	stream.linear.scatter [tilespmem:s16], [sflag:$0x5], $0x3C00, $0x38;
	[tilespmem:$0x1E400] =	vst v63  }
0x35: {  	_ =	swait.ge [sflag:s17], $0x3C00  }
0x36: {  	[sflag:s17] =	ssyncset.done $0x0  }
0x37: {  	[sflag:s17] =	ssyncadd.s32 $0xFFFFC400  }
0x38: {  	s29 =	simm.s32 $0x0;
	[bflag:$0x0] =	sbarrier.arrive $0xFFFF  }
0x39: {  	[tilespmem:s29], [sflag:$0x5] =	stream.linear.gather [hbm4b:s10+s29], $0x1400, $0x38;
	[tilespmem:$0x1E400] =	vst v63  }
0x3a: {  	_ =	swait.ge [sflag:s17], $0x1400  }
0x3b: {  	[sflag:s17] =	ssyncset.done $0x0  }
0x3c: {  	[sflag:s17] =	ssyncadd.s32 $0xFFFFEC00  }
0x3d: {  	[tilespmem:s18], [sflag:$0x5] =	stream.linear.gather [hbm4b:s11+s29], $0x1400, $0x38;
	[tilespmem:$0x1E400] =	vst v63  }
0x3e: {  	_ =	swait.ge [sflag:s17], $0x1400  }
0x3f: {  	[sflag:s17] =	ssyncset.done $0x0  }
0x40: {  	[sflag:s17] =	ssyncadd.s32 $0xFFFFEC00  }
0x41: {  	[tilespmem:s16], [sflag:$0x1] =	stream.indirect.gather [hbm4b:s1+s19], $0x80, s29, s19, $0xb8;
	[tilespmem:$0x1E400] =	vst v63  }
0x42: {  	s29 =	simm.s32 $0x80  }
0x43: {  	[tilespmem:s20], [sflag:$0x2] =	stream.indirect.gather [hbm4b:s1+s19], $0x80, s29, s19, $0xb8;
	[tilespmem:$0x1E400] =	vst v63  }
0x44: {  	_ =	swait.ge [sflag:s21], $0x4000  }
0x45: {  	[sflag:s21] =	ssyncset.done $0x0  }
0x46: {  	s29 =	simm.s32 $0x1400;
	[sflag:s21] =	ssyncadd.s32 $0xFFFFC000  }
0x47: {  	[spmem:s2] =	stream.indirect.scatter.add.f32 [tilespmem:s16], [sflag:$0x3], $0x80, s29, s19, $0xb8;
	[tilespmem:$0x1E400] =	vst v63  }
0x48: {  	_ =	swait.ge [sflag:s22], $0x4000  }
0x49: {  	[sflag:s22] =	ssyncset.done $0x0  }
0x4a: {  	s29 =	simm.s32 $0x1480;
	[sflag:s22] =	ssyncadd.s32 $0xFFFFC000  }
0x4b: {  	[spmem:s2] =	stream.indirect.scatter.add.f32 [tilespmem:s20], [sflag:$0x4], $0x80, s29, s19, $0xb8;
	[tilespmem:$0x1E400] =	vst v63  }
0x4c: {  	_ =	swait.ge [sflag:s23], $0x4000  }
0x4d: {  	[sflag:s23] =	ssyncset.done $0x0  }
0x4e: {  	s29 =	simm.s32 $0x100;
	[sflag:s23] =	ssyncadd.s32 $0xFFFFC000  }
0x4f: {  	[tilespmem:s16], [sflag:$0x1] =	stream.indirect.gather [hbm4b:s1+s19], $0x80, s29, s19, $0xb8;
	[tilespmem:$0x1E400] =	vst v63  }
0x50: {  	_ =	swait.ge [sflag:s24], $0x4000  }
0x51: {  	s30 =	simm.s32 $0x800;
	s29 =	simm.s32 $0x100;
	[sflag:s24] =	ssyncset.done $0x0  }
.LBB2_4:
0x52: {  	s31 =	sadd.s32 $0x80, s29  }
0x53: {  	[sflag:s24] =	ssyncadd.s32 $0xFFFFC000;
	s0 =	smov.u32 s30;
	s3 =	sadd.s32 $0x400, s30  }
0x54: {  	[tilespmem:s20], [sflag:$0x2] =	stream.indirect.gather [hbm4b:s1+s19], $0x80, s31, s19, $0xb8;
	[tilespmem:$0x1E400] =	vst v63  }
0x55: {  	p0 =	sne.s32 s30, $0x4800;
	_ =	swait.ge [sflag:s21], $0x4000  }
0x56: {  	[sflag:s21] =	ssyncset.done $0x0  }
0x57: {  	s30 =	sadd.s32 $0x1400, s29;
	[sflag:s21] =	ssyncadd.s32 $0xFFFFC000  }
0x58: {  	[spmem:s2] =	stream.indirect.scatter.add.f32 [tilespmem:s16], [sflag:$0x3], $0x80, s30, s19, $0xb8;
	[tilespmem:$0x1E400] =	vst v63  }
0x59: {  	_ =	swait.ge [sflag:s22], $0x4000  }
0x5a: {  	[sflag:s22] =	ssyncset.done $0x0  }
0x5b: {  	s30 =	sadd.s32 $0x1480, s29;
	[sflag:s22] =	ssyncadd.s32 $0xFFFFC000  }
0x5c: {  	[spmem:s2] =	stream.indirect.scatter.add.f32 [tilespmem:s20], [sflag:$0x4], $0x80, s30, s19, $0xb8;
	[tilespmem:$0x1E400] =	vst v63  }
0x5d: {  	_ =	swait.ge [sflag:s23], $0x4000  }
.Ltmp1:
0x5e: {  	[sflag:s23] =	ssyncset.done $0x0;
	(pc) =	sbr.rel @p0 .LBB2_4-.Ltmp1, $4  }
0x5f: {  	s29 =	sadd.s32 $0x100, s29;
	[sflag:s23] =	ssyncadd.s32 $0xFFFFC000  }
0x60: {  	[tilespmem:s16], [sflag:$0x1] =	stream.indirect.gather [hbm4b:s1+s19], $0x80, s29, s19, $0xb8;
	[tilespmem:$0x1E400] =	vst v63  }
0x61: {  	_ =	swait.ge [sflag:s24], $0x4000  }
0x62: {  	s30 =	smov.u32 s3;
	s29 =	sshra.s32 s0, $0x2;
	[sflag:s24] =	ssyncset.done $0x0  }
0x63: {  	s0 =	sadd.s32 $0x80, s29;
	[sflag:s24] =	ssyncadd.s32 $0xFFFFC000  }
0x64: {  	[tilespmem:s20], [sflag:$0x2] =	stream.indirect.gather [hbm4b:s1+s19], $0x80, s0, s19, $0xb8;
	[tilespmem:$0x1E400] =	vst v63  }
0x65: {  	_ =	swait.ge [sflag:s21], $0x4000  }
0x66: {  	[sflag:s21] =	ssyncset.done $0x0  }
0x67: {  	s3 =	sadd.s32 $0x1400, s29;
	[sflag:s21] =	ssyncadd.s32 $0xFFFFC000  }
0x68: {  	[spmem:s2] =	stream.indirect.scatter.add.f32 [tilespmem:s16], [sflag:$0x3], $0x80, s3, s19, $0xb8;
	[tilespmem:$0x1E400] =	vst v63  }
0x69: {  	_ =	swait.ge [sflag:s22], $0x4000  }
0x6a: {  	[sflag:s22] =	ssyncset.done $0x0  }
0x6b: {  	s31 =	sadd.s32 $0x1480, s29;
	[sflag:s22] =	ssyncadd.s32 $0xFFFFC000  }
0x6c: {  	[spmem:s2] =	stream.indirect.scatter.add.f32 [tilespmem:s20], [sflag:$0x4], $0x80, s31, s19, $0xb8;
	[tilespmem:$0x1E400] =	vst v63  }
0x6d: {  	_ =	swait.ge [sflag:s23], $0x4000  }
0x6e: {  	[sflag:s23] =	ssyncset.done $0x0  }
0x6f: {  	s3 =	sadd.s32 $0x100, s29;
	[sflag:s23] =	ssyncadd.s32 $0xFFFFC000  }
0x70: {  	[tilespmem:s16], [sflag:$0x1] =	stream.indirect.gather [hbm4b:s1+s19], $0x80, s3, s19, $0xb8;
	[tilespmem:$0x1E400] =	vst v63  }
0x71: {  	_ =	swait.ge [sflag:s24], $0x4000  }
0x72: {  	[sflag:s24] =	ssyncset.done $0x0  }
0x73: {  	[sflag:s24] =	ssyncadd.s32 $0xFFFFC000  }
0x74: {  	[tilespmem:s20], [sflag:$0x2] =	stream.indirect.gather [hbm4b:s1+s19], $0x80, s25, s19, $0xb8;
	[tilespmem:$0x1E400] =	vst v63  }
0x75: {  	_ =	swait.ge [sflag:s21], $0x4000  }
0x76: {  	[sflag:s21] =	ssyncset.done $0x0  }
0x77: {  	[sflag:s21] =	ssyncadd.s32 $0xFFFFC000  }
0x78: {  	[spmem:s2] =	stream.indirect.scatter.add.f32 [tilespmem:s16], [sflag:$0x3], $0x80, s26, s19, $0xb8;
	[tilespmem:$0x1E400] =	vst v63  }
0x79: {  	_ =	swait.ge [sflag:s22], $0x4000  }
0x7a: {  	[sflag:s22] =	ssyncset.done $0x0  }
0x7b: {  	[sflag:s22] =	ssyncadd.s32 $0xFFFFC000  }
0x7c: {  	[spmem:s2] =	stream.indirect.scatter.add.f32 [tilespmem:s20], [sflag:$0x4], $0x80, s28, s19, $0xb8;
	[tilespmem:$0x1E400] =	vst v63  }
0x7d: {  	_ =	swait.ge [sflag:s23], $0x4000  }
0x7e: {  	[sflag:s23] =	ssyncset.done $0x0  }
0x7f: {  	[sflag:s23] =	ssyncadd.s32 $0xFFFFC000  }
0x80: {  	_ =	swait.ge [sflag:s24], $0x4000  }
0x81: {  	[sflag:s24] =	ssyncset.done $0x0  }
0x82: {  	s31 =	simm.s32 $0x0;
	[sflag:s24] =	ssyncadd.s32 $0xFFFFC000  }
0x83: {  	[tilespmem:s31], [sflag:$0x5] =	stream.linear.gather [hbm4b:s12+s31], $0x1400, $0x38;
	[tilespmem:$0x1E400] =	vst v63  }
0x84: {  	_ =	swait.ge [sflag:s17], $0x1400  }
0x85: {  	[sflag:s17] =	ssyncset.done $0x0  }
0x86: {  	[sflag:s17] =	ssyncadd.s32 $0xFFFFEC00  }
0x87: {  	[tilespmem:s18], [sflag:$0x5] =	stream.linear.gather [hbm4b:s13+s31], $0x1400, $0x38;
	[tilespmem:$0x1E400] =	vst v63  }
0x88: {  	_ =	swait.ge [sflag:s17], $0x1400  }
0x89: {  	[sflag:s17] =	ssyncset.done $0x0  }
0x8a: {  	[sflag:s17] =	ssyncadd.s32 $0xFFFFEC00  }
0x8b: {  	[tilespmem:s16], [sflag:$0x1] =	stream.indirect.gather [hbm4b:s1+s19], $0x80, s31, s19, $0xb8;
	[tilespmem:$0x1E400] =	vst v63  }
0x8c: {  	s3 =	simm.s32 $0x80  }
0x8d: {  	[tilespmem:s20], [sflag:$0x2] =	stream.indirect.gather [hbm4b:s1+s19], $0x80, s3, s19, $0xb8;
	[tilespmem:$0x1E400] =	vst v63  }
0x8e: {  	_ =	swait.ge [sflag:s21], $0x4000  }
0x8f: {  	[sflag:s21] =	ssyncset.done $0x0  }
0x90: {  	s31 =	simm.s32 $0x1400;
	[sflag:s21] =	ssyncadd.s32 $0xFFFFC000  }
0x91: {  	[spmem:s2] =	stream.indirect.scatter.add.f32 [tilespmem:s16], [sflag:$0x3], $0x80, s31, s19, $0xb8;
	[tilespmem:$0x1E400] =	vst v63  }
0x92: {  	_ =	swait.ge [sflag:s22], $0x4000  }
0x93: {  	[sflag:s22] =	ssyncset.done $0x0  }
0x94: {  	s3 =	simm.s32 $0x1480;
	[sflag:s22] =	ssyncadd.s32 $0xFFFFC000  }
0x95: {  	[spmem:s2] =	stream.indirect.scatter.add.f32 [tilespmem:s20], [sflag:$0x4], $0x80, s3, s19, $0xb8;
	[tilespmem:$0x1E400] =	vst v63  }
0x96: {  	_ =	swait.ge [sflag:s23], $0x4000  }
0x97: {  	[sflag:s23] =	ssyncset.done $0x0  }
0x98: {  	s31 =	simm.s32 $0x100;
	[sflag:s23] =	ssyncadd.s32 $0xFFFFC000  }
0x99: {  	[tilespmem:s16], [sflag:$0x1] =	stream.indirect.gather [hbm4b:s1+s19], $0x80, s31, s19, $0xb8;
	[tilespmem:$0x1E400] =	vst v63  }
0x9a: {  	_ =	swait.ge [sflag:s24], $0x4000  }
0x9b: {  	s30 =	simm.s32 $0x800;
	s29 =	simm.s32 $0x100;
	[sflag:s24] =	ssyncset.done $0x0  }
.LBB2_6:
0x9c: {  	s0 =	sadd.s32 $0x80, s29  }
0x9d: {  	[sflag:s24] =	ssyncadd.s32 $0xFFFFC000;
	s3 =	smov.u32 s30;
	s31 =	sadd.s32 $0x400, s30  }
0x9e: {  	[tilespmem:s20], [sflag:$0x2] =	stream.indirect.gather [hbm4b:s1+s19], $0x80, s0, s19, $0xb8;
	[tilespmem:$0x1E400] =	vst v63  }
0x9f: {  	p0 =	sne.s32 s30, $0x4800;
	_ =	swait.ge [sflag:s21], $0x4000  }
0xa0: {  	[sflag:s21] =	ssyncset.done $0x0  }
0xa1: {  	s0 =	sadd.s32 $0x1400, s29;
	[sflag:s21] =	ssyncadd.s32 $0xFFFFC000  }
0xa2: {  	[spmem:s2] =	stream.indirect.scatter.add.f32 [tilespmem:s16], [sflag:$0x3], $0x80, s0, s19, $0xb8;
	[tilespmem:$0x1E400] =	vst v63  }
0xa3: {  	_ =	swait.ge [sflag:s22], $0x4000  }
0xa4: {  	[sflag:s22] =	ssyncset.done $0x0  }
0xa5: {  	s0 =	sadd.s32 $0x1480, s29;
	[sflag:s22] =	ssyncadd.s32 $0xFFFFC000  }
0xa6: {  	[spmem:s2] =	stream.indirect.scatter.add.f32 [tilespmem:s20], [sflag:$0x4], $0x80, s0, s19, $0xb8;
	[tilespmem:$0x1E400] =	vst v63  }
0xa7: {  	_ =	swait.ge [sflag:s23], $0x4000  }
.Ltmp2:
0xa8: {  	[sflag:s23] =	ssyncset.done $0x0;
	(pc) =	sbr.rel @p0 .LBB2_6-.Ltmp2, $4  }
0xa9: {  	s0 =	sadd.s32 $0x100, s29;
	[sflag:s23] =	ssyncadd.s32 $0xFFFFC000  }
0xaa: {  	[tilespmem:s16], [sflag:$0x1] =	stream.indirect.gather [hbm4b:s1+s19], $0x80, s0, s19, $0xb8;
	[tilespmem:$0x1E400] =	vst v63  }
0xab: {  	_ =	swait.ge [sflag:s24], $0x4000  }
0xac: {  	s30 =	smov.u32 s31;
	s29 =	sshra.s32 s3, $0x2;
	[sflag:s24] =	ssyncset.done $0x0  }
0xad: {  	s0 =	sadd.s32 $0x80, s29;
	[sflag:s24] =	ssyncadd.s32 $0xFFFFC000  }
0xae: {  	[tilespmem:s20], [sflag:$0x2] =	stream.indirect.gather [hbm4b:s1+s19], $0x80, s0, s19, $0xb8;
	[tilespmem:$0x1E400] =	vst v63  }
0xaf: {  	_ =	swait.ge [sflag:s21], $0x4000  }
0xb0: {  	[sflag:s21] =	ssyncset.done $0x0  }
0xb1: {  	s31 =	sadd.s32 $0x1400, s29;
	[sflag:s21] =	ssyncadd.s32 $0xFFFFC000  }
0xb2: {  	[spmem:s2] =	stream.indirect.scatter.add.f32 [tilespmem:s16], [sflag:$0x3], $0x80, s31, s19, $0xb8;
	[tilespmem:$0x1E400] =	vst v63  }
0xb3: {  	_ =	swait.ge [sflag:s22], $0x4000  }
0xb4: {  	[sflag:s22] =	ssyncset.done $0x0  }
0xb5: {  	s3 =	sadd.s32 $0x1480, s29;
	[sflag:s22] =	ssyncadd.s32 $0xFFFFC000  }
0xb6: {  	[spmem:s2] =	stream.indirect.scatter.add.f32 [tilespmem:s20], [sflag:$0x4], $0x80, s3, s19, $0xb8;
	[tilespmem:$0x1E400] =	vst v63  }
0xb7: {  	_ =	swait.ge [sflag:s23], $0x4000  }
0xb8: {  	[sflag:s23] =	ssyncset.done $0x0  }
0xb9: {  	s30 =	sadd.s32 $0x100, s29;
	[sflag:s23] =	ssyncadd.s32 $0xFFFFC000  }
0xba: {  	[tilespmem:s16], [sflag:$0x1] =	stream.indirect.gather [hbm4b:s1+s19], $0x80, s30, s19, $0xb8;
	[tilespmem:$0x1E400] =	vst v63  }
0xbb: {  	_ =	swait.ge [sflag:s24], $0x4000  }
0xbc: {  	[sflag:s24] =	ssyncset.done $0x0  }
0xbd: {  	[sflag:s24] =	ssyncadd.s32 $0xFFFFC000  }
0xbe: {  	[tilespmem:s20], [sflag:$0x2] =	stream.indirect.gather [hbm4b:s1+s19], $0x80, s25, s19, $0xb8;
	[tilespmem:$0x1E400] =	vst v63  }
0xbf: {  	_ =	swait.ge [sflag:s21], $0x4000  }
0xc0: {  	[sflag:s21] =	ssyncset.done $0x0  }
0xc1: {  	[sflag:s21] =	ssyncadd.s32 $0xFFFFC000  }
0xc2: {  	[spmem:s2] =	stream.indirect.scatter.add.f32 [tilespmem:s16], [sflag:$0x3], $0x80, s26, s19, $0xb8;
	[tilespmem:$0x1E400] =	vst v63  }
0xc3: {  	_ =	swait.ge [sflag:s22], $0x4000  }
0xc4: {  	[sflag:s22] =	ssyncset.done $0x0  }
0xc5: {  	[sflag:s22] =	ssyncadd.s32 $0xFFFFC000  }
0xc6: {  	[spmem:s2] =	stream.indirect.scatter.add.f32 [tilespmem:s20], [sflag:$0x4], $0x80, s28, s19, $0xb8;
	[tilespmem:$0x1E400] =	vst v63  }
0xc7: {  	_ =	swait.ge [sflag:s23], $0x4000  }
0xc8: {  	[sflag:s23] =	ssyncset.done $0x0  }
0xc9: {  	[sflag:s23] =	ssyncadd.s32 $0xFFFFC000  }
0xca: {  	s31 =	stileid.u32;
	_ =	swait.ge [sflag:s24], $0x4000  }
0xcb: {  	s4 =	sadd.s32 $0x1, s4;
	s0 =	sshll.u32 s31, $0x6;
	[sflag:s24] =	ssyncset.done $0x0  }
0xcc: {  	p0 =	sne.s32 s4, s15;
	s0 =	sor.u32 $0x1C05, s0;
	[sflag:s24] =	ssyncadd.s32 $0xFFFFC000  }
.Ltmp3:
0xcd: {  	s3 =	sshrl.u32 s5, $0x3;
	[bflag:$0x0] =	sbarrier.arrive $0xFFFF;
	(pc) =	sbr.rel @p0 .LBB2_1-.Ltmp3, $4  }
0xce: {  	[hbm:s14], [sflag:s0] =	dma.local [spmem:s3], $0x2780  }
0xcf: {  	_ =	swait.ge [sflag:s17], $0x2780  }
0xd0: {  	[sflag:s17] =	ssyncset.done $0x0  }
0xd1: {  	[sflag:s17] =	ssyncadd.s32 $0xFFFFD880  }
0xd2: {  	_ =	sfence.sel $0x180000  }
0xd3: {  	[bflag:$0x0] =	sbarrier.arrive $0xFFFF  }
0xd4: {  	_ =	strace $0x9000004A  }
0xd5: {  	s0 =	stileid.u32;
	[bflag:$0x2] =	sbarrier.arrive $0xFFFF  }
0xd6: {  	p0 =	sne.s32 s0, $0x0;
	s0 =	rddreg [dreg:$0x3]  }
0xd7: {  	s0 =	sadd.s32 @!p0 $0x100000, s0  }
0xd8: {  	[sflag:s0] =	ssyncadd.tile.s32 @!p0 $0x1;
	_ =	shalt  }
.Lfunc_end2:
_tile_overlayer_lowered:
.L_overlay_start_2:
0xd9: {  	(tag) =	ssettag $0x2  }
0xda: {  	s0 =	rddreg [dreg:$0x0];
	s2 =	stileid.u32  }
0xdb: {  	s1 =	rddreg [dreg:$0x1];
	p0 =	sne.s32 s2, $0x0  }
0xdc: {  	s3 =	rddreg [dreg:$0x2];
	[bflag:$0x3] =	sbarrier.arrive $0xFFFF;
	s2 =	simm.s32 @!p0 $0x1C05  }
0xdd: {  	[timem:s3], [sflag:s2] =	dma.local @!p0 [hbm:s0], s1  }
0xde: {  	s0 =	simm.s32 @!p0 $0x5  }
0xdf: {  	_ =	swait.ge @!p0 [sflag:s0], s1  }
0xe0: {  	s1 =	ssub.s32 @!p0 $0x0, s1;
	[sflag:s0] =	ssyncset.done @!p0 $0x0  }
0xe1: {  	[sflag:s0] =	ssyncadd.s32 @!p0 s1  }
0xe2: {  	[bflag:$0x3] =	sbarrier.arrive $0xFFFF  }
0xe3: {  	_ =	shalt  }

// kernel: kernel.15.cloned.1.call-start
scs
__scs_entry_jumppad:
0x0: {  	(pc) =	sbr.rel $0x88, $3  }
0x1: {  	(tag) =	ssettag $0x0;
	lr =	simm.s32 $0x1  }
0x2: {  	[smem:$0x3F93] =	sst lr;
	_ =	strace $0xD0000000  }
0x3: {  	_ = 	snop  }
0x4: {  	_ = 	snop  }
0x5: {  	_ = 	snop  }
0x6: {  	_ = 	snop  }
0x7: {  	_ = 	snop  }
__scs_overlays_trampoline_lowered:
0x8: {  	[smem:$0x3FA2] =	sst s0  }
0x9: {  	[smem:$0x3FA3] =	sst s1  }
0xa: {  	[smem:$0x3FA4] =	sst s2  }
0xb: {  	[smem:$0x3FA5] =	sst s3  }
0xc: {  	[smem:$0x3FA6] =	sst s4  }
0xd: {  	[smem:$0x3FA7] =	sst s5  }
0xe: {  	[smem:$0x3FA8] =	sst s6  }
0xf: {  	[smem:$0x3FA9] =	sst s7  }
0x10: {  	[smem:$0x3FAA] =	sst s8  }
0x11: {  	[smem:$0x3FAB] =	sst s9;
	s0 =	simm.s32 @!p0 $0x0  }
0x12: {  	s1 =	sld [smem:$0x3F91];
	s0 =	simm.s32 @p0 $0x1  }
0x13: {  	[smem:$0x3FAC] =	sst s0;
	s0 =	simm.s32 @!p1 $0x0  }
0x14: {  	s2 =	sld [smem:$0x3F90];
	s0 =	simm.s32 @p1 $0x1  }
0x15: {  	[smem:$0x3FAD] =	sst s0;
	s0 =	simm.s32 @!p2 $0x0  }
0x16: {  	s3 =	sld [smem:$0x3FDB];
	s0 =	simm.s32 @p2 $0x1  }
0x17: {  	s4 =	simm.s32 $0x1BF5;
	[smem:$0x3FAF] =	sst s0  }
0x18: {  	s0 =	sld [smem:$0x3F92];
	_ =	swait.ge [sflag:s4], $0x0  }
0x19: {  	s7 =	sld [smem:$0x3F93]  }
0x1a: {  	s8 =	sadd.s32 $0xFFFFE003, lr  }
0x1b: {  	s9 =	sadd.s32 $0xFFFFFEF7, lr;
	s5 =	simm.s32 $0xFFFFFFFF;
	p2 =	slt.u32 s8, $0xFFFFF086  }
0x1c: {  	p1 =	slt.u32 s9, $0xF7A;
	s5 =	simm.s32 @!p2 $0x0  }
0x1d: {  	s5 =	simm.s32 @p1 $0x1;
	p0 =	seq.s32 s7, s2  }
0x1e: {  	s7 =	smul.u32 @!p0 $0xF7A, s2;
	p2 =	seq.s32 @!p0 s5, $0x0  }
0x1f: {  	s9 =	smul.u32 $0xF7A, s1;
	s8 =	simm.s32 @!p0 $0x1BF5;
	p2 =	por !p2, p0  }
0x20: {  	[sflag:s8] =	ssyncset.s32 @!p0 $0xFFFFF086;
	s6 =	sadd.s32 @!p0 s3, s7;
	s7 =	simm.s32 @!p0 $0x108  }
0x21: {  	s3 =	sadd.s32 s3, s9;
	s6 =	sadd.s32 @!p0 $0x88, s6;
	s7 =	simm.s32 @p2 $0x1082  }
0x22: {  	[simem:s7], [sflag:s8] =	dma.local @!p0 [hbm:s6], $0xF7A  }
0x23: {  	s9 =	sor.u32 $0xD0000000, s2;
	s6 =	simm.s32 $0x108;
	_ =	swait.ge @!p0 [sflag:s8], $0x0  }
0x24: {  	s3 =	sadd.s32 $0x88, s3;
	s6 =	simm.s32 @!p1 $0x1082;
	[sflag:s4] =	ssyncset.s32 $0xFFFFF086  }
0x25: {  	[simem:s6], [sflag:s4] =	dma.local [hbm:s3], $0xF7A  }
0x26: {  	[smem:$0x3F93] =	sst s1;
	(tag) =	ssettag s2;
	_ =	strace s9  }
0x27: {  	s1 =	sld [smem:$0x3FA3]  }
0x28: {  	s2 =	sld [smem:$0x3FA4]  }
0x29: {  	s4 =	sld [smem:$0x3FA6]  }
0x2a: {  	p0 =	seq.s32 s5, $0x0;
	s5 =	sld [smem:$0x3FA7]  }
0x2b: {  	s6 =	sld [smem:$0x3FA8]  }
0x2c: {  	s7 =	sld [smem:$0x3FA9]  }
0x2d: {  	s3 =	simm.s32 $0x108;
	s8 =	sld [smem:$0x3FAA]  }
0x2e: {  	s3 =	simm.s32 @!p0 $0x1082;
	s9 =	sld [smem:$0x3FAB]  }
0x2f: {  	lr =	sadd.s32 s0, s3;
	s0 =	sld [smem:$0x3FA2]  }
0x30: {  	s3 =	sld [smem:$0x3FA5]  }
0x31: {  	[smem:$0x3FAE] =	sst s10  }
0x32: {  	s10 =	sld [smem:$0x3FAC];
	_ =	sdelay $0x3  }
0x33: {  	p0 =	seq.s32 s10, $0x1;
	s10 =	sld [smem:$0x3FAE];
	_ =	sdelay $0x3  }
0x34: {  	[smem:$0x3FAE] =	sst s10  }
0x35: {  	s10 =	sld [smem:$0x3FAD];
	_ =	sdelay $0x3  }
0x36: {  	p1 =	seq.s32 s10, $0x1;
	s10 =	sld [smem:$0x3FAE];
	_ =	sdelay $0x3  }
0x37: {  	[smem:$0x3FAE] =	sst s10  }
0x38: {  	s10 =	sld [smem:$0x3FAF]  }
0x39: {  	_ = 	snop;
	(pc) =	sbr.ind lr, $3  }
0x3a: {  	_ = 	snop  }
0x3b: {  	_ = 	snop  }
0x3c: {  	p2 =	seq.s32 s10, $0x1;
	s10 =	sld [smem:$0x3FAE]  }
0x3d: {  	_ =	shalt  }
0x3e: {  	_ =	shalt  }
0x3f: {  	_ =	shalt  }
0x40: {  	_ =	shalt  }
0x41: {  	_ =	shalt  }
0x42: {  	_ =	shalt  }
0x43: {  	_ =	shalt  }
0x44: {  	_ =	shalt  }
0x45: {  	_ =	shalt  }
0x46: {  	_ =	shalt  }
0x47: {  	_ =	shalt  }
0x48: {  	_ =	shalt  }
0x49: {  	_ =	shalt  }
0x4a: {  	_ =	shalt  }
0x4b: {  	_ =	shalt  }
0x4c: {  	_ =	shalt  }
0x4d: {  	_ =	shalt  }
0x4e: {  	_ =	shalt  }
0x4f: {  	_ =	shalt  }
0x50: {  	_ =	shalt  }
0x51: {  	_ =	shalt  }
0x52: {  	_ =	shalt  }
0x53: {  	_ =	shalt  }
0x54: {  	_ =	shalt  }
0x55: {  	_ =	shalt  }
0x56: {  	_ =	shalt  }
0x57: {  	_ =	shalt  }
0x58: {  	_ =	shalt  }
0x59: {  	_ =	shalt  }
0x5a: {  	_ =	shalt  }
0x5b: {  	_ =	shalt  }
0x5c: {  	_ =	shalt  }
0x5d: {  	_ =	shalt  }
0x5e: {  	_ =	shalt  }
0x5f: {  	_ =	shalt  }
0x60: {  	_ =	shalt  }
0x61: {  	_ =	shalt  }
0x62: {  	_ =	shalt  }
0x63: {  	_ =	shalt  }
0x64: {  	_ =	shalt  }
0x65: {  	_ =	shalt  }
0x66: {  	_ =	shalt  }
0x67: {  	_ =	shalt  }
0x68: {  	_ =	shalt  }
0x69: {  	_ =	shalt  }
0x6a: {  	_ =	shalt  }
0x6b: {  	_ =	shalt  }
0x6c: {  	_ =	shalt  }
0x6d: {  	_ =	shalt  }
0x6e: {  	_ =	shalt  }
0x6f: {  	_ =	shalt  }
0x70: {  	_ =	shalt  }
0x71: {  	_ =	shalt  }
0x72: {  	_ =	shalt  }
0x73: {  	_ =	shalt  }
0x74: {  	_ =	shalt  }
0x75: {  	_ =	shalt  }
0x76: {  	_ =	shalt  }
0x77: {  	_ =	shalt  }
0x78: {  	_ =	shalt  }
0x79: {  	_ =	shalt  }
0x7a: {  	_ =	shalt  }
0x7b: {  	_ =	shalt  }
0x7c: {  	_ =	shalt  }
0x7d: {  	_ =	shalt  }
0x7e: {  	_ =	shalt  }
0x7f: {  	_ =	shalt  }
0x80: {  	_ =	shalt  }
0x81: {  	_ =	shalt  }
0x82: {  	_ =	shalt  }
0x83: {  	_ =	shalt  }
0x84: {  	_ =	shalt  }
0x85: {  	_ =	shalt  }
0x86: {  	_ =	shalt  }
0x87: {  	_ =	shalt  }
.Lfunc_end0:
.L_simem_size_0:
called_computation.2_lowered:
.L_overlay_start_0:
0x88: {  	s2 =	sld [smem:$0x3FD9]  }
0x89: {  	s3 =	sld [smem:$0x3FFE];
	_ =	sdelay $0x1  }
0x8a: {  	s1 =	srdreg.scid  }
0x8b: {  	s0 =	sand.u32 $0x1, s1  }
0x8c: {  	s17 =	sshll.u32 s0, $0xA;
	s2 =	sadd.s32 s3, s2  }
0x8d: {  	s2 =	sadd.s32 s2, s17  }
0x8e: {  	[smem:$0x3FBA] =	sst s2  }
0x8f: {  	_ = 	snop  }
0x90: {  	s2 =	sld [smem:$0x3FD0];
	(tm) =	ssettm $0x1  }
0x91: {  	s18 =	sld [smem:$0x3FFB];
	_ =	sdelay $0x3  }
0x92: {  	_ =	strace s18  }
0x93: {  	s3 =	sld [smem:$0x3FFC];
	_ =	sdelay $0x3  }
0x94: {  	_ =	strace s3  }
0x95: {  	s3 =	sld [smem:$0x3FFD];
	_ =	sdelay $0x3  }
0x96: {  	_ =	strace s3  }
0x97: {  	_ =	strace $0x8FFFFFFF  }
0x98: {  	s19 =	sld [smem:$0x3FDB];
	_ =	sdelay $0x1  }
0x99: {  	s4 =	simm.s32 $_scs_section_size  }
0x9a: {  	s5 =	simm.s32 $_size__tile_overlayer_lowered;
	s6 =	simm.s32 $_tile_overlayer_lowered  }
0x9b: {  	s22 =	simm.s32 $0x1BFF;
	s21 =	sshll.u32 s6, $0x1;
	s3 =	sadd.s32 s4, s19  }
0x9c: {  	s7 =	simm.s32 $0x0;
	s20 =	sshll.u32 s5, $0x1;
	s5 =	sadd.s32 s21, s3  }
0x9d: {  	[timem:s7], [sflag:s22] =	dma.local [hbm:s5], s20  }
0x9e: {  	_ =	swait.ge [sflag:s22], s20  }
0x9f: {  	s4 =	ssub.s32 $0x0, s20;
	[sflag:s22] =	ssyncset.done $0x0  }
0xa0: {  	[sflag:s22] =	ssyncadd.s32 s4;
	_ =	sdelay $0x1  }
0xa1: {  	s23 =	simm.s32 $0x1B8B  }
0xa2: {  	_ =	swait.ge [sflag:s23], $0x1  }
0xa3: {  	[sflag:s23] =	ssyncset.done $0x0  }
0xa4: {  	s25 =	simm.s32 $0x1B8E;
	s24 =	sld [smem:$0x3FFE];
	[sflag:s23] =	ssyncadd.s32 $0xFFFFFFFF  }
0xa5: {  	s26 =	simm.s32 $execute0_lowered;
	[smem:$0x3FD2] =	sst s25  }
0xa6: {  	s5 =	sshll.u32 s26, $0x1;
	_ =	strace $0x8000004C;
	[dreg:$0x1] =	wrdreg $0xFFFFFFFF  }
0xa7: {  	s28 =	simm.s32 $_size_execute0_lowered;
	s3 =	sadd.s32 s3, s5;
	[dreg:$0x0] =	wrdreg $0x0  }
0xa8: {  	s5 =	sshll.u32 s28, $0x1;
	[dreg:$0x2] =	wrdreg s3  }
0xa9: {  	[dreg:$0x3] =	wrdreg s5  }
0xaa: {  	[dreg:$0x4] =	wrdreg $0xC0  }
0xab: {  	_ =	task [dreg:s7], $0x5FFFF  }
0xac: {  	[dreg:$0x1] =	wrdreg $0xFFFFFFFF  }
0xad: {  	[dreg:$0x0] =	wrdreg $0x60  }
0xae: {  	[dreg:$0x2] =	wrdreg s2  }
0xaf: {  	[dreg:$0x3] =	wrdreg s24  }
0xb0: {  	[dreg:$0x4] =	wrdreg $0xA8000  }
0xb1: {  	[dreg:$0x5] =	wrdreg $0x9  }
0xb2: {  	_ =	task.clear_ibuf [dreg:s7], $0x6FFFF;
	_ =	strace $0x9000004C  }
0xb3: {  	s29 =	simm.s32 $0x9;
	_ =	strace $0x8000004E  }
0xb4: {  	_ =	swait.ge [sflag:s29], $0x1  }
0xb5: {  	[sflag:s29] =	ssyncadd.s32 $0xFFFFFFFF  }
0xb6: {  	_ =	strace $0x9000004E  }
0xb7: {  	_ =	sfence  }
0xb8: {  	s30 =	sld [smem:$0x0];
	_ =	sdelay $0x2  }
0xb9: {  	s31 =	sshll.u32 s1, $0xD;
	s1 =	sshrl.u32 s1, $0x2  }
0xba: {  	s3 =	sand.u32 $0x4000, s31;
	s1 =	sadd.s32 s1, s30  }
0xbb: {  	s0 =	sor.u32 s3, s0;
	s1 =	sshll.u32 s1, $0x11  }
0xbc: {  	s0 =	sor.u32 s1, s0  }
0xbd: {  	s0 =	sadd.s32 $0x8F2B, s0  }
0xbe: {  	[sflag:s0] =	ssyncadd.remote.s32 $0x1  }
0xbf: {  	_ =	sfence.sel $0xFFFF  }
0xc0: {  	[dreg:$0x0] =	wrdreg $0xFFFFFFFF;
	(pc) =	sbr.abs _section_cstart, $3  }
0xc1: {  	[dreg:$0x1] =	wrdreg $0xFFFFFFFF  }
0xc2: {  	_ =	task.clear_ibuf [dreg:s7], $0x2FFFF;
	_ =	strace $0x9FFFFFFF  }
0xc3: {  	(tm) =	ssettm $0x7FFFFFFF  }
tec
execute0_lowered:
.L_overlay_start_1:
0x0: {  	(tag) =	ssettag $0x1  }
0x1: {  	s1 =	rddreg [dreg:$0x0]  }
0x2: {  	s5 =	rddreg [dreg:$0x1]  }
0x3: {  	s2 =	rddreg [dreg:$0x2];
	s3 =	srdreg.scid  }
0x4: {  	s4 =	simm.s32 $0x0;
	s0 =	stileid.u32;
	s17 =	simm.s32 $0x5  }
0x5: {  	s18 =	simm.s32 $0x1400;
	s19 =	simm.s32 $0x80;
	s20 =	simm.s32 $0x6800  }
0x6: {  	s21 =	simm.s32 $0x1;
	s22 =	simm.s32 $0x2;
	s23 =	simm.s32 $0x3  }
0x7: {  	s24 =	simm.s32 $0x4;
	s25 =	simm.s32 $0x1380;
	s26 =	simm.s32 $0x2700  }
0x8: {  	s28 =	simm.s32 $0x2780;
	s6 =	sand.u32 $0x1, s3;
	s8 =	smul.u32 $0x13C00, s0  }
0x9: {  	[smem:$0x7FF] =	sst s4;
	s12 =	sadd.s32 $0x5400, s5;
	s9 =	smul.u32 $0x4F000, s0  }
0xa: {  	s7 =	smul.u32 $0x13C000, s6;
	s31 =	sshll.u32 s6, $0x4;
	s6 =	ssub.s32 $0x2, s6  }
0xb: {  	s13 =	sadd.s32 $0xF400, s5;
	_ =	strace $0x8000004D;
	s10 =	sshrl.u32 s6, $0x1  }
0xc: {  	s9 =	sshrl.u32 s9, $0x2;
	s7 =	sadd.s32 s8, s7;
	s8 =	sor.u32 s0, s31  }
0xd: {  	s15 =	ssub.s32 s6, s10;
	s7 =	sshrl.u32 s7, $0x3;
	s8 =	smul.u32 $0x2800, s8  }
0xe: {  	s15 =	smax.u32 s15, $0x1;
	s14 =	sadd.s32 s7, s5;
	s5 =	sadd.s32 s9, s2  }
0xf: {  	s6 =	sadd.s32 $0x4000, s5;
	s7 =	sadd.s32 $0x8000, s5;
	s11 =	sshrl.u32 s8, $0x3  }
0x10: {  	s8 =	sadd.s32 $0xC000, s5;
	s9 =	sadd.s32 $0x10000, s5;
	s14 =	sadd.s32 $0x19400, s14  }
0x11: {  	s16 =	sadd.s32 $0x280, s11;
	s10 =	sadd.s32 s12, s11;
	s11 =	sadd.s32 s13, s11  }
0x12: {  	v0 =	vimm.f32 $0.0e+00;
	s12 =	sadd.s32 s12, s16;
	s13 =	sadd.s32 s13, s16;
	s16 =	simm.s32 $0x2800  }
.LBB2_1:
0x13: {  	s29 =	simm.s32 $0x0;
	s30 =	simm.s32 $0x200  }
.LBB2_2:
0x14: {  	p0 =	sne.s32 s30, $0xFE00;
	[tilespmem:s29+$0x2870] =	vst v0  }
0x15: {  	[tilespmem:s29+$0x2800] =	vst v0  }
0x16: {  	[tilespmem:s29+$0x2810] =	vst v0  }
.Ltmp0:
0x17: {  	[tilespmem:s29+$0x2820] =	vst v0;
	(pc) =	sbr.rel @p0 .LBB2_2-.Ltmp0, $4  }
0x18: {  	[tilespmem:s29+$0x2830] =	vst v0  }
0x19: {  	[tilespmem:s29+$0x2840] =	vst v0  }
0x1a: {  	[tilespmem:s29+$0x2850] =	vst v0  }
0x1b: {  	[tilespmem:s29+$0x2860] =	vst v0;
	s29 =	sshra.s32 s30, $0x2;
	s30 =	sadd.s32 $0x200, s30  }
0x1c: {  	[tilespmem:s29+$0x2870] =	vst v0  }
0x1d: {  	[tilespmem:s29+$0x2800] =	vst v0  }
0x1e: {  	[tilespmem:s29+$0x2810] =	vst v0  }
0x1f: {  	[tilespmem:s29+$0x2820] =	vst v0  }
0x20: {  	[tilespmem:s29+$0x2830] =	vst v0  }
0x21: {  	[tilespmem:s29+$0x2840] =	vst v0  }
0x22: {  	[tilespmem:s29+$0x2850] =	vst v0  }
0x23: {  	[tilespmem:s29+$0x2860] =	vst v0  }
0x24: {  	[spmem:s5] =	stream.linear.scatter [tilespmem:s16], [sflag:$0x5], $0x4000, $0x38;
	[tilespmem:$0x1E400] =	vst v63  }
0x25: {  	_ =	swait.ge [sflag:s17], $0x4000  }
0x26: {  	[sflag:s17] =	ssyncset.done $0x0  }
0x27: {  	[sflag:s17] =	ssyncadd.s32 $0xFFFFC000  }
0x28: {  	[spmem:s6] =	stream.linear.scatter [tilespmem:s16], [sflag:$0x5], $0x4000, $0x38;
	[tilespmem:$0x1E400] =	vst v63  }
0x29: {  	_ =	swait.ge [sflag:s17], $0x4000  }
0x2a: {  	[sflag:s17] =	ssyncset.done $0x0  }
0x2b: {  	[sflag:s17] =	ssyncadd.s32 $0xFFFFC000  }
0x2c: {  	[spmem:s7] =	stream.linear.scatter [tilespmem:s16], [sflag:$0x5], $0x4000, $0x38;
	[tilespmem:$0x1E400] =	vst v63  }
0x2d: {  	_ =	swait.ge [sflag:s17], $0x4000  }
0x2e: {  	[sflag:s17] =	ssyncset.done $0x0  }
0x2f: {  	[sflag:s17] =	ssyncadd.s32 $0xFFFFC000  }
0x30: {  	[spmem:s8] =	stream.linear.scatter [tilespmem:s16], [sflag:$0x5], $0x4000, $0x38;
	[tilespmem:$0x1E400] =	vst v63  }
0x31: {  	_ =	swait.ge [sflag:s17], $0x4000  }
0x32: {  	[sflag:s17] =	ssyncset.done $0x0  }
0x33: {  	[sflag:s17] =	ssyncadd.s32 $0xFFFFC000  }
0x34: {  	[spmem:s9] =	stream.linear.scatter [tilespmem:s16], [sflag:$0x5], $0x3C00, $0x38;
	[tilespmem:$0x1E400] =	vst v63  }
0x35: {  	_ =	swait.ge [sflag:s17], $0x3C00  }
0x36: {  	[sflag:s17] =	ssyncset.done $0x0  }
0x37: {  	[sflag:s17] =	ssyncadd.s32 $0xFFFFC400  }
0x38: {  	s29 =	simm.s32 $0x0;
	[bflag:$0x0] =	sbarrier.arrive $0xFFFF  }
0x39: {  	[tilespmem:s29], [sflag:$0x5] =	stream.linear.gather [hbm4b:s10+s29], $0x1400, $0x38;
	[tilespmem:$0x1E400] =	vst v63  }
0x3a: {  	_ =	swait.ge [sflag:s17], $0x1400  }
0x3b: {  	[sflag:s17] =	ssyncset.done $0x0  }
0x3c: {  	[sflag:s17] =	ssyncadd.s32 $0xFFFFEC00  }
0x3d: {  	[tilespmem:s18], [sflag:$0x5] =	stream.linear.gather [hbm4b:s11+s29], $0x1400, $0x38;
	[tilespmem:$0x1E400] =	vst v63  }
0x3e: {  	_ =	swait.ge [sflag:s17], $0x1400  }
0x3f: {  	[sflag:s17] =	ssyncset.done $0x0  }
0x40: {  	[sflag:s17] =	ssyncadd.s32 $0xFFFFEC00  }
0x41: {  	[tilespmem:s16], [sflag:$0x1] =	stream.indirect.gather [hbm4b:s1+s19], $0x80, s29, s19, $0xb8;
	[tilespmem:$0x1E400] =	vst v63  }
0x42: {  	s29 =	simm.s32 $0x80  }
0x43: {  	[tilespmem:s20], [sflag:$0x2] =	stream.indirect.gather [hbm4b:s1+s19], $0x80, s29, s19, $0xb8;
	[tilespmem:$0x1E400] =	vst v63  }
0x44: {  	_ =	swait.ge [sflag:s21], $0x4000  }
0x45: {  	[sflag:s21] =	ssyncset.done $0x0  }
0x46: {  	s29 =	simm.s32 $0x1400;
	[sflag:s21] =	ssyncadd.s32 $0xFFFFC000  }
0x47: {  	[spmem:s2] =	stream.indirect.scatter.add.f32 [tilespmem:s16], [sflag:$0x3], $0x80, s29, s19, $0xb8;
	[tilespmem:$0x1E400] =	vst v63  }
0x48: {  	_ =	swait.ge [sflag:s22], $0x4000  }
0x49: {  	[sflag:s22] =	ssyncset.done $0x0  }
0x4a: {  	s29 =	simm.s32 $0x1480;
	[sflag:s22] =	ssyncadd.s32 $0xFFFFC000  }
0x4b: {  	[spmem:s2] =	stream.indirect.scatter.add.f32 [tilespmem:s20], [sflag:$0x4], $0x80, s29, s19, $0xb8;
	[tilespmem:$0x1E400] =	vst v63  }
0x4c: {  	_ =	swait.ge [sflag:s23], $0x4000  }
0x4d: {  	[sflag:s23] =	ssyncset.done $0x0  }
0x4e: {  	s29 =	simm.s32 $0x100;
	[sflag:s23] =	ssyncadd.s32 $0xFFFFC000  }
0x4f: {  	[tilespmem:s16], [sflag:$0x1] =	stream.indirect.gather [hbm4b:s1+s19], $0x80, s29, s19, $0xb8;
	[tilespmem:$0x1E400] =	vst v63  }
0x50: {  	_ =	swait.ge [sflag:s24], $0x4000  }
0x51: {  	s30 =	simm.s32 $0x800;
	s29 =	simm.s32 $0x100;
	[sflag:s24] =	ssyncset.done $0x0  }
.LBB2_4:
0x52: {  	s31 =	sadd.s32 $0x80, s29  }
0x53: {  	[sflag:s24] =	ssyncadd.s32 $0xFFFFC000;
	s0 =	smov.u32 s30;
	s3 =	sadd.s32 $0x400, s30  }
0x54: {  	[tilespmem:s20], [sflag:$0x2] =	stream.indirect.gather [hbm4b:s1+s19], $0x80, s31, s19, $0xb8;
	[tilespmem:$0x1E400] =	vst v63  }
0x55: {  	p0 =	sne.s32 s30, $0x4800;
	_ =	swait.ge [sflag:s21], $0x4000  }
0x56: {  	[sflag:s21] =	ssyncset.done $0x0  }
0x57: {  	s30 =	sadd.s32 $0x1400, s29;
	[sflag:s21] =	ssyncadd.s32 $0xFFFFC000  }
0x58: {  	[spmem:s2] =	stream.indirect.scatter.add.f32 [tilespmem:s16], [sflag:$0x3], $0x80, s30, s19, $0xb8;
	[tilespmem:$0x1E400] =	vst v63  }
0x59: {  	_ =	swait.ge [sflag:s22], $0x4000  }
0x5a: {  	[sflag:s22] =	ssyncset.done $0x0  }
0x5b: {  	s30 =	sadd.s32 $0x1480, s29;
	[sflag:s22] =	ssyncadd.s32 $0xFFFFC000  }
0x5c: {  	[spmem:s2] =	stream.indirect.scatter.add.f32 [tilespmem:s20], [sflag:$0x4], $0x80, s30, s19, $0xb8;
	[tilespmem:$0x1E400] =	vst v63  }
0x5d: {  	_ =	swait.ge [sflag:s23], $0x4000  }
.Ltmp1:
0x5e: {  	[sflag:s23] =	ssyncset.done $0x0;
	(pc) =	sbr.rel @p0 .LBB2_4-.Ltmp1, $4  }
0x5f: {  	s29 =	sadd.s32 $0x100, s29;
	[sflag:s23] =	ssyncadd.s32 $0xFFFFC000  }
0x60: {  	[tilespmem:s16], [sflag:$0x1] =	stream.indirect.gather [hbm4b:s1+s19], $0x80, s29, s19, $0xb8;
	[tilespmem:$0x1E400] =	vst v63  }
0x61: {  	_ =	swait.ge [sflag:s24], $0x4000  }
0x62: {  	s30 =	smov.u32 s3;
	s29 =	sshra.s32 s0, $0x2;
	[sflag:s24] =	ssyncset.done $0x0  }
0x63: {  	s0 =	sadd.s32 $0x80, s29;
	[sflag:s24] =	ssyncadd.s32 $0xFFFFC000  }
0x64: {  	[tilespmem:s20], [sflag:$0x2] =	stream.indirect.gather [hbm4b:s1+s19], $0x80, s0, s19, $0xb8;
	[tilespmem:$0x1E400] =	vst v63  }
0x65: {  	_ =	swait.ge [sflag:s21], $0x4000  }
0x66: {  	[sflag:s21] =	ssyncset.done $0x0  }
0x67: {  	s3 =	sadd.s32 $0x1400, s29;
	[sflag:s21] =	ssyncadd.s32 $0xFFFFC000  }
0x68: {  	[spmem:s2] =	stream.indirect.scatter.add.f32 [tilespmem:s16], [sflag:$0x3], $0x80, s3, s19, $0xb8;
	[tilespmem:$0x1E400] =	vst v63  }
0x69: {  	_ =	swait.ge [sflag:s22], $0x4000  }
0x6a: {  	[sflag:s22] =	ssyncset.done $0x0  }
0x6b: {  	s31 =	sadd.s32 $0x1480, s29;
	[sflag:s22] =	ssyncadd.s32 $0xFFFFC000  }
0x6c: {  	[spmem:s2] =	stream.indirect.scatter.add.f32 [tilespmem:s20], [sflag:$0x4], $0x80, s31, s19, $0xb8;
	[tilespmem:$0x1E400] =	vst v63  }
0x6d: {  	_ =	swait.ge [sflag:s23], $0x4000  }
0x6e: {  	[sflag:s23] =	ssyncset.done $0x0  }
0x6f: {  	s3 =	sadd.s32 $0x100, s29;
	[sflag:s23] =	ssyncadd.s32 $0xFFFFC000  }
0x70: {  	[tilespmem:s16], [sflag:$0x1] =	stream.indirect.gather [hbm4b:s1+s19], $0x80, s3, s19, $0xb8;
	[tilespmem:$0x1E400] =	vst v63  }
0x71: {  	_ =	swait.ge [sflag:s24], $0x4000  }
0x72: {  	[sflag:s24] =	ssyncset.done $0x0  }
0x73: {  	[sflag:s24] =	ssyncadd.s32 $0xFFFFC000  }
0x74: {  	[tilespmem:s20], [sflag:$0x2] =	stream.indirect.gather [hbm4b:s1+s19], $0x80, s25, s19, $0xb8;
	[tilespmem:$0x1E400] =	vst v63  }
0x75: {  	_ =	swait.ge [sflag:s21], $0x4000  }
0x76: {  	[sflag:s21] =	ssyncset.done $0x0  }
0x77: {  	[sflag:s21] =	ssyncadd.s32 $0xFFFFC000  }
0x78: {  	[spmem:s2] =	stream.indirect.scatter.add.f32 [tilespmem:s16], [sflag:$0x3], $0x80, s26, s19, $0xb8;
	[tilespmem:$0x1E400] =	vst v63  }
0x79: {  	_ =	swait.ge [sflag:s22], $0x4000  }
0x7a: {  	[sflag:s22] =	ssyncset.done $0x0  }
0x7b: {  	[sflag:s22] =	ssyncadd.s32 $0xFFFFC000  }
0x7c: {  	[spmem:s2] =	stream.indirect.scatter.add.f32 [tilespmem:s20], [sflag:$0x4], $0x80, s28, s19, $0xb8;
	[tilespmem:$0x1E400] =	vst v63  }
0x7d: {  	_ =	swait.ge [sflag:s23], $0x4000  }
0x7e: {  	[sflag:s23] =	ssyncset.done $0x0  }
0x7f: {  	[sflag:s23] =	ssyncadd.s32 $0xFFFFC000  }
0x80: {  	_ =	swait.ge [sflag:s24], $0x4000  }
0x81: {  	[sflag:s24] =	ssyncset.done $0x0  }
0x82: {  	s31 =	simm.s32 $0x0;
	[sflag:s24] =	ssyncadd.s32 $0xFFFFC000  }
0x83: {  	[tilespmem:s31], [sflag:$0x5] =	stream.linear.gather [hbm4b:s12+s31], $0x1400, $0x38;
	[tilespmem:$0x1E400] =	vst v63  }
0x84: {  	_ =	swait.ge [sflag:s17], $0x1400  }
0x85: {  	[sflag:s17] =	ssyncset.done $0x0  }
0x86: {  	[sflag:s17] =	ssyncadd.s32 $0xFFFFEC00  }
0x87: {  	[tilespmem:s18], [sflag:$0x5] =	stream.linear.gather [hbm4b:s13+s31], $0x1400, $0x38;
	[tilespmem:$0x1E400] =	vst v63  }
0x88: {  	_ =	swait.ge [sflag:s17], $0x1400  }
0x89: {  	[sflag:s17] =	ssyncset.done $0x0  }
0x8a: {  	[sflag:s17] =	ssyncadd.s32 $0xFFFFEC00  }
0x8b: {  	[tilespmem:s16], [sflag:$0x1] =	stream.indirect.gather [hbm4b:s1+s19], $0x80, s31, s19, $0xb8;
	[tilespmem:$0x1E400] =	vst v63  }
0x8c: {  	s3 =	simm.s32 $0x80  }
0x8d: {  	[tilespmem:s20], [sflag:$0x2] =	stream.indirect.gather [hbm4b:s1+s19], $0x80, s3, s19, $0xb8;
	[tilespmem:$0x1E400] =	vst v63  }
0x8e: {  	_ =	swait.ge [sflag:s21], $0x4000  }
0x8f: {  	[sflag:s21] =	ssyncset.done $0x0  }
0x90: {  	s31 =	simm.s32 $0x1400;
	[sflag:s21] =	ssyncadd.s32 $0xFFFFC000  }
0x91: {  	[spmem:s2] =	stream.indirect.scatter.add.f32 [tilespmem:s16], [sflag:$0x3], $0x80, s31, s19, $0xb8;
	[tilespmem:$0x1E400] =	vst v63  }
0x92: {  	_ =	swait.ge [sflag:s22], $0x4000  }
0x93: {  	[sflag:s22] =	ssyncset.done $0x0  }
0x94: {  	s3 =	simm.s32 $0x1480;
	[sflag:s22] =	ssyncadd.s32 $0xFFFFC000  }
0x95: {  	[spmem:s2] =	stream.indirect.scatter.add.f32 [tilespmem:s20], [sflag:$0x4], $0x80, s3, s19, $0xb8;
	[tilespmem:$0x1E400] =	vst v63  }
0x96: {  	_ =	swait.ge [sflag:s23], $0x4000  }
0x97: {  	[sflag:s23] =	ssyncset.done $0x0  }
0x98: {  	s31 =	simm.s32 $0x100;
	[sflag:s23] =	ssyncadd.s32 $0xFFFFC000  }
0x99: {  	[tilespmem:s16], [sflag:$0x1] =	stream.indirect.gather [hbm4b:s1+s19], $0x80, s31, s19, $0xb8;
	[tilespmem:$0x1E400] =	vst v63  }
0x9a: {  	_ =	swait.ge [sflag:s24], $0x4000  }
0x9b: {  	s30 =	simm.s32 $0x800;
	s29 =	simm.s32 $0x100;
	[sflag:s24] =	ssyncset.done $0x0  }
.LBB2_6:
0x9c: {  	s0 =	sadd.s32 $0x80, s29  }
0x9d: {  	[sflag:s24] =	ssyncadd.s32 $0xFFFFC000;
	s3 =	smov.u32 s30;
	s31 =	sadd.s32 $0x400, s30  }
0x9e: {  	[tilespmem:s20], [sflag:$0x2] =	stream.indirect.gather [hbm4b:s1+s19], $0x80, s0, s19, $0xb8;
	[tilespmem:$0x1E400] =	vst v63  }
0x9f: {  	p0 =	sne.s32 s30, $0x4800;
	_ =	swait.ge [sflag:s21], $0x4000  }
0xa0: {  	[sflag:s21] =	ssyncset.done $0x0  }
0xa1: {  	s0 =	sadd.s32 $0x1400, s29;
	[sflag:s21] =	ssyncadd.s32 $0xFFFFC000  }
0xa2: {  	[spmem:s2] =	stream.indirect.scatter.add.f32 [tilespmem:s16], [sflag:$0x3], $0x80, s0, s19, $0xb8;
	[tilespmem:$0x1E400] =	vst v63  }
0xa3: {  	_ =	swait.ge [sflag:s22], $0x4000  }
0xa4: {  	[sflag:s22] =	ssyncset.done $0x0  }
0xa5: {  	s0 =	sadd.s32 $0x1480, s29;
	[sflag:s22] =	ssyncadd.s32 $0xFFFFC000  }
0xa6: {  	[spmem:s2] =	stream.indirect.scatter.add.f32 [tilespmem:s20], [sflag:$0x4], $0x80, s0, s19, $0xb8;
	[tilespmem:$0x1E400] =	vst v63  }
0xa7: {  	_ =	swait.ge [sflag:s23], $0x4000  }
.Ltmp2:
0xa8: {  	[sflag:s23] =	ssyncset.done $0x0;
	(pc) =	sbr.rel @p0 .LBB2_6-.Ltmp2, $4  }
0xa9: {  	s0 =	sadd.s32 $0x100, s29;
	[sflag:s23] =	ssyncadd.s32 $0xFFFFC000  }
0xaa: {  	[tilespmem:s16], [sflag:$0x1] =	stream.indirect.gather [hbm4b:s1+s19], $0x80, s0, s19, $0xb8;
	[tilespmem:$0x1E400] =	vst v63  }
0xab: {  	_ =	swait.ge [sflag:s24], $0x4000  }
0xac: {  	s30 =	smov.u32 s31;
	s29 =	sshra.s32 s3, $0x2;
	[sflag:s24] =	ssyncset.done $0x0  }
0xad: {  	s0 =	sadd.s32 $0x80, s29;
	[sflag:s24] =	ssyncadd.s32 $0xFFFFC000  }
0xae: {  	[tilespmem:s20], [sflag:$0x2] =	stream.indirect.gather [hbm4b:s1+s19], $0x80, s0, s19, $0xb8;
	[tilespmem:$0x1E400] =	vst v63  }
0xaf: {  	_ =	swait.ge [sflag:s21], $0x4000  }
0xb0: {  	[sflag:s21] =	ssyncset.done $0x0  }
0xb1: {  	s31 =	sadd.s32 $0x1400, s29;
	[sflag:s21] =	ssyncadd.s32 $0xFFFFC000  }
0xb2: {  	[spmem:s2] =	stream.indirect.scatter.add.f32 [tilespmem:s16], [sflag:$0x3], $0x80, s31, s19, $0xb8;
	[tilespmem:$0x1E400] =	vst v63  }
0xb3: {  	_ =	swait.ge [sflag:s22], $0x4000  }
0xb4: {  	[sflag:s22] =	ssyncset.done $0x0  }
0xb5: {  	s3 =	sadd.s32 $0x1480, s29;
	[sflag:s22] =	ssyncadd.s32 $0xFFFFC000  }
0xb6: {  	[spmem:s2] =	stream.indirect.scatter.add.f32 [tilespmem:s20], [sflag:$0x4], $0x80, s3, s19, $0xb8;
	[tilespmem:$0x1E400] =	vst v63  }
0xb7: {  	_ =	swait.ge [sflag:s23], $0x4000  }
0xb8: {  	[sflag:s23] =	ssyncset.done $0x0  }
0xb9: {  	s30 =	sadd.s32 $0x100, s29;
	[sflag:s23] =	ssyncadd.s32 $0xFFFFC000  }
0xba: {  	[tilespmem:s16], [sflag:$0x1] =	stream.indirect.gather [hbm4b:s1+s19], $0x80, s30, s19, $0xb8;
	[tilespmem:$0x1E400] =	vst v63  }
0xbb: {  	_ =	swait.ge [sflag:s24], $0x4000  }
0xbc: {  	[sflag:s24] =	ssyncset.done $0x0  }
0xbd: {  	[sflag:s24] =	ssyncadd.s32 $0xFFFFC000  }
0xbe: {  	[tilespmem:s20], [sflag:$0x2] =	stream.indirect.gather [hbm4b:s1+s19], $0x80, s25, s19, $0xb8;
	[tilespmem:$0x1E400] =	vst v63  }
0xbf: {  	_ =	swait.ge [sflag:s21], $0x4000  }
0xc0: {  	[sflag:s21] =	ssyncset.done $0x0  }
0xc1: {  	[sflag:s21] =	ssyncadd.s32 $0xFFFFC000  }
0xc2: {  	[spmem:s2] =	stream.indirect.scatter.add.f32 [tilespmem:s16], [sflag:$0x3], $0x80, s26, s19, $0xb8;
	[tilespmem:$0x1E400] =	vst v63  }
0xc3: {  	_ =	swait.ge [sflag:s22], $0x4000  }
0xc4: {  	[sflag:s22] =	ssyncset.done $0x0  }
0xc5: {  	[sflag:s22] =	ssyncadd.s32 $0xFFFFC000  }
0xc6: {  	[spmem:s2] =	stream.indirect.scatter.add.f32 [tilespmem:s20], [sflag:$0x4], $0x80, s28, s19, $0xb8;
	[tilespmem:$0x1E400] =	vst v63  }
0xc7: {  	_ =	swait.ge [sflag:s23], $0x4000  }
0xc8: {  	[sflag:s23] =	ssyncset.done $0x0  }
0xc9: {  	[sflag:s23] =	ssyncadd.s32 $0xFFFFC000  }
0xca: {  	s31 =	stileid.u32;
	_ =	swait.ge [sflag:s24], $0x4000  }
0xcb: {  	s4 =	sadd.s32 $0x1, s4;
	s0 =	sshll.u32 s31, $0x6;
	[sflag:s24] =	ssyncset.done $0x0  }
0xcc: {  	p0 =	sne.s32 s4, s15;
	s0 =	sor.u32 $0x1C05, s0;
	[sflag:s24] =	ssyncadd.s32 $0xFFFFC000  }
.Ltmp3:
0xcd: {  	s3 =	sshrl.u32 s5, $0x3;
	[bflag:$0x0] =	sbarrier.arrive $0xFFFF;
	(pc) =	sbr.rel @p0 .LBB2_1-.Ltmp3, $4  }
0xce: {  	[hbm:s14], [sflag:s0] =	dma.local [spmem:s3], $0x2780  }
0xcf: {  	_ =	swait.ge [sflag:s17], $0x2780  }
0xd0: {  	[sflag:s17] =	ssyncset.done $0x0  }
0xd1: {  	[sflag:s17] =	ssyncadd.s32 $0xFFFFD880  }
0xd2: {  	_ =	sfence.sel $0x180000  }
0xd3: {  	[bflag:$0x0] =	sbarrier.arrive $0xFFFF  }
0xd4: {  	_ =	strace $0x9000004D  }
0xd5: {  	s0 =	stileid.u32;
	[bflag:$0x2] =	sbarrier.arrive $0xFFFF  }
0xd6: {  	p0 =	sne.s32 s0, $0x0;
	s0 =	rddreg [dreg:$0x3]  }
0xd7: {  	s0 =	sadd.s32 @!p0 $0x100000, s0  }
0xd8: {  	[sflag:s0] =	ssyncadd.tile.s32 @!p0 $0x1;
	_ =	shalt  }
.Lfunc_end2:
_tile_overlayer_lowered:
.L_overlay_start_2:
0xd9: {  	(tag) =	ssettag $0x2  }
0xda: {  	s0 =	rddreg [dreg:$0x0];
	s2 =	stileid.u32  }
0xdb: {  	s1 =	rddreg [dreg:$0x1];
	p0 =	sne.s32 s2, $0x0  }
0xdc: {  	s3 =	rddreg [dreg:$0x2];
	[bflag:$0x3] =	sbarrier.arrive $0xFFFF;
	s2 =	simm.s32 @!p0 $0x1C05  }
0xdd: {  	[timem:s3], [sflag:s2] =	dma.local @!p0 [hbm:s0], s1  }
0xde: {  	s0 =	simm.s32 @!p0 $0x5  }
0xdf: {  	_ =	swait.ge @!p0 [sflag:s0], s1  }
0xe0: {  	s1 =	ssub.s32 @!p0 $0x0, s1;
	[sflag:s0] =	ssyncset.done @!p0 $0x0  }
0xe1: {  	[sflag:s0] =	ssyncadd.s32 @!p0 s1  }
0xe2: {  	[bflag:$0x3] =	sbarrier.arrive $0xFFFF  }
0xe3: {  	_ =	shalt  }

// kernel: kernel.9.cloned.1.call-start
scs
__scs_entry_jumppad:
0x0: {  	(pc) =	sbr.rel $0x88, $3  }
0x1: {  	(tag) =	ssettag $0x0;
	lr =	simm.s32 $0x1  }
0x2: {  	[smem:$0x3F93] =	sst lr;
	_ =	strace $0xD0000000  }
0x3: {  	_ = 	snop  }
0x4: {  	_ = 	snop  }
0x5: {  	_ = 	snop  }
0x6: {  	_ = 	snop  }
0x7: {  	_ = 	snop  }
__scs_overlays_trampoline_lowered:
0x8: {  	[smem:$0x3FA2] =	sst s0  }
0x9: {  	[smem:$0x3FA3] =	sst s1  }
0xa: {  	[smem:$0x3FA4] =	sst s2  }
0xb: {  	[smem:$0x3FA5] =	sst s3  }
0xc: {  	[smem:$0x3FA6] =	sst s4  }
0xd: {  	[smem:$0x3FA7] =	sst s5  }
0xe: {  	[smem:$0x3FA8] =	sst s6  }
0xf: {  	[smem:$0x3FA9] =	sst s7  }
0x10: {  	[smem:$0x3FAA] =	sst s8  }
0x11: {  	[smem:$0x3FAB] =	sst s9;
	s0 =	simm.s32 @!p0 $0x0  }
0x12: {  	s1 =	sld [smem:$0x3F91];
	s0 =	simm.s32 @p0 $0x1  }
0x13: {  	[smem:$0x3FAC] =	sst s0;
	s0 =	simm.s32 @!p1 $0x0  }
0x14: {  	s2 =	sld [smem:$0x3F90];
	s0 =	simm.s32 @p1 $0x1  }
0x15: {  	[smem:$0x3FAD] =	sst s0;
	s0 =	simm.s32 @!p2 $0x0  }
0x16: {  	s3 =	sld [smem:$0x3FDB];
	s0 =	simm.s32 @p2 $0x1  }
0x17: {  	s4 =	simm.s32 $0x1BF5;
	[smem:$0x3FAF] =	sst s0  }
0x18: {  	s0 =	sld [smem:$0x3F92];
	_ =	swait.ge [sflag:s4], $0x0  }
0x19: {  	s7 =	sld [smem:$0x3F93]  }
0x1a: {  	s8 =	sadd.s32 $0xFFFFE003, lr  }
0x1b: {  	s9 =	sadd.s32 $0xFFFFFEF7, lr;
	s5 =	simm.s32 $0xFFFFFFFF;
	p2 =	slt.u32 s8, $0xFFFFF086  }
0x1c: {  	p1 =	slt.u32 s9, $0xF7A;
	s5 =	simm.s32 @!p2 $0x0  }
0x1d: {  	s5 =	simm.s32 @p1 $0x1;
	p0 =	seq.s32 s7, s2  }
0x1e: {  	s7 =	smul.u32 @!p0 $0xF7A, s2;
	p2 =	seq.s32 @!p0 s5, $0x0  }
0x1f: {  	s9 =	smul.u32 $0xF7A, s1;
	s8 =	simm.s32 @!p0 $0x1BF5;
	p2 =	por !p2, p0  }
0x20: {  	[sflag:s8] =	ssyncset.s32 @!p0 $0xFFFFF086;
	s6 =	sadd.s32 @!p0 s3, s7;
	s7 =	simm.s32 @!p0 $0x108  }
0x21: {  	s3 =	sadd.s32 s3, s9;
	s6 =	sadd.s32 @!p0 $0x88, s6;
	s7 =	simm.s32 @p2 $0x1082  }
0x22: {  	[simem:s7], [sflag:s8] =	dma.local @!p0 [hbm:s6], $0xF7A  }
0x23: {  	s9 =	sor.u32 $0xD0000000, s2;
	s6 =	simm.s32 $0x108;
	_ =	swait.ge @!p0 [sflag:s8], $0x0  }
0x24: {  	s3 =	sadd.s32 $0x88, s3;
	s6 =	simm.s32 @!p1 $0x1082;
	[sflag:s4] =	ssyncset.s32 $0xFFFFF086  }
0x25: {  	[simem:s6], [sflag:s4] =	dma.local [hbm:s3], $0xF7A  }
0x26: {  	[smem:$0x3F93] =	sst s1;
	(tag) =	ssettag s2;
	_ =	strace s9  }
0x27: {  	s1 =	sld [smem:$0x3FA3]  }
0x28: {  	s2 =	sld [smem:$0x3FA4]  }
0x29: {  	s4 =	sld [smem:$0x3FA6]  }
0x2a: {  	p0 =	seq.s32 s5, $0x0;
	s5 =	sld [smem:$0x3FA7]  }
0x2b: {  	s6 =	sld [smem:$0x3FA8]  }
0x2c: {  	s7 =	sld [smem:$0x3FA9]  }
0x2d: {  	s3 =	simm.s32 $0x108;
	s8 =	sld [smem:$0x3FAA]  }
0x2e: {  	s3 =	simm.s32 @!p0 $0x1082;
	s9 =	sld [smem:$0x3FAB]  }
0x2f: {  	lr =	sadd.s32 s0, s3;
	s0 =	sld [smem:$0x3FA2]  }
0x30: {  	s3 =	sld [smem:$0x3FA5]  }
0x31: {  	[smem:$0x3FAE] =	sst s10  }
0x32: {  	s10 =	sld [smem:$0x3FAC];
	_ =	sdelay $0x3  }
0x33: {  	p0 =	seq.s32 s10, $0x1;
	s10 =	sld [smem:$0x3FAE];
	_ =	sdelay $0x3  }
0x34: {  	[smem:$0x3FAE] =	sst s10  }
0x35: {  	s10 =	sld [smem:$0x3FAD];
	_ =	sdelay $0x3  }
0x36: {  	p1 =	seq.s32 s10, $0x1;
	s10 =	sld [smem:$0x3FAE];
	_ =	sdelay $0x3  }
0x37: {  	[smem:$0x3FAE] =	sst s10  }
0x38: {  	s10 =	sld [smem:$0x3FAF]  }
0x39: {  	_ = 	snop;
	(pc) =	sbr.ind lr, $3  }
0x3a: {  	_ = 	snop  }
0x3b: {  	_ = 	snop  }
0x3c: {  	p2 =	seq.s32 s10, $0x1;
	s10 =	sld [smem:$0x3FAE]  }
0x3d: {  	_ =	shalt  }
0x3e: {  	_ =	shalt  }
0x3f: {  	_ =	shalt  }
0x40: {  	_ =	shalt  }
0x41: {  	_ =	shalt  }
0x42: {  	_ =	shalt  }
0x43: {  	_ =	shalt  }
0x44: {  	_ =	shalt  }
0x45: {  	_ =	shalt  }
0x46: {  	_ =	shalt  }
0x47: {  	_ =	shalt  }
0x48: {  	_ =	shalt  }
0x49: {  	_ =	shalt  }
0x4a: {  	_ =	shalt  }
0x4b: {  	_ =	shalt  }
0x4c: {  	_ =	shalt  }
0x4d: {  	_ =	shalt  }
0x4e: {  	_ =	shalt  }
0x4f: {  	_ =	shalt  }
0x50: {  	_ =	shalt  }
0x51: {  	_ =	shalt  }
0x52: {  	_ =	shalt  }
0x53: {  	_ =	shalt  }
0x54: {  	_ =	shalt  }
0x55: {  	_ =	shalt  }
0x56: {  	_ =	shalt  }
0x57: {  	_ =	shalt  }
0x58: {  	_ =	shalt  }
0x59: {  	_ =	shalt  }
0x5a: {  	_ =	shalt  }
0x5b: {  	_ =	shalt  }
0x5c: {  	_ =	shalt  }
0x5d: {  	_ =	shalt  }
0x5e: {  	_ =	shalt  }
0x5f: {  	_ =	shalt  }
0x60: {  	_ =	shalt  }
0x61: {  	_ =	shalt  }
0x62: {  	_ =	shalt  }
0x63: {  	_ =	shalt  }
0x64: {  	_ =	shalt  }
0x65: {  	_ =	shalt  }
0x66: {  	_ =	shalt  }
0x67: {  	_ =	shalt  }
0x68: {  	_ =	shalt  }
0x69: {  	_ =	shalt  }
0x6a: {  	_ =	shalt  }
0x6b: {  	_ =	shalt  }
0x6c: {  	_ =	shalt  }
0x6d: {  	_ =	shalt  }
0x6e: {  	_ =	shalt  }
0x6f: {  	_ =	shalt  }
0x70: {  	_ =	shalt  }
0x71: {  	_ =	shalt  }
0x72: {  	_ =	shalt  }
0x73: {  	_ =	shalt  }
0x74: {  	_ =	shalt  }
0x75: {  	_ =	shalt  }
0x76: {  	_ =	shalt  }
0x77: {  	_ =	shalt  }
0x78: {  	_ =	shalt  }
0x79: {  	_ =	shalt  }
0x7a: {  	_ =	shalt  }
0x7b: {  	_ =	shalt  }
0x7c: {  	_ =	shalt  }
0x7d: {  	_ =	shalt  }
0x7e: {  	_ =	shalt  }
0x7f: {  	_ =	shalt  }
0x80: {  	_ =	shalt  }
0x81: {  	_ =	shalt  }
0x82: {  	_ =	shalt  }
0x83: {  	_ =	shalt  }
0x84: {  	_ =	shalt  }
0x85: {  	_ =	shalt  }
0x86: {  	_ =	shalt  }
0x87: {  	_ =	shalt  }
.Lfunc_end0:
.L_simem_size_0:
called_computation_lowered:
.L_overlay_start_0:
0x88: {  	s2 =	sld [smem:$0x3FD9]  }
0x89: {  	s3 =	sld [smem:$0x3FFE];
	_ =	sdelay $0x1  }
0x8a: {  	s1 =	srdreg.scid  }
0x8b: {  	s0 =	sand.u32 $0x1, s1  }
0x8c: {  	s17 =	sshll.u32 s0, $0xA;
	s2 =	sadd.s32 s3, s2  }
0x8d: {  	s2 =	sadd.s32 s2, s17  }
0x8e: {  	[smem:$0x3FBA] =	sst s2  }
0x8f: {  	_ = 	snop  }
0x90: {  	s2 =	sld [smem:$0x3FD0];
	(tm) =	ssettm $0x1  }
0x91: {  	s18 =	sld [smem:$0x3FFB];
	_ =	sdelay $0x3  }
0x92: {  	_ =	strace s18  }
0x93: {  	s3 =	sld [smem:$0x3FFC];
	_ =	sdelay $0x3  }
0x94: {  	_ =	strace s3  }
0x95: {  	s3 =	sld [smem:$0x3FFD];
	_ =	sdelay $0x3  }
0x96: {  	_ =	strace s3  }
0x97: {  	_ =	strace $0x8FFFFFFF  }
0x98: {  	s19 =	sld [smem:$0x3FDB];
	_ =	sdelay $0x1  }
0x99: {  	s4 =	simm.s32 $_scs_section_size  }
0x9a: {  	s5 =	simm.s32 $_size__tile_overlayer_lowered;
	s6 =	simm.s32 $_tile_overlayer_lowered  }
0x9b: {  	s22 =	simm.s32 $0x1BFF;
	s21 =	sshll.u32 s6, $0x1;
	s3 =	sadd.s32 s4, s19  }
0x9c: {  	s7 =	simm.s32 $0x0;
	s20 =	sshll.u32 s5, $0x1;
	s5 =	sadd.s32 s21, s3  }
0x9d: {  	[timem:s7], [sflag:s22] =	dma.local [hbm:s5], s20  }
0x9e: {  	_ =	swait.ge [sflag:s22], s20  }
0x9f: {  	s4 =	ssub.s32 $0x0, s20;
	[sflag:s22] =	ssyncset.done $0x0  }
0xa0: {  	[sflag:s22] =	ssyncadd.s32 s4;
	_ =	sdelay $0x1  }
0xa1: {  	s23 =	simm.s32 $0x1B8B  }
0xa2: {  	_ =	swait.ge [sflag:s23], $0x1  }
0xa3: {  	[sflag:s23] =	ssyncset.done $0x0  }
0xa4: {  	s25 =	simm.s32 $0x1B8E;
	s24 =	sld [smem:$0x3FFE];
	[sflag:s23] =	ssyncadd.s32 $0xFFFFFFFF  }
0xa5: {  	s26 =	simm.s32 $execute0_lowered;
	[smem:$0x3FD2] =	sst s25  }
0xa6: {  	s5 =	sshll.u32 s26, $0x1;
	_ =	strace $0x80000046;
	[dreg:$0x1] =	wrdreg $0xFFFFFFFF  }
0xa7: {  	s28 =	simm.s32 $_size_execute0_lowered;
	s3 =	sadd.s32 s3, s5;
	[dreg:$0x0] =	wrdreg $0x0  }
0xa8: {  	s5 =	sshll.u32 s28, $0x1;
	[dreg:$0x2] =	wrdreg s3  }
0xa9: {  	[dreg:$0x3] =	wrdreg s5  }
0xaa: {  	[dreg:$0x4] =	wrdreg $0xC0  }
0xab: {  	_ =	task [dreg:s7], $0x5FFFF  }
0xac: {  	[dreg:$0x1] =	wrdreg $0xFFFFFFFF  }
0xad: {  	[dreg:$0x0] =	wrdreg $0x60  }
0xae: {  	[dreg:$0x2] =	wrdreg s2  }
0xaf: {  	[dreg:$0x3] =	wrdreg s24  }
0xb0: {  	[dreg:$0x4] =	wrdreg $0xA8000  }
0xb1: {  	[dreg:$0x5] =	wrdreg $0x9  }
0xb2: {  	_ =	task.clear_ibuf [dreg:s7], $0x6FFFF;
	_ =	strace $0x90000046  }
0xb3: {  	s29 =	simm.s32 $0x9;
	_ =	strace $0x80000048  }
0xb4: {  	_ =	swait.ge [sflag:s29], $0x1  }
0xb5: {  	[sflag:s29] =	ssyncadd.s32 $0xFFFFFFFF  }
0xb6: {  	_ =	strace $0x90000048  }
0xb7: {  	_ =	sfence  }
0xb8: {  	s30 =	sld [smem:$0x0];
	_ =	sdelay $0x2  }
0xb9: {  	s31 =	sshll.u32 s1, $0xD;
	s1 =	sshrl.u32 s1, $0x2  }
0xba: {  	s3 =	sand.u32 $0x4000, s31;
	s1 =	sadd.s32 s1, s30  }
0xbb: {  	s0 =	sor.u32 s3, s0;
	s1 =	sshll.u32 s1, $0x11  }
0xbc: {  	s0 =	sor.u32 s1, s0  }
0xbd: {  	s0 =	sadd.s32 $0x8F2B, s0  }
0xbe: {  	[sflag:s0] =	ssyncadd.remote.s32 $0x1  }
0xbf: {  	_ =	sfence.sel $0xFFFF  }
0xc0: {  	[dreg:$0x0] =	wrdreg $0xFFFFFFFF;
	(pc) =	sbr.abs _section_cstart, $3  }
0xc1: {  	[dreg:$0x1] =	wrdreg $0xFFFFFFFF  }
0xc2: {  	_ =	task.clear_ibuf [dreg:s7], $0x2FFFF;
	_ =	strace $0x9FFFFFFF  }
0xc3: {  	(tm) =	ssettm $0x7FFFFFFF  }
tec
execute0_lowered:
.L_overlay_start_1:
0x0: {  	(tag) =	ssettag $0x1  }
0x1: {  	s1 =	rddreg [dreg:$0x0]  }
0x2: {  	s5 =	rddreg [dreg:$0x1]  }
0x3: {  	s2 =	rddreg [dreg:$0x2];
	s3 =	srdreg.scid  }
0x4: {  	s4 =	simm.s32 $0x0;
	s0 =	stileid.u32;
	s17 =	simm.s32 $0x5  }
0x5: {  	s18 =	simm.s32 $0x1400;
	s19 =	simm.s32 $0x80;
	s20 =	simm.s32 $0x6800  }
0x6: {  	s21 =	simm.s32 $0x1;
	s22 =	simm.s32 $0x2;
	s23 =	simm.s32 $0x3  }
0x7: {  	s24 =	simm.s32 $0x4;
	s25 =	simm.s32 $0x1380;
	s26 =	simm.s32 $0x2700  }
0x8: {  	s28 =	simm.s32 $0x2780;
	s6 =	sand.u32 $0x1, s3;
	s8 =	smul.u32 $0x13C00, s0  }
0x9: {  	[smem:$0x7FF] =	sst s4;
	s12 =	sadd.s32 $0x5400, s5;
	s9 =	smul.u32 $0x4F000, s0  }
0xa: {  	s7 =	smul.u32 $0x13C000, s6;
	s31 =	sshll.u32 s6, $0x4;
	s6 =	ssub.s32 $0x2, s6  }
0xb: {  	s13 =	sadd.s32 $0xF400, s5;
	_ =	strace $0x80000047;
	s10 =	sshrl.u32 s6, $0x1  }
0xc: {  	s9 =	sshrl.u32 s9, $0x2;
	s7 =	sadd.s32 s8, s7;
	s8 =	sor.u32 s0, s31  }
0xd: {  	s15 =	ssub.s32 s6, s10;
	s7 =	sshrl.u32 s7, $0x3;
	s8 =	smul.u32 $0x2800, s8  }
0xe: {  	s15 =	smax.u32 s15, $0x1;
	s14 =	sadd.s32 s7, s5;
	s5 =	sadd.s32 s9, s2  }
0xf: {  	s6 =	sadd.s32 $0x4000, s5;
	s7 =	sadd.s32 $0x8000, s5;
	s11 =	sshrl.u32 s8, $0x3  }
0x10: {  	s8 =	sadd.s32 $0xC000, s5;
	s9 =	sadd.s32 $0x10000, s5;
	s14 =	sadd.s32 $0x19400, s14  }
0x11: {  	s16 =	sadd.s32 $0x280, s11;
	s10 =	sadd.s32 s12, s11;
	s11 =	sadd.s32 s13, s11  }
0x12: {  	v0 =	vimm.f32 $0.0e+00;
	s12 =	sadd.s32 s12, s16;
	s13 =	sadd.s32 s13, s16;
	s16 =	simm.s32 $0x2800  }
.LBB2_1:
0x13: {  	s29 =	simm.s32 $0x0;
	s30 =	simm.s32 $0x200  }
.LBB2_2:
0x14: {  	p0 =	sne.s32 s30, $0xFE00;
	[tilespmem:s29+$0x2870] =	vst v0  }
0x15: {  	[tilespmem:s29+$0x2800] =	vst v0  }
0x16: {  	[tilespmem:s29+$0x2810] =	vst v0  }
.Ltmp0:
0x17: {  	[tilespmem:s29+$0x2820] =	vst v0;
	(pc) =	sbr.rel @p0 .LBB2_2-.Ltmp0, $4  }
0x18: {  	[tilespmem:s29+$0x2830] =	vst v0  }
0x19: {  	[tilespmem:s29+$0x2840] =	vst v0  }
0x1a: {  	[tilespmem:s29+$0x2850] =	vst v0  }
0x1b: {  	[tilespmem:s29+$0x2860] =	vst v0;
	s29 =	sshra.s32 s30, $0x2;
	s30 =	sadd.s32 $0x200, s30  }
0x1c: {  	[tilespmem:s29+$0x2870] =	vst v0  }
0x1d: {  	[tilespmem:s29+$0x2800] =	vst v0  }
0x1e: {  	[tilespmem:s29+$0x2810] =	vst v0  }
0x1f: {  	[tilespmem:s29+$0x2820] =	vst v0  }
0x20: {  	[tilespmem:s29+$0x2830] =	vst v0  }
0x21: {  	[tilespmem:s29+$0x2840] =	vst v0  }
0x22: {  	[tilespmem:s29+$0x2850] =	vst v0  }
0x23: {  	[tilespmem:s29+$0x2860] =	vst v0  }
0x24: {  	[spmem:s5] =	stream.linear.scatter [tilespmem:s16], [sflag:$0x5], $0x4000, $0x38;
	[tilespmem:$0x1E400] =	vst v63  }
0x25: {  	_ =	swait.ge [sflag:s17], $0x4000  }
0x26: {  	[sflag:s17] =	ssyncset.done $0x0  }
0x27: {  	[sflag:s17] =	ssyncadd.s32 $0xFFFFC000  }
0x28: {  	[spmem:s6] =	stream.linear.scatter [tilespmem:s16], [sflag:$0x5], $0x4000, $0x38;
	[tilespmem:$0x1E400] =	vst v63  }
0x29: {  	_ =	swait.ge [sflag:s17], $0x4000  }
0x2a: {  	[sflag:s17] =	ssyncset.done $0x0  }
0x2b: {  	[sflag:s17] =	ssyncadd.s32 $0xFFFFC000  }
0x2c: {  	[spmem:s7] =	stream.linear.scatter [tilespmem:s16], [sflag:$0x5], $0x4000, $0x38;
	[tilespmem:$0x1E400] =	vst v63  }
0x2d: {  	_ =	swait.ge [sflag:s17], $0x4000  }
0x2e: {  	[sflag:s17] =	ssyncset.done $0x0  }
0x2f: {  	[sflag:s17] =	ssyncadd.s32 $0xFFFFC000  }
0x30: {  	[spmem:s8] =	stream.linear.scatter [tilespmem:s16], [sflag:$0x5], $0x4000, $0x38;
	[tilespmem:$0x1E400] =	vst v63  }
0x31: {  	_ =	swait.ge [sflag:s17], $0x4000  }
0x32: {  	[sflag:s17] =	ssyncset.done $0x0  }
0x33: {  	[sflag:s17] =	ssyncadd.s32 $0xFFFFC000  }
0x34: {  	[spmem:s9] =	stream.linear.scatter [tilespmem:s16], [sflag:$0x5], $0x3C00, $0x38;
	[tilespmem:$0x1E400] =	vst v63  }
0x35: {  	_ =	swait.ge [sflag:s17], $0x3C00  }
0x36: {  	[sflag:s17] =	ssyncset.done $0x0  }
0x37: {  	[sflag:s17] =	ssyncadd.s32 $0xFFFFC400  }
0x38: {  	s29 =	simm.s32 $0x0;
	[bflag:$0x0] =	sbarrier.arrive $0xFFFF  }
0x39: {  	[tilespmem:s29], [sflag:$0x5] =	stream.linear.gather [hbm4b:s10+s29], $0x1400, $0x38;
	[tilespmem:$0x1E400] =	vst v63  }
0x3a: {  	_ =	swait.ge [sflag:s17], $0x1400  }
0x3b: {  	[sflag:s17] =	ssyncset.done $0x0  }
0x3c: {  	[sflag:s17] =	ssyncadd.s32 $0xFFFFEC00  }
0x3d: {  	[tilespmem:s18], [sflag:$0x5] =	stream.linear.gather [hbm4b:s11+s29], $0x1400, $0x38;
	[tilespmem:$0x1E400] =	vst v63  }
0x3e: {  	_ =	swait.ge [sflag:s17], $0x1400  }
0x3f: {  	[sflag:s17] =	ssyncset.done $0x0  }
0x40: {  	[sflag:s17] =	ssyncadd.s32 $0xFFFFEC00  }
0x41: {  	[tilespmem:s16], [sflag:$0x1] =	stream.indirect.gather [hbm4b:s1+s19], $0x80, s29, s19, $0xb8;
	[tilespmem:$0x1E400] =	vst v63  }
0x42: {  	s29 =	simm.s32 $0x80  }
0x43: {  	[tilespmem:s20], [sflag:$0x2] =	stream.indirect.gather [hbm4b:s1+s19], $0x80, s29, s19, $0xb8;
	[tilespmem:$0x1E400] =	vst v63  }
0x44: {  	_ =	swait.ge [sflag:s21], $0x4000  }
0x45: {  	[sflag:s21] =	ssyncset.done $0x0  }
0x46: {  	s29 =	simm.s32 $0x1400;
	[sflag:s21] =	ssyncadd.s32 $0xFFFFC000  }
0x47: {  	[spmem:s2] =	stream.indirect.scatter.add.f32 [tilespmem:s16], [sflag:$0x3], $0x80, s29, s19, $0xb8;
	[tilespmem:$0x1E400] =	vst v63  }
0x48: {  	_ =	swait.ge [sflag:s22], $0x4000  }
0x49: {  	[sflag:s22] =	ssyncset.done $0x0  }
0x4a: {  	s29 =	simm.s32 $0x1480;
	[sflag:s22] =	ssyncadd.s32 $0xFFFFC000  }
0x4b: {  	[spmem:s2] =	stream.indirect.scatter.add.f32 [tilespmem:s20], [sflag:$0x4], $0x80, s29, s19, $0xb8;
	[tilespmem:$0x1E400] =	vst v63  }
0x4c: {  	_ =	swait.ge [sflag:s23], $0x4000  }
0x4d: {  	[sflag:s23] =	ssyncset.done $0x0  }
0x4e: {  	s29 =	simm.s32 $0x100;
	[sflag:s23] =	ssyncadd.s32 $0xFFFFC000  }
0x4f: {  	[tilespmem:s16], [sflag:$0x1] =	stream.indirect.gather [hbm4b:s1+s19], $0x80, s29, s19, $0xb8;
	[tilespmem:$0x1E400] =	vst v63  }
0x50: {  	_ =	swait.ge [sflag:s24], $0x4000  }
0x51: {  	s30 =	simm.s32 $0x800;
	s29 =	simm.s32 $0x100;
	[sflag:s24] =	ssyncset.done $0x0  }
.LBB2_4:
0x52: {  	s31 =	sadd.s32 $0x80, s29  }
0x53: {  	[sflag:s24] =	ssyncadd.s32 $0xFFFFC000;
	s0 =	smov.u32 s30;
	s3 =	sadd.s32 $0x400, s30  }
0x54: {  	[tilespmem:s20], [sflag:$0x2] =	stream.indirect.gather [hbm4b:s1+s19], $0x80, s31, s19, $0xb8;
	[tilespmem:$0x1E400] =	vst v63  }
0x55: {  	p0 =	sne.s32 s30, $0x4800;
	_ =	swait.ge [sflag:s21], $0x4000  }
0x56: {  	[sflag:s21] =	ssyncset.done $0x0  }
0x57: {  	s30 =	sadd.s32 $0x1400, s29;
	[sflag:s21] =	ssyncadd.s32 $0xFFFFC000  }
0x58: {  	[spmem:s2] =	stream.indirect.scatter.add.f32 [tilespmem:s16], [sflag:$0x3], $0x80, s30, s19, $0xb8;
	[tilespmem:$0x1E400] =	vst v63  }
0x59: {  	_ =	swait.ge [sflag:s22], $0x4000  }
0x5a: {  	[sflag:s22] =	ssyncset.done $0x0  }
0x5b: {  	s30 =	sadd.s32 $0x1480, s29;
	[sflag:s22] =	ssyncadd.s32 $0xFFFFC000  }
0x5c: {  	[spmem:s2] =	stream.indirect.scatter.add.f32 [tilespmem:s20], [sflag:$0x4], $0x80, s30, s19, $0xb8;
	[tilespmem:$0x1E400] =	vst v63  }
0x5d: {  	_ =	swait.ge [sflag:s23], $0x4000  }
.Ltmp1:
0x5e: {  	[sflag:s23] =	ssyncset.done $0x0;
	(pc) =	sbr.rel @p0 .LBB2_4-.Ltmp1, $4  }
0x5f: {  	s29 =	sadd.s32 $0x100, s29;
	[sflag:s23] =	ssyncadd.s32 $0xFFFFC000  }
0x60: {  	[tilespmem:s16], [sflag:$0x1] =	stream.indirect.gather [hbm4b:s1+s19], $0x80, s29, s19, $0xb8;
	[tilespmem:$0x1E400] =	vst v63  }
0x61: {  	_ =	swait.ge [sflag:s24], $0x4000  }
0x62: {  	s30 =	smov.u32 s3;
	s29 =	sshra.s32 s0, $0x2;
	[sflag:s24] =	ssyncset.done $0x0  }
0x63: {  	s0 =	sadd.s32 $0x80, s29;
	[sflag:s24] =	ssyncadd.s32 $0xFFFFC000  }
0x64: {  	[tilespmem:s20], [sflag:$0x2] =	stream.indirect.gather [hbm4b:s1+s19], $0x80, s0, s19, $0xb8;
	[tilespmem:$0x1E400] =	vst v63  }
0x65: {  	_ =	swait.ge [sflag:s21], $0x4000  }
0x66: {  	[sflag:s21] =	ssyncset.done $0x0  }
0x67: {  	s3 =	sadd.s32 $0x1400, s29;
	[sflag:s21] =	ssyncadd.s32 $0xFFFFC000  }
0x68: {  	[spmem:s2] =	stream.indirect.scatter.add.f32 [tilespmem:s16], [sflag:$0x3], $0x80, s3, s19, $0xb8;
	[tilespmem:$0x1E400] =	vst v63  }
0x69: {  	_ =	swait.ge [sflag:s22], $0x4000  }
0x6a: {  	[sflag:s22] =	ssyncset.done $0x0  }
0x6b: {  	s31 =	sadd.s32 $0x1480, s29;
	[sflag:s22] =	ssyncadd.s32 $0xFFFFC000  }
0x6c: {  	[spmem:s2] =	stream.indirect.scatter.add.f32 [tilespmem:s20], [sflag:$0x4], $0x80, s31, s19, $0xb8;
	[tilespmem:$0x1E400] =	vst v63  }
0x6d: {  	_ =	swait.ge [sflag:s23], $0x4000  }
0x6e: {  	[sflag:s23] =	ssyncset.done $0x0  }
0x6f: {  	s3 =	sadd.s32 $0x100, s29;
	[sflag:s23] =	ssyncadd.s32 $0xFFFFC000  }
0x70: {  	[tilespmem:s16], [sflag:$0x1] =	stream.indirect.gather [hbm4b:s1+s19], $0x80, s3, s19, $0xb8;
	[tilespmem:$0x1E400] =	vst v63  }
0x71: {  	_ =	swait.ge [sflag:s24], $0x4000  }
0x72: {  	[sflag:s24] =	ssyncset.done $0x0  }
0x73: {  	[sflag:s24] =	ssyncadd.s32 $0xFFFFC000  }
0x74: {  	[tilespmem:s20], [sflag:$0x2] =	stream.indirect.gather [hbm4b:s1+s19], $0x80, s25, s19, $0xb8;
	[tilespmem:$0x1E400] =	vst v63  }
0x75: {  	_ =	swait.ge [sflag:s21], $0x4000  }
0x76: {  	[sflag:s21] =	ssyncset.done $0x0  }
0x77: {  	[sflag:s21] =	ssyncadd.s32 $0xFFFFC000  }
0x78: {  	[spmem:s2] =	stream.indirect.scatter.add.f32 [tilespmem:s16], [sflag:$0x3], $0x80, s26, s19, $0xb8;
	[tilespmem:$0x1E400] =	vst v63  }
0x79: {  	_ =	swait.ge [sflag:s22], $0x4000  }
0x7a: {  	[sflag:s22] =	ssyncset.done $0x0  }
0x7b: {  	[sflag:s22] =	ssyncadd.s32 $0xFFFFC000  }
0x7c: {  	[spmem:s2] =	stream.indirect.scatter.add.f32 [tilespmem:s20], [sflag:$0x4], $0x80, s28, s19, $0xb8;
	[tilespmem:$0x1E400] =	vst v63  }
0x7d: {  	_ =	swait.ge [sflag:s23], $0x4000  }
0x7e: {  	[sflag:s23] =	ssyncset.done $0x0  }
0x7f: {  	[sflag:s23] =	ssyncadd.s32 $0xFFFFC000  }
0x80: {  	_ =	swait.ge [sflag:s24], $0x4000  }
0x81: {  	[sflag:s24] =	ssyncset.done $0x0  }
0x82: {  	s31 =	simm.s32 $0x0;
	[sflag:s24] =	ssyncadd.s32 $0xFFFFC000  }
0x83: {  	[tilespmem:s31], [sflag:$0x5] =	stream.linear.gather [hbm4b:s12+s31], $0x1400, $0x38;
	[tilespmem:$0x1E400] =	vst v63  }
0x84: {  	_ =	swait.ge [sflag:s17], $0x1400  }
0x85: {  	[sflag:s17] =	ssyncset.done $0x0  }
0x86: {  	[sflag:s17] =	ssyncadd.s32 $0xFFFFEC00  }
0x87: {  	[tilespmem:s18], [sflag:$0x5] =	stream.linear.gather [hbm4b:s13+s31], $0x1400, $0x38;
	[tilespmem:$0x1E400] =	vst v63  }
0x88: {  	_ =	swait.ge [sflag:s17], $0x1400  }
0x89: {  	[sflag:s17] =	ssyncset.done $0x0  }
0x8a: {  	[sflag:s17] =	ssyncadd.s32 $0xFFFFEC00  }
0x8b: {  	[tilespmem:s16], [sflag:$0x1] =	stream.indirect.gather [hbm4b:s1+s19], $0x80, s31, s19, $0xb8;
	[tilespmem:$0x1E400] =	vst v63  }
0x8c: {  	s3 =	simm.s32 $0x80  }
0x8d: {  	[tilespmem:s20], [sflag:$0x2] =	stream.indirect.gather [hbm4b:s1+s19], $0x80, s3, s19, $0xb8;
	[tilespmem:$0x1E400] =	vst v63  }
0x8e: {  	_ =	swait.ge [sflag:s21], $0x4000  }
0x8f: {  	[sflag:s21] =	ssyncset.done $0x0  }
0x90: {  	s31 =	simm.s32 $0x1400;
	[sflag:s21] =	ssyncadd.s32 $0xFFFFC000  }
0x91: {  	[spmem:s2] =	stream.indirect.scatter.add.f32 [tilespmem:s16], [sflag:$0x3], $0x80, s31, s19, $0xb8;
	[tilespmem:$0x1E400] =	vst v63  }
0x92: {  	_ =	swait.ge [sflag:s22], $0x4000  }
0x93: {  	[sflag:s22] =	ssyncset.done $0x0  }
0x94: {  	s3 =	simm.s32 $0x1480;
	[sflag:s22] =	ssyncadd.s32 $0xFFFFC000  }
0x95: {  	[spmem:s2] =	stream.indirect.scatter.add.f32 [tilespmem:s20], [sflag:$0x4], $0x80, s3, s19, $0xb8;
	[tilespmem:$0x1E400] =	vst v63  }
0x96: {  	_ =	swait.ge [sflag:s23], $0x4000  }
0x97: {  	[sflag:s23] =	ssyncset.done $0x0  }
0x98: {  	s31 =	simm.s32 $0x100;
	[sflag:s23] =	ssyncadd.s32 $0xFFFFC000  }
0x99: {  	[tilespmem:s16], [sflag:$0x1] =	stream.indirect.gather [hbm4b:s1+s19], $0x80, s31, s19, $0xb8;
	[tilespmem:$0x1E400] =	vst v63  }
0x9a: {  	_ =	swait.ge [sflag:s24], $0x4000  }
0x9b: {  	s30 =	simm.s32 $0x800;
	s29 =	simm.s32 $0x100;
	[sflag:s24] =	ssyncset.done $0x0  }
.LBB2_6:
0x9c: {  	s0 =	sadd.s32 $0x80, s29  }
0x9d: {  	[sflag:s24] =	ssyncadd.s32 $0xFFFFC000;
	s3 =	smov.u32 s30;
	s31 =	sadd.s32 $0x400, s30  }
0x9e: {  	[tilespmem:s20], [sflag:$0x2] =	stream.indirect.gather [hbm4b:s1+s19], $0x80, s0, s19, $0xb8;
	[tilespmem:$0x1E400] =	vst v63  }
0x9f: {  	p0 =	sne.s32 s30, $0x4800;
	_ =	swait.ge [sflag:s21], $0x4000  }
0xa0: {  	[sflag:s21] =	ssyncset.done $0x0  }
0xa1: {  	s0 =	sadd.s32 $0x1400, s29;
	[sflag:s21] =	ssyncadd.s32 $0xFFFFC000  }
0xa2: {  	[spmem:s2] =	stream.indirect.scatter.add.f32 [tilespmem:s16], [sflag:$0x3], $0x80, s0, s19, $0xb8;
	[tilespmem:$0x1E400] =	vst v63  }
0xa3: {  	_ =	swait.ge [sflag:s22], $0x4000  }
0xa4: {  	[sflag:s22] =	ssyncset.done $0x0  }
0xa5: {  	s0 =	sadd.s32 $0x1480, s29;
	[sflag:s22] =	ssyncadd.s32 $0xFFFFC000  }
0xa6: {  	[spmem:s2] =	stream.indirect.scatter.add.f32 [tilespmem:s20], [sflag:$0x4], $0x80, s0, s19, $0xb8;
	[tilespmem:$0x1E400] =	vst v63  }
0xa7: {  	_ =	swait.ge [sflag:s23], $0x4000  }
.Ltmp2:
0xa8: {  	[sflag:s23] =	ssyncset.done $0x0;
	(pc) =	sbr.rel @p0 .LBB2_6-.Ltmp2, $4  }
0xa9: {  	s0 =	sadd.s32 $0x100, s29;
	[sflag:s23] =	ssyncadd.s32 $0xFFFFC000  }
0xaa: {  	[tilespmem:s16], [sflag:$0x1] =	stream.indirect.gather [hbm4b:s1+s19], $0x80, s0, s19, $0xb8;
	[tilespmem:$0x1E400] =	vst v63  }
0xab: {  	_ =	swait.ge [sflag:s24], $0x4000  }
0xac: {  	s30 =	smov.u32 s31;
	s29 =	sshra.s32 s3, $0x2;
	[sflag:s24] =	ssyncset.done $0x0  }
0xad: {  	s0 =	sadd.s32 $0x80, s29;
	[sflag:s24] =	ssyncadd.s32 $0xFFFFC000  }
0xae: {  	[tilespmem:s20], [sflag:$0x2] =	stream.indirect.gather [hbm4b:s1+s19], $0x80, s0, s19, $0xb8;
	[tilespmem:$0x1E400] =	vst v63  }
0xaf: {  	_ =	swait.ge [sflag:s21], $0x4000  }
0xb0: {  	[sflag:s21] =	ssyncset.done $0x0  }
0xb1: {  	s31 =	sadd.s32 $0x1400, s29;
	[sflag:s21] =	ssyncadd.s32 $0xFFFFC000  }
0xb2: {  	[spmem:s2] =	stream.indirect.scatter.add.f32 [tilespmem:s16], [sflag:$0x3], $0x80, s31, s19, $0xb8;
	[tilespmem:$0x1E400] =	vst v63  }
0xb3: {  	_ =	swait.ge [sflag:s22], $0x4000  }
0xb4: {  	[sflag:s22] =	ssyncset.done $0x0  }
0xb5: {  	s3 =	sadd.s32 $0x1480, s29;
	[sflag:s22] =	ssyncadd.s32 $0xFFFFC000  }
0xb6: {  	[spmem:s2] =	stream.indirect.scatter.add.f32 [tilespmem:s20], [sflag:$0x4], $0x80, s3, s19, $0xb8;
	[tilespmem:$0x1E400] =	vst v63  }
0xb7: {  	_ =	swait.ge [sflag:s23], $0x4000  }
0xb8: {  	[sflag:s23] =	ssyncset.done $0x0  }
0xb9: {  	s30 =	sadd.s32 $0x100, s29;
	[sflag:s23] =	ssyncadd.s32 $0xFFFFC000  }
0xba: {  	[tilespmem:s16], [sflag:$0x1] =	stream.indirect.gather [hbm4b:s1+s19], $0x80, s30, s19, $0xb8;
	[tilespmem:$0x1E400] =	vst v63  }
0xbb: {  	_ =	swait.ge [sflag:s24], $0x4000  }
0xbc: {  	[sflag:s24] =	ssyncset.done $0x0  }
0xbd: {  	[sflag:s24] =	ssyncadd.s32 $0xFFFFC000  }
0xbe: {  	[tilespmem:s20], [sflag:$0x2] =	stream.indirect.gather [hbm4b:s1+s19], $0x80, s25, s19, $0xb8;
	[tilespmem:$0x1E400] =	vst v63  }
0xbf: {  	_ =	swait.ge [sflag:s21], $0x4000  }
0xc0: {  	[sflag:s21] =	ssyncset.done $0x0  }
0xc1: {  	[sflag:s21] =	ssyncadd.s32 $0xFFFFC000  }
0xc2: {  	[spmem:s2] =	stream.indirect.scatter.add.f32 [tilespmem:s16], [sflag:$0x3], $0x80, s26, s19, $0xb8;
	[tilespmem:$0x1E400] =	vst v63  }
0xc3: {  	_ =	swait.ge [sflag:s22], $0x4000  }
0xc4: {  	[sflag:s22] =	ssyncset.done $0x0  }
0xc5: {  	[sflag:s22] =	ssyncadd.s32 $0xFFFFC000  }
0xc6: {  	[spmem:s2] =	stream.indirect.scatter.add.f32 [tilespmem:s20], [sflag:$0x4], $0x80, s28, s19, $0xb8;
	[tilespmem:$0x1E400] =	vst v63  }
0xc7: {  	_ =	swait.ge [sflag:s23], $0x4000  }
0xc8: {  	[sflag:s23] =	ssyncset.done $0x0  }
0xc9: {  	[sflag:s23] =	ssyncadd.s32 $0xFFFFC000  }
0xca: {  	s31 =	stileid.u32;
	_ =	swait.ge [sflag:s24], $0x4000  }
0xcb: {  	s4 =	sadd.s32 $0x1, s4;
	s0 =	sshll.u32 s31, $0x6;
	[sflag:s24] =	ssyncset.done $0x0  }
0xcc: {  	p0 =	sne.s32 s4, s15;
	s0 =	sor.u32 $0x1C05, s0;
	[sflag:s24] =	ssyncadd.s32 $0xFFFFC000  }
.Ltmp3:
0xcd: {  	s3 =	sshrl.u32 s5, $0x3;
	[bflag:$0x0] =	sbarrier.arrive $0xFFFF;
	(pc) =	sbr.rel @p0 .LBB2_1-.Ltmp3, $4  }
0xce: {  	[hbm:s14], [sflag:s0] =	dma.local [spmem:s3], $0x2780  }
0xcf: {  	_ =	swait.ge [sflag:s17], $0x2780  }
0xd0: {  	[sflag:s17] =	ssyncset.done $0x0  }
0xd1: {  	[sflag:s17] =	ssyncadd.s32 $0xFFFFD880  }
0xd2: {  	_ =	sfence.sel $0x180000  }
0xd3: {  	[bflag:$0x0] =	sbarrier.arrive $0xFFFF  }
0xd4: {  	_ =	strace $0x90000047  }
0xd5: {  	s0 =	stileid.u32;
	[bflag:$0x2] =	sbarrier.arrive $0xFFFF  }
0xd6: {  	p0 =	sne.s32 s0, $0x0;
	s0 =	rddreg [dreg:$0x3]  }
0xd7: {  	s0 =	sadd.s32 @!p0 $0x100000, s0  }
0xd8: {  	[sflag:s0] =	ssyncadd.tile.s32 @!p0 $0x1;
	_ =	shalt  }
.Lfunc_end2:
_tile_overlayer_lowered:
.L_overlay_start_2:
0xd9: {  	(tag) =	ssettag $0x2  }
0xda: {  	s0 =	rddreg [dreg:$0x0];
	s2 =	stileid.u32  }
0xdb: {  	s1 =	rddreg [dreg:$0x1];
	p0 =	sne.s32 s2, $0x0  }
0xdc: {  	s3 =	rddreg [dreg:$0x2];
	[bflag:$0x3] =	sbarrier.arrive $0xFFFF;
	s2 =	simm.s32 @!p0 $0x1C05  }
0xdd: {  	[timem:s3], [sflag:s2] =	dma.local @!p0 [hbm:s0], s1  }
0xde: {  	s0 =	simm.s32 @!p0 $0x5  }
0xdf: {  	_ =	swait.ge @!p0 [sflag:s0], s1  }
0xe0: {  	s1 =	ssub.s32 @!p0 $0x0, s1;
	[sflag:s0] =	ssyncset.done @!p0 $0x0  }
0xe1: {  	[sflag:s0] =	ssyncadd.s32 @!p0 s1  }
0xe2: {  	[bflag:$0x3] =	sbarrier.arrive $0xFFFF  }
0xe3: {  	_ =	shalt  }

</sc_bundles>
